<compile_context>
chip_gen: v7x
topology: tpu7x:2x2x1
jax: 0.10.2.dev20260603
libtpu: 0.0.44.dev20260713+nightly
codegen_flags: <defaults>
</compile_context>

<pallas_src>
import functools
import math

import jax
import jax.numpy as jnp
from jax import lax
from jax.experimental import pallas as pl
from jax.experimental.pallas import tpu as pltpu
from jax.experimental.pallas import tpu_sc as plsc

N = 10000
E = 320000
D = 128
MSG = 16
TD = 32
H = 4
C = 32
HC = H * C
EDGE_DIM = MSG + TD

_SC_INFO = plsc.get_sparse_core_info()
NC = _SC_INFO.num_cores
NS = _SC_INFO.num_subcores
NW = NC * NS
CH = 128
NCHUNKS = E // CH
CPW = -(-NCHUNKS // NW)
NPAD = 10240
ROWS_PER_TILE = NPAD // NS

_mesh = plsc.VectorSubcoreMesh(core_axis_name="c", subcore_axis_name="s")

BN = 2000
BE = 2000



def _proj_body_l1(x_ref, lu_ref, wq_ref, bq_ref, wk_ref, bk_ref, wv_ref,
                  bv_ref, ws_ref, bs_ref, xq_o, xkv_o, xs_o):
    x = x_ref[...]
    xq_o[...] = jnp.dot(x, wq_ref[...], preferred_element_type=jnp.float32) + bq_ref[...]
    xkv_o[:, :HC] = jnp.dot(x, wk_ref[...], preferred_element_type=jnp.float32) + bk_ref[...]
    xkv_o[:, HC:2 * HC] = jnp.dot(x, wv_ref[...], preferred_element_type=jnp.float32) + bv_ref[...]
    xkv_o[:, 2 * HC:] = jnp.broadcast_to(lu_ref[...], (x.shape[0], HC))
    xs_o[...] = jnp.dot(x, ws_ref[...], preferred_element_type=jnp.float32) + bs_ref[...]


def _proj_body_l2(x_ref, wq_ref, bq_ref, wk_ref, bk_ref, wv_ref, bv_ref,
                  ws_ref, bs_ref, xq_o, xkv_o, xs_o):
    x = x_ref[...]
    xq_o[...] = jnp.dot(x, wq_ref[...], preferred_element_type=jnp.float32) + bq_ref[...]
    xkv_o[:, :HC] = jnp.dot(x, wk_ref[...], preferred_element_type=jnp.float32) + bk_ref[...]
    xkv_o[:, HC:] = jnp.dot(x, wv_ref[...], preferred_element_type=jnp.float32) + bv_ref[...]
    xs_o[...] = jnp.dot(x, ws_ref[...], preferred_element_type=jnp.float32) + bs_ref[...]


def _head_onehot():
    lane_head = jax.lax.broadcasted_iota(jnp.int32, (HC, H), 0) // C
    head = jax.lax.broadcasted_iota(jnp.int32, (HC, H), 1)
    return (lane_head == head).astype(jnp.float32)


def _head_onehot_t():
    lane_head = jax.lax.broadcasted_iota(jnp.int32, (H, HC), 1) // C
    head = jax.lax.broadcasted_iota(jnp.int32, (H, HC), 0)
    return (lane_head == head).astype(jnp.float32)


def _edge_math(q, k, v, rel, msg, tw, tb, we):
    enc = jnp.cos(rel * tw + tb)
    attr = jnp.concatenate([enc, msg], axis=1)
    e = jnp.dot(attr, we, preferred_element_type=jnp.float32)
    k = k + e
    v = v + e
    alpha = jnp.dot(q * k, _head_onehot(),
                    preferred_element_type=jnp.float32) * (1.0 / math.sqrt(C))
    w = jnp.exp(alpha)
    wb = jnp.dot(w, _head_onehot_t(), preferred_element_type=jnp.float32)
    return v * wb, wb


def _edge_body_l1(q_ref, kvlu_ref, t_ref, msg_ref, tw_ref, tb_ref, we_ref,
                  wv_o, wb_o, rel_o):
    rel = kvlu_ref[:, 2 * HC:2 * HC + 1] - t_ref[...]
    wv, wb = _edge_math(q_ref[...], kvlu_ref[:, :HC], kvlu_ref[:, HC:2 * HC],
                        rel, msg_ref[...], tw_ref[...], tb_ref[...], we_ref[...])
    wv_o[...] = wv
    wb_o[...] = wb
    rel_o[...] = rel


def _edge_body_l2(q_ref, kv_ref, rel_ref, msg_ref, tw_ref, tb_ref, we_ref,
                  wv_o, wb_o):
    wv, wb = _edge_math(q_ref[...], kv_ref[:, :HC], kv_ref[:, HC:],
                        rel_ref[...], msg_ref[...], tw_ref[...], tb_ref[...],
                        we_ref[...])
    wv_o[...] = wv
    wb_o[...] = wb


def _combine_body(acc_ref, xs_ref, out_ref):
    num = acc_ref[0]
    den = acc_ref[1]
    out_ref[...] = num / (den + 1e-16) + xs_ref[...]


def _full(shape):
    return pl.BlockSpec(shape, lambda i: (0,) * len(shape))


def _tc_proj_l1(x, lu, wq, bq, wk, bk, wv, bv, ws, bs):
    return pl.pallas_call(
        _proj_body_l1,
        grid=(N // BN,),
        in_specs=[pl.BlockSpec((BN, D), lambda i: (i, 0)),
                  pl.BlockSpec((BN, 1), lambda i: (i, 0)),
                  _full((D, HC)), _full((1, HC)), _full((D, HC)), _full((1, HC)),
                  _full((D, HC)), _full((1, HC)), _full((D, HC)), _full((1, HC))],
        out_specs=[pl.BlockSpec((BN, HC), lambda i: (i, 0)),
                   pl.BlockSpec((BN, 3 * HC), lambda i: (i, 0)),
                   pl.BlockSpec((BN, HC), lambda i: (i, 0))],
        out_shape=[jax.ShapeDtypeStruct((N, HC), jnp.float32),
                   jax.ShapeDtypeStruct((N, 3 * HC), jnp.float32),
                   jax.ShapeDtypeStruct((N, HC), jnp.float32)],
    )(x, lu.reshape(N, 1), wq, bq.reshape(1, HC), wk, bk.reshape(1, HC),
      wv, bv.reshape(1, HC), ws, bs.reshape(1, HC))


def _tc_proj_l2(x, wq, bq, wk, bk, wv, bv, ws, bs):
    return pl.pallas_call(
        _proj_body_l2,
        grid=(N // BN,),
        in_specs=[pl.BlockSpec((BN, D), lambda i: (i, 0)),
                  _full((D, HC)), _full((1, HC)), _full((D, HC)), _full((1, HC)),
                  _full((D, HC)), _full((1, HC)), _full((D, HC)), _full((1, HC))],
        out_specs=[pl.BlockSpec((BN, HC), lambda i: (i, 0)),
                   pl.BlockSpec((BN, 2 * HC), lambda i: (i, 0)),
                   pl.BlockSpec((BN, HC), lambda i: (i, 0))],
        out_shape=[jax.ShapeDtypeStruct((N, HC), jnp.float32),
                   jax.ShapeDtypeStruct((N, 2 * HC), jnp.float32),
                   jax.ShapeDtypeStruct((N, HC), jnp.float32)],
    )(x, wq, bq.reshape(1, HC), wk, bk.reshape(1, HC), wv, bv.reshape(1, HC),
      ws, bs.reshape(1, HC))


def _tc_edge_l1(q_rows, kvlu_rows, t, msg, time_w, time_b, e_w):
    return pl.pallas_call(
        _edge_body_l1,
        grid=(E // BE,),
        in_specs=[pl.BlockSpec((BE, HC), lambda i: (i, 0)),
                  pl.BlockSpec((BE, 3 * HC), lambda i: (i, 0)),
                  pl.BlockSpec((BE, 1), lambda i: (i, 0)),
                  pl.BlockSpec((BE, MSG), lambda i: (i, 0)),
                  _full((1, TD)), _full((1, TD)), _full((EDGE_DIM, HC))],
        out_specs=[pl.BlockSpec((BE, HC), lambda i: (i, 0)),
                   pl.BlockSpec((BE, HC), lambda i: (i, 0)),
                   pl.BlockSpec((BE, 1), lambda i: (i, 0))],
        out_shape=[jax.ShapeDtypeStruct((E, HC), jnp.float32),
                   jax.ShapeDtypeStruct((E, HC), jnp.float32),
                   jax.ShapeDtypeStruct((E, 1), jnp.float32)],
    )(q_rows, kvlu_rows, t.reshape(E, 1), msg,
      time_w.reshape(1, TD), time_b.reshape(1, TD), e_w)


def _tc_edge_l2(q_rows, kv_rows, rel, msg, time_w, time_b, e_w):
    return pl.pallas_call(
        _edge_body_l2,
        grid=(E // BE,),
        in_specs=[pl.BlockSpec((BE, HC), lambda i: (i, 0)),
                  pl.BlockSpec((BE, 2 * HC), lambda i: (i, 0)),
                  pl.BlockSpec((BE, 1), lambda i: (i, 0)),
                  pl.BlockSpec((BE, MSG), lambda i: (i, 0)),
                  _full((1, TD)), _full((1, TD)), _full((EDGE_DIM, HC))],
        out_specs=[pl.BlockSpec((BE, HC), lambda i: (i, 0)),
                   pl.BlockSpec((BE, HC), lambda i: (i, 0))],
        out_shape=[jax.ShapeDtypeStruct((E, HC), jnp.float32),
                   jax.ShapeDtypeStruct((E, HC), jnp.float32)],
    )(q_rows, kv_rows, rel, msg,
      time_w.reshape(1, TD), time_b.reshape(1, TD), e_w)


def _tc_combine(acc, xs):
    return pl.pallas_call(
        _combine_body,
        grid=(N // BN,),
        in_specs=[pl.BlockSpec((NC, BN, HC), lambda i: (0, i, 0)),
                  pl.BlockSpec((BN, HC), lambda i: (i, 0))],
        out_specs=pl.BlockSpec((BN, HC), lambda i: (i, 0)),
        out_shape=jax.ShapeDtypeStruct((N, HC), jnp.float32),
    )(acc, xs)




def _gather_body(xq_hbm, xkv_hbm, dst_hbm, src_hbm,
                 qo_hbm, kvo_hbm,
                 dsti, srci, qbuf, kvbuf, sem1, sem2):
    wid = lax.axis_index("s") * NC + lax.axis_index("c")

    def body(i, carry):
        g = wid + i * NW

        @pl.when(g < NCHUNKS)
        def _():
            base = g * CH
            pltpu.sync_copy(dst_hbm.at[pl.ds(base, CH)], dsti)
            pltpu.sync_copy(src_hbm.at[pl.ds(base, CH)], srci)
            cp1 = pltpu.async_copy(xq_hbm.at[dsti], qbuf, sem1)
            cp2 = pltpu.async_copy(xkv_hbm.at[srci], kvbuf, sem2)
            cp1.wait()
            cp2.wait()
            pltpu.sync_copy(qbuf, qo_hbm.at[pl.ds(base, CH)])
            pltpu.sync_copy(kvbuf, kvo_hbm.at[pl.ds(base, CH)])

        return carry

    lax.fori_loop(0, CPW, body, 0)


def _make_sc_gather(kv_width):
    return functools.partial(
        pl.kernel,
        _gather_body,
        out_type=[jax.ShapeDtypeStruct((E, HC), jnp.float32),
                  jax.ShapeDtypeStruct((E, kv_width), jnp.float32)],
        mesh=_mesh,
        scratch_types=[pltpu.VMEM((CH,), jnp.int32),
                       pltpu.VMEM((CH,), jnp.int32),
                       pltpu.VMEM((CH, HC), jnp.float32),
                       pltpu.VMEM((CH, kv_width), jnp.float32),
                       pltpu.SemaphoreType.DMA,
                       pltpu.SemaphoreType.DMA],
    )()


_sc_gather_l1 = _make_sc_gather(3 * HC)
_sc_gather_l2 = _make_sc_gather(2 * HC)


CPT = -(-NCHUNKS // NS)


def _scatter_body(wv_hbm, wb_hbm, dst_hbm, zeros_hbm, out_hbm, idxb, rowb, acc):
    c = lax.axis_index("c")
    s = lax.axis_index("s")
    r0 = s * ROWS_PER_TILE
    pltpu.sync_copy(zeros_hbm.at[pl.ds(r0, ROWS_PER_TILE)],
                    acc.at[pl.ds(r0, ROWS_PER_TILE)])
    plsc.subcore_barrier()

    def run(rows_hbm):
        def body(i, carry):
            g = s * CPT + i

            @pl.when(g < NCHUNKS)
            def _():
                base = g * CH
                pltpu.sync_copy(dst_hbm.at[pl.ds(base, CH)], idxb.at[0])
                pltpu.sync_copy(rows_hbm.at[pl.ds(base, CH)], rowb)
                pltpu.sync_copy(rowb, acc.at[idxb.at[0]], add=True)

            return carry

        lax.fori_loop(0, CPT, body, 0)

    @pl.when(c == 0)
    def _():
        run(wv_hbm)

    @pl.when(c == 1)
    def _():
        run(wb_hbm)

    plsc.subcore_barrier()
    pltpu.sync_copy(acc.at[pl.ds(r0, ROWS_PER_TILE)],
                    out_hbm.at[c].at[pl.ds(r0, ROWS_PER_TILE)])


_sc_scatter = functools.partial(
    pl.kernel,
    _scatter_body,
    out_type=jax.ShapeDtypeStruct((NC, NPAD, HC), jnp.float32),
    mesh=_mesh,
    scratch_types=[pltpu.VMEM((1, CH), jnp.int32),
                   pltpu.VMEM((CH, HC), jnp.float32),
                   pltpu.VMEM_SHARED((NPAD, HC), jnp.float32)],
)()




def kernel(x, last_update, edge_index, t, msg, time_w, time_b,
           q_w1, q_b1, k_w1, k_b1, v_w1, v_b1, e_w1, s_w1, s_b1,
           q_w2, q_b2, k_w2, k_b2, v_w2, v_b2, e_w2, s_w2, s_b2):
    src = edge_index[0].astype(jnp.int32)
    dst = edge_index[1].astype(jnp.int32)
    zeros = jnp.zeros((NPAD, HC), jnp.float32)

    xq, xkvlu, xs = _tc_proj_l1(x, last_update, q_w1, q_b1, k_w1, k_b1,
                                v_w1, v_b1, s_w1, s_b1)
    q_rows, kvlu_rows = _sc_gather_l1(xq, xkvlu, dst, src)
    wv, wb, rel = _tc_edge_l1(q_rows, kvlu_rows, t, msg, time_w, time_b, e_w1)
    acc = _sc_scatter(wv, wb, dst, zeros)
    h = _tc_combine(acc, xs)

    xq, xkv, xs = _tc_proj_l2(h, q_w2, q_b2, k_w2, k_b2, v_w2, v_b2, s_w2, s_b2)
    q_rows, kv_rows = _sc_gather_l2(xq, xkv, dst, src)
    wv, wb = _tc_edge_l2(q_rows, kv_rows, rel, msg, time_w, time_b, e_w2)
    acc = _sc_scatter(wv, wb, dst, zeros)
    return _tc_combine(acc, xs)

# --- scband reference (transcript-rebuilt; emitter-appended) ---
"""Pipeline reference for scband-graph-attention-embedding-78941498901092 (READ-ONLY COPY).

The authoritative reference and input builder live on the scoring server;
editing this copy changes nothing except your own understanding.
"""

import jax, jax.numpy as jnp
import numpy as np

N = 10000
E = 320000
D = 128
MSG = 16
TD = 32
H = 4
C = 32
HC = H * C
EDGE_DIM = MSG + TD


def transformer_conv(x, src, dst, edge_attr, Wq, bq, Wk, bk, Wv, bv, We, Ws, bs):
    # PyG TransformerConv (concat=True, root_weight=True, beta=False, eval mode -> dropout off)
    q = (x @ Wq + bq)[dst].reshape(-1, H, C)
    k = (x @ Wk + bk)[src].reshape(-1, H, C)
    v = (x @ Wv + bv)[src].reshape(-1, H, C)
    e = (edge_attr @ We).reshape(-1, H, C)
    k = k + e
    v = v + e
    alpha = (q * k).sum(-1) / jnp.sqrt(float(C))  # [E, H]
    amax = jax.ops.segment_max(alpha, dst, num_segments=N)
    amax = jnp.where(jnp.isfinite(amax), amax, 0.0)
    amax = jax.lax.stop_gradient(amax)
    ex = jnp.exp(alpha - amax[dst])
    denom = jax.ops.segment_sum(ex, dst, num_segments=N)
    a = ex / (denom[dst] + 1e-16)
    msg_out = (v * a[..., None]).reshape(-1, HC)
    agg = jax.ops.segment_sum(msg_out, dst, num_segments=N)
    return agg + (x @ Ws + bs)


def setup_inputs(seed: int = 0) -> dict:
    key = jax.random.key(seed)
    ks = jax.random.split(key, 32)
    inp = {}
    inp["x"] = jax.random.normal(ks[0], (N, D), dtype=jnp.float32)
    inp["last_update"] = jax.random.uniform(ks[1], (N,), dtype=jnp.float32)
    inp["edge_index"] = jax.random.randint(ks[2], (2, E), 0, N)
    inp["t"] = jax.random.uniform(ks[3], (E,), dtype=jnp.float32)
    inp["msg"] = jax.random.normal(ks[4], (E, MSG), dtype=jnp.float32)
    # TimeEncoder: Linear(1, TD) followed by cos
    inp["time_w"] = jax.random.normal(ks[5], (TD,), dtype=jnp.float32)
    inp["time_b"] = jax.random.normal(ks[6], (TD,), dtype=jnp.float32) * 0.1
    i = 7
    for layer in (1, 2):
        for nm, shape in [("q_w", (D, HC)), ("q_b", (HC,)), ("k_w", (D, HC)), ("k_b", (HC,)),
                          ("v_w", (D, HC)), ("v_b", (HC,)), ("e_w", (EDGE_DIM, HC)),
                          ("s_w", (D, HC)), ("s_b", (HC,))]:
            inp[nm + str(layer)] = jax.random.normal(ks[i], shape, dtype=jnp.float32) * 0.05
            i += 1
    return inp


def reference(x, last_update, edge_index, t, msg, time_w, time_b,
              q_w1, q_b1, k_w1, k_b1, v_w1, v_b1, e_w1, s_w1, s_b1,
              q_w2, q_b2, k_w2, k_b2, v_w2, v_b2, e_w2, s_w2, s_b2):
    src = edge_index[0]
    dst = edge_index[1]
    rel_t = last_update[src] - t
    rel_t_enc = jnp.cos(rel_t[:, None] * time_w[None, :] + time_b[None, :])
    edge_attr = jnp.concatenate([rel_t_enc, msg], axis=-1)
    h = transformer_conv(x, src, dst, edge_attr, q_w1, q_b1, k_w1, k_b1, v_w1, v_b1, e_w1, s_w1, s_b1)
    out = transformer_conv(h, src, dst, edge_attr, q_w2, q_b2, k_w2, k_b2, v_w2, v_b2, e_w2, s_w2, s_b2)
    return out

if __name__ == "__main__":
    import jax
    _d = setup_inputs()
    print(jax.jit(kernel)(*tuple(_d.values())))

</pallas_src>

<mosaic_0001>
#map = affine_map<(d0, d1) -> (0, 0)>
#map1 = affine_map<(d0, d1) -> (0)>
#map2 = affine_map<(d0, d1) -> (0, 0, 0)>
module attributes {stable_mosaic.version = 14 : i64} {
  func.func @_scatter_body(%arg0: i32, %arg1: i32, %arg2: memref<320000x128xf32, #tpu.memory_space<hbm>>, %arg3: memref<320000x128xf32, #tpu.memory_space<hbm>>, %arg4: memref<320000xi32, #tpu.memory_space<hbm>>, %arg5: memref<10240x128xf32, #tpu.memory_space<hbm>>, %arg6: memref<2x10240x128xf32, #tpu.memory_space<hbm>>, %arg7: memref<1x128xi32, #tpu.memory_space<vmem>>, %arg8: memref<128x128xf32, #tpu.memory_space<vmem>>, %arg9: memref<10240x128xf32, #tpu.memory_space<vmem_shared>>) attributes {dimension_semantics = [#tpu.dimension_semantics<core_parallel>, #tpu.dimension_semantics<subcore_parallel>], iteration_bounds = array<i64: 2, 16>, scalar_prefetch = 0 : i64, scratch_operands = 3 : i64, tpu.core_type = #tpu.core_type<sc_vector_subcore>, window_params = [{transform_indices = #map}, {transform_indices = #map}, {transform_indices = #map1}, {transform_indices = #map}, {transform_indices = #map2}]} {
    %mul3A = arith.constant 640 : i32
    %mul3A_0 = arith.muli %arg1, %mul3A : i32
    "tpu.region"() ({
      %run_scoped3A = tpu.sem_alloc : memref<!tpu.dma_semaphore, #tpu.memory_space<semaphore_mem>>
      %dma_start3A = arith.constant 0 : i32
      %dma_start3A_9 = tpu.memref_slice %arg9[%mul3A_0, %dma_start3A] : memref<10240x128xf32, #tpu.memory_space<vmem_shared>> -> memref<640x128xf32, #tpu.memory_space<vmem_shared>>
      %dma_start3A_10 = arith.constant 0 : i32
      %dma_start3A_11 = tpu.memref_slice %arg5[%mul3A_0, %dma_start3A_10] : memref<10240x128xf32, #tpu.memory_space<hbm>> -> memref<640x128xf32, #tpu.memory_space<hbm>>
      tpu.enqueue_dma source(%dma_start3A_11 : memref<640x128xf32, #tpu.memory_space<hbm>>) target(%dma_start3A_9 : memref<640x128xf32, #tpu.memory_space<vmem_shared>>) target_semaphore(%run_scoped3A : memref<!tpu.dma_semaphore, #tpu.memory_space<semaphore_mem>>)
      %dma_wait3A = arith.constant 0 : i32
      %dma_wait3A_12 = tpu.memref_slice %arg9[%mul3A_0, %dma_wait3A] : memref<10240x128xf32, #tpu.memory_space<vmem_shared>> -> memref<640x128xf32, #tpu.memory_space<vmem_shared>>
      %dma_wait3A_13 = arith.constant 0 : i32
      %dma_wait3A_14 = tpu.memref_slice %arg5[%mul3A_0, %dma_wait3A_13] : memref<10240x128xf32, #tpu.memory_space<hbm>> -> memref<640x128xf32, #tpu.memory_space<hbm>>
      tpu.wait_dma2 semaphore(%run_scoped3A : memref<!tpu.dma_semaphore, #tpu.memory_space<semaphore_mem>>) src(%dma_wait3A_14 : memref<640x128xf32, #tpu.memory_space<hbm>>) dst(%dma_wait3A_12 : memref<640x128xf32, #tpu.memory_space<vmem_shared>>)
      tpu.yield
    }) : () -> ()
    %barrier3A = arith.constant 0 : index
    tpu.barrier barrier_id(%barrier3A)
    %eq3A = arith.constant 0 : i32
    %eq3A_1 = arith.cmpi eq, %arg0, %eq3A : i32
    %convert_element_type3A = arith.extui %eq3A_1 : i1 to i32
    %cond3A = arith.constant 0 : i32
    %cond3A_2 = arith.cmpi ne, %convert_element_type3A, %cond3A : i32
    scf.if %cond3A_2 {
      %scan3A = arith.constant 0 : i32
      %scan3A_9 = arith.constant 0 : i32
      %scan3A_10 = arith.constant 157 : i32
      %scan3A_11 = arith.addi %scan3A_9, %scan3A_10 : i32
      %scan3A_12 = arith.constant 1 : i32
      scf.for %scan3A_14 = %scan3A_9 to %scan3A_11 step %scan3A_12  : i32 {
        %mul3A_15 = arith.constant 157 : i32
        %mul3A_16 = arith.muli %arg1, %mul3A_15 : i32
        %add3A = arith.addi %mul3A_16, %scan3A_14 : i32
        %lt3A = arith.constant 2500 : i32
        %lt3A_17 = arith.cmpi slt, %add3A, %lt3A : i32
        %convert_element_type3A_18 = arith.extui %lt3A_17 : i1 to i32
        %cond3A_19 = arith.constant 0 : i32
        %cond3A_20 = arith.cmpi ne, %convert_element_type3A_18, %cond3A_19 : i32
        scf.if %cond3A_20 {
          %mul3A_21 = arith.constant 128 : i32
          %mul3A_22 = arith.muli %add3A, %mul3A_21 : i32
          %run_scoped3A = arith.constant 0 : i32
          "tpu.region"() ({
            %run_scoped3A_24 = tpu.sem_alloc : memref<!tpu.dma_semaphore, #tpu.memory_space<semaphore_mem>>
            %dma_start3A = arith.constant 0 : i32
            %dma_start3A_25 = tpu.memref_slice %arg7[%run_scoped3A, %dma_start3A] : memref<1x128xi32, #tpu.memory_space<vmem>> -> memref<1x128xi32, #tpu.memory_space<vmem>>
            %dma_start3A_26 = tpu.memref_squeeze %dma_start3A_25 : memref<1x128xi32, #tpu.memory_space<vmem>> -> memref<128xi32, #tpu.memory_space<vmem>>
            %dma_start3A_27 = tpu.memref_slice %arg4[%mul3A_22] : memref<320000xi32, #tpu.memory_space<hbm>> -> memref<128xi32, #tpu.memory_space<hbm>>
            %dma_start3A_28 = arith.constant 0 : i32
            %dma_start3A_29 = tpu.memref_slice %arg7[%run_scoped3A, %dma_start3A_28] : memref<1x128xi32, #tpu.memory_space<vmem>> -> memref<1x128xi32, #tpu.memory_space<vmem>>
            %dma_start3A_30 = tpu.memref_squeeze %dma_start3A_29 : memref<1x128xi32, #tpu.memory_space<vmem>> -> memref<128xi32, #tpu.memory_space<vmem>>
            %dma_start3A_31 = tpu.memref_slice %arg4[%mul3A_22] : memref<320000xi32, #tpu.memory_space<hbm>> -> memref<128xi32, #tpu.memory_space<hbm>>
            tpu.enqueue_dma source(%dma_start3A_31 : memref<128xi32, #tpu.memory_space<hbm>>) target(%dma_start3A_30 : memref<128xi32, #tpu.memory_space<vmem>>) target_semaphore(%run_scoped3A_24 : memref<!tpu.dma_semaphore, #tpu.memory_space<semaphore_mem>>)
            %dma_wait3A = arith.constant 0 : i32
            %dma_wait3A_32 = tpu.memref_slice %arg7[%run_scoped3A, %dma_wait3A] : memref<1x128xi32, #tpu.memory_space<vmem>> -> memref<1x128xi32, #tpu.memory_space<vmem>>
            %dma_wait3A_33 = tpu.memref_squeeze %dma_wait3A_32 : memref<1x128xi32, #tpu.memory_space<vmem>> -> memref<128xi32, #tpu.memory_space<vmem>>
            %dma_wait3A_34 = tpu.memref_slice %arg4[%mul3A_22] : memref<320000xi32, #tpu.memory_space<hbm>> -> memref<128xi32, #tpu.memory_space<hbm>>
            %dma_wait3A_35 = arith.constant 0 : i32
            %dma_wait3A_36 = tpu.memref_slice %arg7[%run_scoped3A, %dma_wait3A_35] : memref<1x128xi32, #tpu.memory_space<vmem>> -> memref<1x128xi32, #tpu.memory_space<vmem>>
            %dma_wait3A_37 = tpu.memref_squeeze %dma_wait3A_36 : memref<1x128xi32, #tpu.memory_space<vmem>> -> memref<128xi32, #tpu.memory_space<vmem>>
            %dma_wait3A_38 = tpu.memref_slice %arg4[%mul3A_22] : memref<320000xi32, #tpu.memory_space<hbm>> -> memref<128xi32, #tpu.memory_space<hbm>>
            tpu.wait_dma2 semaphore(%run_scoped3A_24 : memref<!tpu.dma_semaphore, #tpu.memory_space<semaphore_mem>>) src(%dma_wait3A_38 : memref<128xi32, #tpu.memory_space<hbm>>) dst(%dma_wait3A_37 : memref<128xi32, #tpu.memory_space<vmem>>)
            tpu.yield
          }) : () -> ()
          "tpu.region"() ({
            %run_scoped3A_24 = tpu.sem_alloc : memref<!tpu.dma_semaphore, #tpu.memory_space<semaphore_mem>>
            %dma_start3A = arith.constant 0 : i32
            %dma_start3A_25 = tpu.memref_slice %arg2[%mul3A_22, %dma_start3A] : memref<320000x128xf32, #tpu.memory_space<hbm>> -> memref<128x128xf32, #tpu.memory_space<hbm>>
            %dma_start3A_26 = arith.constant 0 : i32
            %dma_start3A_27 = tpu.memref_slice %arg2[%mul3A_22, %dma_start3A_26] : memref<320000x128xf32, #tpu.memory_space<hbm>> -> memref<128x128xf32, #tpu.memory_space<hbm>>
            tpu.enqueue_dma source(%dma_start3A_27 : memref<128x128xf32, #tpu.memory_space<hbm>>) target(%arg8 : memref<128x128xf32, #tpu.memory_space<vmem>>) target_semaphore(%run_scoped3A_24 : memref<!tpu.dma_semaphore, #tpu.memory_space<semaphore_mem>>)
            %dma_wait3A = arith.constant 0 : i32
            %dma_wait3A_28 = tpu.memref_slice %arg2[%mul3A_22, %dma_wait3A] : memref<320000x128xf32, #tpu.memory_space<hbm>> -> memref<128x128xf32, #tpu.memory_space<hbm>>
            %dma_wait3A_29 = arith.constant 0 : i32
            %dma_wait3A_30 = tpu.memref_slice %arg2[%mul3A_22, %dma_wait3A_29] : memref<320000x128xf32, #tpu.memory_space<hbm>> -> memref<128x128xf32, #tpu.memory_space<hbm>>
            tpu.wait_dma2 semaphore(%run_scoped3A_24 : memref<!tpu.dma_semaphore, #tpu.memory_space<semaphore_mem>>) src(%dma_wait3A_30 : memref<128x128xf32, #tpu.memory_space<hbm>>) dst(%arg8 : memref<128x128xf32, #tpu.memory_space<vmem>>)
            tpu.yield
          }) : () -> ()
          %run_scoped3A_23 = arith.constant 0 : i32
          "tpu.region"() ({
            %run_scoped3A_24 = tpu.sem_alloc : memref<!tpu.dma_semaphore, #tpu.memory_space<semaphore_mem>>
            %dma_start3A = arith.constant 0 : i32
            %dma_start3A_25 = tpu.memref_slice %arg7[%run_scoped3A_23, %dma_start3A] : memref<1x128xi32, #tpu.memory_space<vmem>> -> memref<1x128xi32, #tpu.memory_space<vmem>>
            %dma_start3A_26 = tpu.memref_squeeze %dma_start3A_25 : memref<1x128xi32, #tpu.memory_space<vmem>> -> memref<128xi32, #tpu.memory_space<vmem>>
            %dma_start3A_27 = arith.constant 0 : i32
            %dma_start3A_28 = arith.constant 0 : i32
            %dma_start3A_29 = tpu.memref_slice %arg9[%dma_start3A_27, %dma_start3A_28] : memref<10240x128xf32, #tpu.memory_space<vmem_shared>> -> memref<10240x128xf32, #tpu.memory_space<vmem_shared>>
            tpu.enqueue_indirect_dma source(%arg8 : memref<128x128xf32, #tpu.memory_space<vmem>>) target(%dma_start3A_29 : memref<10240x128xf32, #tpu.memory_space<vmem_shared>>) offsets(%dma_start3A_26 : memref<128xi32, #tpu.memory_space<vmem>>) semaphore(%run_scoped3A_24 : memref<!tpu.dma_semaphore, #tpu.memory_space<semaphore_mem>>) {add = true}
            %dma_wait3A = arith.constant 0 : i32
            %dma_wait3A_30 = tpu.memref_slice %arg7[%run_scoped3A_23, %dma_wait3A] : memref<1x128xi32, #tpu.memory_space<vmem>> -> memref<1x128xi32, #tpu.memory_space<vmem>>
            %dma_wait3A_31 = tpu.memref_squeeze %dma_wait3A_30 : memref<1x128xi32, #tpu.memory_space<vmem>> -> memref<128xi32, #tpu.memory_space<vmem>>
            %dma_wait3A_32 = arith.constant 0 : i32
            %dma_wait3A_33 = arith.constant 0 : i32
            %dma_wait3A_34 = tpu.memref_slice %arg9[%dma_wait3A_32, %dma_wait3A_33] : memref<10240x128xf32, #tpu.memory_space<vmem_shared>> -> memref<10240x128xf32, #tpu.memory_space<vmem_shared>>
            tpu.wait_indirect_dma semaphore(%run_scoped3A_24 : memref<!tpu.dma_semaphore, #tpu.memory_space<semaphore_mem>>) src(%arg8 : memref<128x128xf32, #tpu.memory_space<vmem>>) dst(%dma_wait3A_34 : memref<10240x128xf32, #tpu.memory_space<vmem_shared>>)
            tpu.yield
          }) : () -> ()
        } else {
        }
      }
      %scan3A_13 = arith.constant 157 : i32
    } else {
    }
    %eq3A_3 = arith.constant 1 : i32
    %eq3A_4 = arith.cmpi eq, %arg0, %eq3A_3 : i32
    %convert_element_type3A_5 = arith.extui %eq3A_4 : i1 to i32
    %cond3A_6 = arith.constant 0 : i32
    %cond3A_7 = arith.cmpi ne, %convert_element_type3A_5, %cond3A_6 : i32
    scf.if %cond3A_7 {
      %scan3A = arith.constant 0 : i32
      %scan3A_9 = arith.constant 0 : i32
      %scan3A_10 = arith.constant 157 : i32
      %scan3A_11 = arith.addi %scan3A_9, %scan3A_10 : i32
      %scan3A_12 = arith.constant 1 : i32
      scf.for %scan3A_14 = %scan3A_9 to %scan3A_11 step %scan3A_12  : i32 {
        %mul3A_15 = arith.constant 157 : i32
        %mul3A_16 = arith.muli %arg1, %mul3A_15 : i32
        %add3A = arith.addi %mul3A_16, %scan3A_14 : i32
        %lt3A = arith.constant 2500 : i32
        %lt3A_17 = arith.cmpi slt, %add3A, %lt3A : i32
        %convert_element_type3A_18 = arith.extui %lt3A_17 : i1 to i32
        %cond3A_19 = arith.constant 0 : i32
        %cond3A_20 = arith.cmpi ne, %convert_element_type3A_18, %cond3A_19 : i32
        scf.if %cond3A_20 {
          %mul3A_21 = arith.constant 128 : i32
          %mul3A_22 = arith.muli %add3A, %mul3A_21 : i32
          %run_scoped3A = arith.constant 0 : i32
          "tpu.region"() ({
            %run_scoped3A_24 = tpu.sem_alloc : memref<!tpu.dma_semaphore, #tpu.memory_space<semaphore_mem>>
            %dma_start3A = arith.constant 0 : i32
            %dma_start3A_25 = tpu.memref_slice %arg7[%run_scoped3A, %dma_start3A] : memref<1x128xi32, #tpu.memory_space<vmem>> -> memref<1x128xi32, #tpu.memory_space<vmem>>
            %dma_start3A_26 = tpu.memref_squeeze %dma_start3A_25 : memref<1x128xi32, #tpu.memory_space<vmem>> -> memref<128xi32, #tpu.memory_space<vmem>>
            %dma_start3A_27 = tpu.memref_slice %arg4[%mul3A_22] : memref<320000xi32, #tpu.memory_space<hbm>> -> memref<128xi32, #tpu.memory_space<hbm>>
            %dma_start3A_28 = arith.constant 0 : i32
            %dma_start3A_29 = tpu.memref_slice %arg7[%run_scoped3A, %dma_start3A_28] : memref<1x128xi32, #tpu.memory_space<vmem>> -> memref<1x128xi32, #tpu.memory_space<vmem>>
            %dma_start3A_30 = tpu.memref_squeeze %dma_start3A_29 : memref<1x128xi32, #tpu.memory_space<vmem>> -> memref<128xi32, #tpu.memory_space<vmem>>
            %dma_start3A_31 = tpu.memref_slice %arg4[%mul3A_22] : memref<320000xi32, #tpu.memory_space<hbm>> -> memref<128xi32, #tpu.memory_space<hbm>>
            tpu.enqueue_dma source(%dma_start3A_31 : memref<128xi32, #tpu.memory_space<hbm>>) target(%dma_start3A_30 : memref<128xi32, #tpu.memory_space<vmem>>) target_semaphore(%run_scoped3A_24 : memref<!tpu.dma_semaphore, #tpu.memory_space<semaphore_mem>>)
            %dma_wait3A = arith.constant 0 : i32
            %dma_wait3A_32 = tpu.memref_slice %arg7[%run_scoped3A, %dma_wait3A] : memref<1x128xi32, #tpu.memory_space<vmem>> -> memref<1x128xi32, #tpu.memory_space<vmem>>
            %dma_wait3A_33 = tpu.memref_squeeze %dma_wait3A_32 : memref<1x128xi32, #tpu.memory_space<vmem>> -> memref<128xi32, #tpu.memory_space<vmem>>
            %dma_wait3A_34 = tpu.memref_slice %arg4[%mul3A_22] : memref<320000xi32, #tpu.memory_space<hbm>> -> memref<128xi32, #tpu.memory_space<hbm>>
            %dma_wait3A_35 = arith.constant 0 : i32
            %dma_wait3A_36 = tpu.memref_slice %arg7[%run_scoped3A, %dma_wait3A_35] : memref<1x128xi32, #tpu.memory_space<vmem>> -> memref<1x128xi32, #tpu.memory_space<vmem>>
            %dma_wait3A_37 = tpu.memref_squeeze %dma_wait3A_36 : memref<1x128xi32, #tpu.memory_space<vmem>> -> memref<128xi32, #tpu.memory_space<vmem>>
            %dma_wait3A_38 = tpu.memref_slice %arg4[%mul3A_22] : memref<320000xi32, #tpu.memory_space<hbm>> -> memref<128xi32, #tpu.memory_space<hbm>>
            tpu.wait_dma2 semaphore(%run_scoped3A_24 : memref<!tpu.dma_semaphore, #tpu.memory_space<semaphore_mem>>) src(%dma_wait3A_38 : memref<128xi32, #tpu.memory_space<hbm>>) dst(%dma_wait3A_37 : memref<128xi32, #tpu.memory_space<vmem>>)
            tpu.yield
          }) : () -> ()
          "tpu.region"() ({
            %run_scoped3A_24 = tpu.sem_alloc : memref<!tpu.dma_semaphore, #tpu.memory_space<semaphore_mem>>
            %dma_start3A = arith.constant 0 : i32
            %dma_start3A_25 = tpu.memref_slice %arg3[%mul3A_22, %dma_start3A] : memref<320000x128xf32, #tpu.memory_space<hbm>> -> memref<128x128xf32, #tpu.memory_space<hbm>>
            %dma_start3A_26 = arith.constant 0 : i32
            %dma_start3A_27 = tpu.memref_slice %arg3[%mul3A_22, %dma_start3A_26] : memref<320000x128xf32, #tpu.memory_space<hbm>> -> memref<128x128xf32, #tpu.memory_space<hbm>>
            tpu.enqueue_dma source(%dma_start3A_27 : memref<128x128xf32, #tpu.memory_space<hbm>>) target(%arg8 : memref<128x128xf32, #tpu.memory_space<vmem>>) target_semaphore(%run_scoped3A_24 : memref<!tpu.dma_semaphore, #tpu.memory_space<semaphore_mem>>)
            %dma_wait3A = arith.constant 0 : i32
            %dma_wait3A_28 = tpu.memref_slice %arg3[%mul3A_22, %dma_wait3A] : memref<320000x128xf32, #tpu.memory_space<hbm>> -> memref<128x128xf32, #tpu.memory_space<hbm>>
            %dma_wait3A_29 = arith.constant 0 : i32
            %dma_wait3A_30 = tpu.memref_slice %arg3[%mul3A_22, %dma_wait3A_29] : memref<320000x128xf32, #tpu.memory_space<hbm>> -> memref<128x128xf32, #tpu.memory_space<hbm>>
            tpu.wait_dma2 semaphore(%run_scoped3A_24 : memref<!tpu.dma_semaphore, #tpu.memory_space<semaphore_mem>>) src(%dma_wait3A_30 : memref<128x128xf32, #tpu.memory_space<hbm>>) dst(%arg8 : memref<128x128xf32, #tpu.memory_space<vmem>>)
            tpu.yield
          }) : () -> ()
          %run_scoped3A_23 = arith.constant 0 : i32
          "tpu.region"() ({
            %run_scoped3A_24 = tpu.sem_alloc : memref<!tpu.dma_semaphore, #tpu.memory_space<semaphore_mem>>
            %dma_start3A = arith.constant 0 : i32
            %dma_start3A_25 = tpu.memref_slice %arg7[%run_scoped3A_23, %dma_start3A] : memref<1x128xi32, #tpu.memory_space<vmem>> -> memref<1x128xi32, #tpu.memory_space<vmem>>
            %dma_start3A_26 = tpu.memref_squeeze %dma_start3A_25 : memref<1x128xi32, #tpu.memory_space<vmem>> -> memref<128xi32, #tpu.memory_space<vmem>>
            %dma_start3A_27 = arith.constant 0 : i32
            %dma_start3A_28 = arith.constant 0 : i32
            %dma_start3A_29 = tpu.memref_slice %arg9[%dma_start3A_27, %dma_start3A_28] : memref<10240x128xf32, #tpu.memory_space<vmem_shared>> -> memref<10240x128xf32, #tpu.memory_space<vmem_shared>>
            tpu.enqueue_indirect_dma source(%arg8 : memref<128x128xf32, #tpu.memory_space<vmem>>) target(%dma_start3A_29 : memref<10240x128xf32, #tpu.memory_space<vmem_shared>>) offsets(%dma_start3A_26 : memref<128xi32, #tpu.memory_space<vmem>>) semaphore(%run_scoped3A_24 : memref<!tpu.dma_semaphore, #tpu.memory_space<semaphore_mem>>) {add = true}
            %dma_wait3A = arith.constant 0 : i32
            %dma_wait3A_30 = tpu.memref_slice %arg7[%run_scoped3A_23, %dma_wait3A] : memref<1x128xi32, #tpu.memory_space<vmem>> -> memref<1x128xi32, #tpu.memory_space<vmem>>
            %dma_wait3A_31 = tpu.memref_squeeze %dma_wait3A_30 : memref<1x128xi32, #tpu.memory_space<vmem>> -> memref<128xi32, #tpu.memory_space<vmem>>
            %dma_wait3A_32 = arith.constant 0 : i32
            %dma_wait3A_33 = arith.constant 0 : i32
            %dma_wait3A_34 = tpu.memref_slice %arg9[%dma_wait3A_32, %dma_wait3A_33] : memref<10240x128xf32, #tpu.memory_space<vmem_shared>> -> memref<10240x128xf32, #tpu.memory_space<vmem_shared>>
            tpu.wait_indirect_dma semaphore(%run_scoped3A_24 : memref<!tpu.dma_semaphore, #tpu.memory_space<semaphore_mem>>) src(%arg8 : memref<128x128xf32, #tpu.memory_space<vmem>>) dst(%dma_wait3A_34 : memref<10240x128xf32, #tpu.memory_space<vmem_shared>>)
            tpu.yield
          }) : () -> ()
        } else {
        }
      }
      %scan3A_13 = arith.constant 157 : i32
    } else {
    }
    %barrier3A_8 = arith.constant 0 : index
    tpu.barrier barrier_id(%barrier3A_8)
    "tpu.region"() ({
      %run_scoped3A = tpu.sem_alloc : memref<!tpu.dma_semaphore, #tpu.memory_space<semaphore_mem>>
      %dma_start3A = arith.constant 0 : i32
      %dma_start3A_9 = arith.constant 0 : i32
      %dma_start3A_10 = tpu.memref_slice %arg6[%arg0, %dma_start3A, %dma_start3A_9] : memref<2x10240x128xf32, #tpu.memory_space<hbm>> -> memref<1x10240x128xf32, #tpu.memory_space<hbm>>
      %dma_start3A_11 = tpu.memref_squeeze %dma_start3A_10 : memref<1x10240x128xf32, #tpu.memory_space<hbm>> -> memref<10240x128xf32, #tpu.memory_space<hbm>>
      %dma_start3A_12 = arith.constant 0 : i32
      %dma_start3A_13 = tpu.memref_slice %dma_start3A_11[%mul3A_0, %dma_start3A_12] : memref<10240x128xf32, #tpu.memory_space<hbm>> -> memref<640x128xf32, #tpu.memory_space<hbm>>
      %dma_start3A_14 = arith.constant 0 : i32
      %dma_start3A_15 = tpu.memref_slice %arg9[%mul3A_0, %dma_start3A_14] : memref<10240x128xf32, #tpu.memory_space<vmem_shared>> -> memref<640x128xf32, #tpu.memory_space<vmem_shared>>
      tpu.enqueue_dma source(%dma_start3A_15 : memref<640x128xf32, #tpu.memory_space<vmem_shared>>) target(%dma_start3A_13 : memref<640x128xf32, #tpu.memory_space<hbm>>) target_semaphore(%run_scoped3A : memref<!tpu.dma_semaphore, #tpu.memory_space<semaphore_mem>>)
      %dma_wait3A = arith.constant 0 : i32
      %dma_wait3A_16 = arith.constant 0 : i32
      %dma_wait3A_17 = tpu.memref_slice %arg6[%arg0, %dma_wait3A, %dma_wait3A_16] : memref<2x10240x128xf32, #tpu.memory_space<hbm>> -> memref<1x10240x128xf32, #tpu.memory_space<hbm>>
      %dma_wait3A_18 = tpu.memref_squeeze %dma_wait3A_17 : memref<1x10240x128xf32, #tpu.memory_space<hbm>> -> memref<10240x128xf32, #tpu.memory_space<hbm>>
      %dma_wait3A_19 = arith.constant 0 : i32
      %dma_wait3A_20 = tpu.memref_slice %dma_wait3A_18[%mul3A_0, %dma_wait3A_19] : memref<10240x128xf32, #tpu.memory_space<hbm>> -> memref<640x128xf32, #tpu.memory_space<hbm>>
      %dma_wait3A_21 = arith.constant 0 : i32
      %dma_wait3A_22 = tpu.memref_slice %arg9[%mul3A_0, %dma_wait3A_21] : memref<10240x128xf32, #tpu.memory_space<vmem_shared>> -> memref<640x128xf32, #tpu.memory_space<vmem_shared>>
      tpu.wait_dma2 semaphore(%run_scoped3A : memref<!tpu.dma_semaphore, #tpu.memory_space<semaphore_mem>>) src(%dma_wait3A_22 : memref<640x128xf32, #tpu.memory_space<vmem_shared>>) dst(%dma_wait3A_20 : memref<640x128xf32, #tpu.memory_space<hbm>>)
      tpu.yield
    }) : () -> ()
    return
  }
}

#map = affine_map<(d0, d1) -> (0, 0)>
#map1 = affine_map<(d0, d1) -> (0)>
module attributes {stable_mosaic.version = 14 : i64} {
  func.func @_gather_body(%arg0: i32, %arg1: i32, %arg2: memref<10000x128xf32, #tpu.memory_space<hbm>>, %arg3: memref<10000x256xf32, #tpu.memory_space<hbm>>, %arg4: memref<320000xi32, #tpu.memory_space<hbm>>, %arg5: memref<320000xi32, #tpu.memory_space<hbm>>, %arg6: memref<320000x128xf32, #tpu.memory_space<hbm>>, %arg7: memref<320000x256xf32, #tpu.memory_space<hbm>>, %arg8: memref<128xi32, #tpu.memory_space<vmem>>, %arg9: memref<128xi32, #tpu.memory_space<vmem>>, %arg10: memref<128x128xf32, #tpu.memory_space<vmem>>, %arg11: memref<128x256xf32, #tpu.memory_space<vmem>>, %arg12: memref<!tpu.dma_semaphore, #tpu.memory_space<semaphore_mem>>, %arg13: memref<!tpu.dma_semaphore, #tpu.memory_space<semaphore_mem>>) attributes {dimension_semantics = [#tpu.dimension_semantics<core_parallel>, #tpu.dimension_semantics<subcore_parallel>], iteration_bounds = array<i64: 2, 16>, scalar_prefetch = 0 : i64, scratch_operands = 6 : i64, tpu.core_type = #tpu.core_type<sc_vector_subcore>, window_params = [{transform_indices = #map}, {transform_indices = #map}, {transform_indices = #map1}, {transform_indices = #map1}, {transform_indices = #map}, {transform_indices = #map}]} {
    %mul3A = arith.constant 2 : i32
    %mul3A_0 = arith.muli %arg1, %mul3A : i32
    %add3A = arith.addi %mul3A_0, %arg0 : i32
    %scan3A = arith.constant 0 : i32
    %scan3A_1 = arith.constant 0 : i32
    %scan3A_2 = arith.constant 79 : i32
    %scan3A_3 = arith.addi %scan3A_1, %scan3A_2 : i32
    %scan3A_4 = arith.constant 1 : i32
    scf.for %scan3A_6 = %scan3A_1 to %scan3A_3 step %scan3A_4  : i32 {
      %mul3A_7 = arith.constant 32 : i32
      %mul3A_8 = arith.muli %scan3A_6, %mul3A_7 : i32
      %add3A_9 = arith.addi %add3A, %mul3A_8 : i32
      %lt3A = arith.constant 2500 : i32
      %lt3A_10 = arith.cmpi slt, %add3A_9, %lt3A : i32
      %convert_element_type3A = arith.extui %lt3A_10 : i1 to i32
      %cond3A = arith.constant 0 : i32
      %cond3A_11 = arith.cmpi ne, %convert_element_type3A, %cond3A : i32
      scf.if %cond3A_11 {
        %mul3A_12 = arith.constant 128 : i32
        %mul3A_13 = arith.muli %add3A_9, %mul3A_12 : i32
        "tpu.region"() ({
          %run_scoped3A = tpu.sem_alloc : memref<!tpu.dma_semaphore, #tpu.memory_space<semaphore_mem>>
          %dma_start3A_24 = tpu.memref_slice %arg4[%mul3A_13] : memref<320000xi32, #tpu.memory_space<hbm>> -> memref<128xi32, #tpu.memory_space<hbm>>
          %dma_start3A_25 = tpu.memref_slice %arg4[%mul3A_13] : memref<320000xi32, #tpu.memory_space<hbm>> -> memref<128xi32, #tpu.memory_space<hbm>>
          tpu.enqueue_dma source(%dma_start3A_25 : memref<128xi32, #tpu.memory_space<hbm>>) target(%arg8 : memref<128xi32, #tpu.memory_space<vmem>>) target_semaphore(%run_scoped3A : memref<!tpu.dma_semaphore, #tpu.memory_space<semaphore_mem>>)
          %dma_wait3A_26 = tpu.memref_slice %arg4[%mul3A_13] : memref<320000xi32, #tpu.memory_space<hbm>> -> memref<128xi32, #tpu.memory_space<hbm>>
          %dma_wait3A_27 = tpu.memref_slice %arg4[%mul3A_13] : memref<320000xi32, #tpu.memory_space<hbm>> -> memref<128xi32, #tpu.memory_space<hbm>>
          tpu.wait_dma2 semaphore(%run_scoped3A : memref<!tpu.dma_semaphore, #tpu.memory_space<semaphore_mem>>) src(%dma_wait3A_27 : memref<128xi32, #tpu.memory_space<hbm>>) dst(%arg8 : memref<128xi32, #tpu.memory_space<vmem>>)
          tpu.yield
        }) : () -> ()
        "tpu.region"() ({
          %run_scoped3A = tpu.sem_alloc : memref<!tpu.dma_semaphore, #tpu.memory_space<semaphore_mem>>
          %dma_start3A_24 = tpu.memref_slice %arg5[%mul3A_13] : memref<320000xi32, #tpu.memory_space<hbm>> -> memref<128xi32, #tpu.memory_space<hbm>>
          %dma_start3A_25 = tpu.memref_slice %arg5[%mul3A_13] : memref<320000xi32, #tpu.memory_space<hbm>> -> memref<128xi32, #tpu.memory_space<hbm>>
          tpu.enqueue_dma source(%dma_start3A_25 : memref<128xi32, #tpu.memory_space<hbm>>) target(%arg9 : memref<128xi32, #tpu.memory_space<vmem>>) target_semaphore(%run_scoped3A : memref<!tpu.dma_semaphore, #tpu.memory_space<semaphore_mem>>)
          %dma_wait3A_26 = tpu.memref_slice %arg5[%mul3A_13] : memref<320000xi32, #tpu.memory_space<hbm>> -> memref<128xi32, #tpu.memory_space<hbm>>
          %dma_wait3A_27 = tpu.memref_slice %arg5[%mul3A_13] : memref<320000xi32, #tpu.memory_space<hbm>> -> memref<128xi32, #tpu.memory_space<hbm>>
          tpu.wait_dma2 semaphore(%run_scoped3A : memref<!tpu.dma_semaphore, #tpu.memory_space<semaphore_mem>>) src(%dma_wait3A_27 : memref<128xi32, #tpu.memory_space<hbm>>) dst(%arg9 : memref<128xi32, #tpu.memory_space<vmem>>)
          tpu.yield
        }) : () -> ()
        %dma_start3A = arith.constant 0 : i32
        %dma_start3A_14 = arith.constant 0 : i32
        %dma_start3A_15 = tpu.memref_slice %arg2[%dma_start3A, %dma_start3A_14] : memref<10000x128xf32, #tpu.memory_space<hbm>> -> memref<10000x128xf32, #tpu.memory_space<hbm>>
        tpu.enqueue_indirect_dma source(%dma_start3A_15 : memref<10000x128xf32, #tpu.memory_space<hbm>>) target(%arg10 : memref<128x128xf32, #tpu.memory_space<vmem>>) offsets(%arg8 : memref<128xi32, #tpu.memory_space<vmem>>) semaphore(%arg12 : memref<!tpu.dma_semaphore, #tpu.memory_space<semaphore_mem>>)
        %dma_start3A_16 = arith.constant 0 : i32
        %dma_start3A_17 = arith.constant 0 : i32
        %dma_start3A_18 = tpu.memref_slice %arg3[%dma_start3A_16, %dma_start3A_17] : memref<10000x256xf32, #tpu.memory_space<hbm>> -> memref<10000x256xf32, #tpu.memory_space<hbm>>
        tpu.enqueue_indirect_dma source(%dma_start3A_18 : memref<10000x256xf32, #tpu.memory_space<hbm>>) target(%arg11 : memref<128x256xf32, #tpu.memory_space<vmem>>) offsets(%arg9 : memref<128xi32, #tpu.memory_space<vmem>>) semaphore(%arg13 : memref<!tpu.dma_semaphore, #tpu.memory_space<semaphore_mem>>)
        %dma_wait3A = arith.constant 0 : i32
        %dma_wait3A_19 = arith.constant 0 : i32
        %dma_wait3A_20 = tpu.memref_slice %arg2[%dma_wait3A, %dma_wait3A_19] : memref<10000x128xf32, #tpu.memory_space<hbm>> -> memref<10000x128xf32, #tpu.memory_space<hbm>>
        tpu.wait_indirect_dma semaphore(%arg12 : memref<!tpu.dma_semaphore, #tpu.memory_space<semaphore_mem>>) src(%dma_wait3A_20 : memref<10000x128xf32, #tpu.memory_space<hbm>>) dst(%arg10 : memref<128x128xf32, #tpu.memory_space<vmem>>)
        %dma_wait3A_21 = arith.constant 0 : i32
        %dma_wait3A_22 = arith.constant 0 : i32
        %dma_wait3A_23 = tpu.memref_slice %arg3[%dma_wait3A_21, %dma_wait3A_22] : memref<10000x256xf32, #tpu.memory_space<hbm>> -> memref<10000x256xf32, #tpu.memory_space<hbm>>
        tpu.wait_indirect_dma semaphore(%arg13 : memref<!tpu.dma_semaphore, #tpu.memory_space<semaphore_mem>>) src(%dma_wait3A_23 : memref<10000x256xf32, #tpu.memory_space<hbm>>) dst(%arg11 : memref<128x256xf32, #tpu.memory_space<vmem>>)
        "tpu.region"() ({
          %run_scoped3A = tpu.sem_alloc : memref<!tpu.dma_semaphore, #tpu.memory_space<semaphore_mem>>
          %dma_start3A_24 = arith.constant 0 : i32
          %dma_start3A_25 = tpu.memref_slice %arg6[%mul3A_13, %dma_start3A_24] : memref<320000x128xf32, #tpu.memory_space<hbm>> -> memref<128x128xf32, #tpu.memory_space<hbm>>
          %dma_start3A_26 = arith.constant 0 : i32
          %dma_start3A_27 = tpu.memref_slice %arg6[%mul3A_13, %dma_start3A_26] : memref<320000x128xf32, #tpu.memory_space<hbm>> -> memref<128x128xf32, #tpu.memory_space<hbm>>
          tpu.enqueue_dma source(%arg10 : memref<128x128xf32, #tpu.memory_space<vmem>>) target(%dma_start3A_27 : memref<128x128xf32, #tpu.memory_space<hbm>>) target_semaphore(%run_scoped3A : memref<!tpu.dma_semaphore, #tpu.memory_space<semaphore_mem>>)
          %dma_wait3A_28 = arith.constant 0 : i32
          %dma_wait3A_29 = tpu.memref_slice %arg6[%mul3A_13, %dma_wait3A_28] : memref<320000x128xf32, #tpu.memory_space<hbm>> -> memref<128x128xf32, #tpu.memory_space<hbm>>
          %dma_wait3A_30 = arith.constant 0 : i32
          %dma_wait3A_31 = tpu.memref_slice %arg6[%mul3A_13, %dma_wait3A_30] : memref<320000x128xf32, #tpu.memory_space<hbm>> -> memref<128x128xf32, #tpu.memory_space<hbm>>
          tpu.wait_dma2 semaphore(%run_scoped3A : memref<!tpu.dma_semaphore, #tpu.memory_space<semaphore_mem>>) src(%arg10 : memref<128x128xf32, #tpu.memory_space<vmem>>) dst(%dma_wait3A_31 : memref<128x128xf32, #tpu.memory_space<hbm>>)
          tpu.yield
        }) : () -> ()
        "tpu.region"() ({
          %run_scoped3A = tpu.sem_alloc : memref<!tpu.dma_semaphore, #tpu.memory_space<semaphore_mem>>
          %dma_start3A_24 = arith.constant 0 : i32
          %dma_start3A_25 = tpu.memref_slice %arg7[%mul3A_13, %dma_start3A_24] : memref<320000x256xf32, #tpu.memory_space<hbm>> -> memref<128x256xf32, #tpu.memory_space<hbm>>
          %dma_start3A_26 = arith.constant 0 : i32
          %dma_start3A_27 = tpu.memref_slice %arg7[%mul3A_13, %dma_start3A_26] : memref<320000x256xf32, #tpu.memory_space<hbm>> -> memref<128x256xf32, #tpu.memory_space<hbm>>
          tpu.enqueue_dma source(%arg11 : memref<128x256xf32, #tpu.memory_space<vmem>>) target(%dma_start3A_27 : memref<128x256xf32, #tpu.memory_space<hbm>>) target_semaphore(%run_scoped3A : memref<!tpu.dma_semaphore, #tpu.memory_space<semaphore_mem>>)
          %dma_wait3A_28 = arith.constant 0 : i32
          %dma_wait3A_29 = tpu.memref_slice %arg7[%mul3A_13, %dma_wait3A_28] : memref<320000x256xf32, #tpu.memory_space<hbm>> -> memref<128x256xf32, #tpu.memory_space<hbm>>
          %dma_wait3A_30 = arith.constant 0 : i32
          %dma_wait3A_31 = tpu.memref_slice %arg7[%mul3A_13, %dma_wait3A_30] : memref<320000x256xf32, #tpu.memory_space<hbm>> -> memref<128x256xf32, #tpu.memory_space<hbm>>
          tpu.wait_dma2 semaphore(%run_scoped3A : memref<!tpu.dma_semaphore, #tpu.memory_space<semaphore_mem>>) src(%arg11 : memref<128x256xf32, #tpu.memory_space<vmem>>) dst(%dma_wait3A_31 : memref<128x256xf32, #tpu.memory_space<hbm>>)
          tpu.yield
        }) : () -> ()
      } else {
      }
    }
    %scan3A_5 = arith.constant 79 : i32
    return
  }
}

#map = affine_map<(d0, d1) -> (0, 0)>
#map1 = affine_map<(d0, d1) -> (0)>
module attributes {stable_mosaic.version = 14 : i64} {
  func.func @_gather_body(%arg0: i32, %arg1: i32, %arg2: memref<10000x128xf32, #tpu.memory_space<hbm>>, %arg3: memref<10000x384xf32, #tpu.memory_space<hbm>>, %arg4: memref<320000xi32, #tpu.memory_space<hbm>>, %arg5: memref<320000xi32, #tpu.memory_space<hbm>>, %arg6: memref<320000x128xf32, #tpu.memory_space<hbm>>, %arg7: memref<320000x384xf32, #tpu.memory_space<hbm>>, %arg8: memref<128xi32, #tpu.memory_space<vmem>>, %arg9: memref<128xi32, #tpu.memory_space<vmem>>, %arg10: memref<128x128xf32, #tpu.memory_space<vmem>>, %arg11: memref<128x384xf32, #tpu.memory_space<vmem>>, %arg12: memref<!tpu.dma_semaphore, #tpu.memory_space<semaphore_mem>>, %arg13: memref<!tpu.dma_semaphore, #tpu.memory_space<semaphore_mem>>) attributes {dimension_semantics = [#tpu.dimension_semantics<core_parallel>, #tpu.dimension_semantics<subcore_parallel>], iteration_bounds = array<i64: 2, 16>, scalar_prefetch = 0 : i64, scratch_operands = 6 : i64, tpu.core_type = #tpu.core_type<sc_vector_subcore>, window_params = [{transform_indices = #map}, {transform_indices = #map}, {transform_indices = #map1}, {transform_indices = #map1}, {transform_indices = #map}, {transform_indices = #map}]} {
    %mul3A = arith.constant 2 : i32
    %mul3A_0 = arith.muli %arg1, %mul3A : i32
    %add3A = arith.addi %mul3A_0, %arg0 : i32
    %scan3A = arith.constant 0 : i32
    %scan3A_1 = arith.constant 0 : i32
    %scan3A_2 = arith.constant 79 : i32
    %scan3A_3 = arith.addi %scan3A_1, %scan3A_2 : i32
    %scan3A_4 = arith.constant 1 : i32
    scf.for %scan3A_6 = %scan3A_1 to %scan3A_3 step %scan3A_4  : i32 {
      %mul3A_7 = arith.constant 32 : i32
      %mul3A_8 = arith.muli %scan3A_6, %mul3A_7 : i32
      %add3A_9 = arith.addi %add3A, %mul3A_8 : i32
      %lt3A = arith.constant 2500 : i32
      %lt3A_10 = arith.cmpi slt, %add3A_9, %lt3A : i32
      %convert_element_type3A = arith.extui %lt3A_10 : i1 to i32
      %cond3A = arith.constant 0 : i32
      %cond3A_11 = arith.cmpi ne, %convert_element_type3A, %cond3A : i32
      scf.if %cond3A_11 {
        %mul3A_12 = arith.constant 128 : i32
        %mul3A_13 = arith.muli %add3A_9, %mul3A_12 : i32
        "tpu.region"() ({
          %run_scoped3A = tpu.sem_alloc : memref<!tpu.dma_semaphore, #tpu.memory_space<semaphore_mem>>
          %dma_start3A_24 = tpu.memref_slice %arg4[%mul3A_13] : memref<320000xi32, #tpu.memory_space<hbm>> -> memref<128xi32, #tpu.memory_space<hbm>>
          %dma_start3A_25 = tpu.memref_slice %arg4[%mul3A_13] : memref<320000xi32, #tpu.memory_space<hbm>> -> memref<128xi32, #tpu.memory_space<hbm>>
          tpu.enqueue_dma source(%dma_start3A_25 : memref<128xi32, #tpu.memory_space<hbm>>) target(%arg8 : memref<128xi32, #tpu.memory_space<vmem>>) target_semaphore(%run_scoped3A : memref<!tpu.dma_semaphore, #tpu.memory_space<semaphore_mem>>)
          %dma_wait3A_26 = tpu.memref_slice %arg4[%mul3A_13] : memref<320000xi32, #tpu.memory_space<hbm>> -> memref<128xi32, #tpu.memory_space<hbm>>
          %dma_wait3A_27 = tpu.memref_slice %arg4[%mul3A_13] : memref<320000xi32, #tpu.memory_space<hbm>> -> memref<128xi32, #tpu.memory_space<hbm>>
          tpu.wait_dma2 semaphore(%run_scoped3A : memref<!tpu.dma_semaphore, #tpu.memory_space<semaphore_mem>>) src(%dma_wait3A_27 : memref<128xi32, #tpu.memory_space<hbm>>) dst(%arg8 : memref<128xi32, #tpu.memory_space<vmem>>)
          tpu.yield
        }) : () -> ()
        "tpu.region"() ({
          %run_scoped3A = tpu.sem_alloc : memref<!tpu.dma_semaphore, #tpu.memory_space<semaphore_mem>>
          %dma_start3A_24 = tpu.memref_slice %arg5[%mul3A_13] : memref<320000xi32, #tpu.memory_space<hbm>> -> memref<128xi32, #tpu.memory_space<hbm>>
          %dma_start3A_25 = tpu.memref_slice %arg5[%mul3A_13] : memref<320000xi32, #tpu.memory_space<hbm>> -> memref<128xi32, #tpu.memory_space<hbm>>
          tpu.enqueue_dma source(%dma_start3A_25 : memref<128xi32, #tpu.memory_space<hbm>>) target(%arg9 : memref<128xi32, #tpu.memory_space<vmem>>) target_semaphore(%run_scoped3A : memref<!tpu.dma_semaphore, #tpu.memory_space<semaphore_mem>>)
          %dma_wait3A_26 = tpu.memref_slice %arg5[%mul3A_13] : memref<320000xi32, #tpu.memory_space<hbm>> -> memref<128xi32, #tpu.memory_space<hbm>>
          %dma_wait3A_27 = tpu.memref_slice %arg5[%mul3A_13] : memref<320000xi32, #tpu.memory_space<hbm>> -> memref<128xi32, #tpu.memory_space<hbm>>
          tpu.wait_dma2 semaphore(%run_scoped3A : memref<!tpu.dma_semaphore, #tpu.memory_space<semaphore_mem>>) src(%dma_wait3A_27 : memref<128xi32, #tpu.memory_space<hbm>>) dst(%arg9 : memref<128xi32, #tpu.memory_space<vmem>>)
          tpu.yield
        }) : () -> ()
        %dma_start3A = arith.constant 0 : i32
        %dma_start3A_14 = arith.constant 0 : i32
        %dma_start3A_15 = tpu.memref_slice %arg2[%dma_start3A, %dma_start3A_14] : memref<10000x128xf32, #tpu.memory_space<hbm>> -> memref<10000x128xf32, #tpu.memory_space<hbm>>
        tpu.enqueue_indirect_dma source(%dma_start3A_15 : memref<10000x128xf32, #tpu.memory_space<hbm>>) target(%arg10 : memref<128x128xf32, #tpu.memory_space<vmem>>) offsets(%arg8 : memref<128xi32, #tpu.memory_space<vmem>>) semaphore(%arg12 : memref<!tpu.dma_semaphore, #tpu.memory_space<semaphore_mem>>)
        %dma_start3A_16 = arith.constant 0 : i32
        %dma_start3A_17 = arith.constant 0 : i32
        %dma_start3A_18 = tpu.memref_slice %arg3[%dma_start3A_16, %dma_start3A_17] : memref<10000x384xf32, #tpu.memory_space<hbm>> -> memref<10000x384xf32, #tpu.memory_space<hbm>>
        tpu.enqueue_indirect_dma source(%dma_start3A_18 : memref<10000x384xf32, #tpu.memory_space<hbm>>) target(%arg11 : memref<128x384xf32, #tpu.memory_space<vmem>>) offsets(%arg9 : memref<128xi32, #tpu.memory_space<vmem>>) semaphore(%arg13 : memref<!tpu.dma_semaphore, #tpu.memory_space<semaphore_mem>>)
        %dma_wait3A = arith.constant 0 : i32
        %dma_wait3A_19 = arith.constant 0 : i32
        %dma_wait3A_20 = tpu.memref_slice %arg2[%dma_wait3A, %dma_wait3A_19] : memref<10000x128xf32, #tpu.memory_space<hbm>> -> memref<10000x128xf32, #tpu.memory_space<hbm>>
        tpu.wait_indirect_dma semaphore(%arg12 : memref<!tpu.dma_semaphore, #tpu.memory_space<semaphore_mem>>) src(%dma_wait3A_20 : memref<10000x128xf32, #tpu.memory_space<hbm>>) dst(%arg10 : memref<128x128xf32, #tpu.memory_space<vmem>>)
        %dma_wait3A_21 = arith.constant 0 : i32
        %dma_wait3A_22 = arith.constant 0 : i32
        %dma_wait3A_23 = tpu.memref_slice %arg3[%dma_wait3A_21, %dma_wait3A_22] : memref<10000x384xf32, #tpu.memory_space<hbm>> -> memref<10000x384xf32, #tpu.memory_space<hbm>>
        tpu.wait_indirect_dma semaphore(%arg13 : memref<!tpu.dma_semaphore, #tpu.memory_space<semaphore_mem>>) src(%dma_wait3A_23 : memref<10000x384xf32, #tpu.memory_space<hbm>>) dst(%arg11 : memref<128x384xf32, #tpu.memory_space<vmem>>)
        "tpu.region"() ({
          %run_scoped3A = tpu.sem_alloc : memref<!tpu.dma_semaphore, #tpu.memory_space<semaphore_mem>>
          %dma_start3A_24 = arith.constant 0 : i32
          %dma_start3A_25 = tpu.memref_slice %arg6[%mul3A_13, %dma_start3A_24] : memref<320000x128xf32, #tpu.memory_space<hbm>> -> memref<128x128xf32, #tpu.memory_space<hbm>>
          %dma_start3A_26 = arith.constant 0 : i32
          %dma_start3A_27 = tpu.memref_slice %arg6[%mul3A_13, %dma_start3A_26] : memref<320000x128xf32, #tpu.memory_space<hbm>> -> memref<128x128xf32, #tpu.memory_space<hbm>>
          tpu.enqueue_dma source(%arg10 : memref<128x128xf32, #tpu.memory_space<vmem>>) target(%dma_start3A_27 : memref<128x128xf32, #tpu.memory_space<hbm>>) target_semaphore(%run_scoped3A : memref<!tpu.dma_semaphore, #tpu.memory_space<semaphore_mem>>)
          %dma_wait3A_28 = arith.constant 0 : i32
          %dma_wait3A_29 = tpu.memref_slice %arg6[%mul3A_13, %dma_wait3A_28] : memref<320000x128xf32, #tpu.memory_space<hbm>> -> memref<128x128xf32, #tpu.memory_space<hbm>>
          %dma_wait3A_30 = arith.constant 0 : i32
          %dma_wait3A_31 = tpu.memref_slice %arg6[%mul3A_13, %dma_wait3A_30] : memref<320000x128xf32, #tpu.memory_space<hbm>> -> memref<128x128xf32, #tpu.memory_space<hbm>>
          tpu.wait_dma2 semaphore(%run_scoped3A : memref<!tpu.dma_semaphore, #tpu.memory_space<semaphore_mem>>) src(%arg10 : memref<128x128xf32, #tpu.memory_space<vmem>>) dst(%dma_wait3A_31 : memref<128x128xf32, #tpu.memory_space<hbm>>)
          tpu.yield
        }) : () -> ()
        "tpu.region"() ({
          %run_scoped3A = tpu.sem_alloc : memref<!tpu.dma_semaphore, #tpu.memory_space<semaphore_mem>>
          %dma_start3A_24 = arith.constant 0 : i32
          %dma_start3A_25 = tpu.memref_slice %arg7[%mul3A_13, %dma_start3A_24] : memref<320000x384xf32, #tpu.memory_space<hbm>> -> memref<128x384xf32, #tpu.memory_space<hbm>>
          %dma_start3A_26 = arith.constant 0 : i32
          %dma_start3A_27 = tpu.memref_slice %arg7[%mul3A_13, %dma_start3A_26] : memref<320000x384xf32, #tpu.memory_space<hbm>> -> memref<128x384xf32, #tpu.memory_space<hbm>>
          tpu.enqueue_dma source(%arg11 : memref<128x384xf32, #tpu.memory_space<vmem>>) target(%dma_start3A_27 : memref<128x384xf32, #tpu.memory_space<hbm>>) target_semaphore(%run_scoped3A : memref<!tpu.dma_semaphore, #tpu.memory_space<semaphore_mem>>)
          %dma_wait3A_28 = arith.constant 0 : i32
          %dma_wait3A_29 = tpu.memref_slice %arg7[%mul3A_13, %dma_wait3A_28] : memref<320000x384xf32, #tpu.memory_space<hbm>> -> memref<128x384xf32, #tpu.memory_space<hbm>>
          %dma_wait3A_30 = arith.constant 0 : i32
          %dma_wait3A_31 = tpu.memref_slice %arg7[%mul3A_13, %dma_wait3A_30] : memref<320000x384xf32, #tpu.memory_space<hbm>> -> memref<128x384xf32, #tpu.memory_space<hbm>>
          tpu.wait_dma2 semaphore(%run_scoped3A : memref<!tpu.dma_semaphore, #tpu.memory_space<semaphore_mem>>) src(%arg11 : memref<128x384xf32, #tpu.memory_space<vmem>>) dst(%dma_wait3A_31 : memref<128x384xf32, #tpu.memory_space<hbm>>)
          tpu.yield
        }) : () -> ()
      } else {
      }
    }
    %scan3A_5 = arith.constant 79 : i32
    return
  }
}

#map = affine_map<(d0, d1) -> (0, 0)>
#map1 = affine_map<(d0, d1) -> (0)>
#map2 = affine_map<(d0, d1) -> (0, 0, 0)>
module attributes {stable_mosaic.version = 14 : i64} {
  func.func @_scatter_body(%arg0: i32, %arg1: i32, %arg2: memref<320000x128xf32, #tpu.memory_space<hbm>>, %arg3: memref<320000x128xf32, #tpu.memory_space<hbm>>, %arg4: memref<320000xi32, #tpu.memory_space<hbm>>, %arg5: memref<10240x128xf32, #tpu.memory_space<hbm>>, %arg6: memref<2x10240x128xf32, #tpu.memory_space<hbm>>, %arg7: memref<1x128xi32, #tpu.memory_space<vmem>>, %arg8: memref<128x128xf32, #tpu.memory_space<vmem>>, %arg9: memref<10240x128xf32, #tpu.memory_space<vmem_shared>>) attributes {dimension_semantics = [#tpu.dimension_semantics<core_parallel>, #tpu.dimension_semantics<subcore_parallel>], iteration_bounds = array<i64: 2, 16>, scalar_prefetch = 0 : i64, scratch_operands = 3 : i64, tpu.core_type = #tpu.core_type<sc_vector_subcore>, window_params = [{transform_indices = #map}, {transform_indices = #map}, {transform_indices = #map1}, {transform_indices = #map}, {transform_indices = #map2}]} {
    %mul3A = arith.constant 640 : i32
    %mul3A_0 = arith.muli %arg1, %mul3A : i32
    "tpu.region"() ({
      %run_scoped3A = tpu.sem_alloc : memref<!tpu.dma_semaphore, #tpu.memory_space<semaphore_mem>>
      %dma_start3A = arith.constant 0 : i32
      %dma_start3A_9 = tpu.memref_slice %arg9[%mul3A_0, %dma_start3A] : memref<10240x128xf32, #tpu.memory_space<vmem_shared>> -> memref<640x128xf32, #tpu.memory_space<vmem_shared>>
      %dma_start3A_10 = arith.constant 0 : i32
      %dma_start3A_11 = tpu.memref_slice %arg5[%mul3A_0, %dma_start3A_10] : memref<10240x128xf32, #tpu.memory_space<hbm>> -> memref<640x128xf32, #tpu.memory_space<hbm>>
      tpu.enqueue_dma source(%dma_start3A_11 : memref<640x128xf32, #tpu.memory_space<hbm>>) target(%dma_start3A_9 : memref<640x128xf32, #tpu.memory_space<vmem_shared>>) target_semaphore(%run_scoped3A : memref<!tpu.dma_semaphore, #tpu.memory_space<semaphore_mem>>)
      %dma_wait3A = arith.constant 0 : i32
      %dma_wait3A_12 = tpu.memref_slice %arg9[%mul3A_0, %dma_wait3A] : memref<10240x128xf32, #tpu.memory_space<vmem_shared>> -> memref<640x128xf32, #tpu.memory_space<vmem_shared>>
      %dma_wait3A_13 = arith.constant 0 : i32
      %dma_wait3A_14 = tpu.memref_slice %arg5[%mul3A_0, %dma_wait3A_13] : memref<10240x128xf32, #tpu.memory_space<hbm>> -> memref<640x128xf32, #tpu.memory_space<hbm>>
      tpu.wait_dma2 semaphore(%run_scoped3A : memref<!tpu.dma_semaphore, #tpu.memory_space<semaphore_mem>>) src(%dma_wait3A_14 : memref<640x128xf32, #tpu.memory_space<hbm>>) dst(%dma_wait3A_12 : memref<640x128xf32, #tpu.memory_space<vmem_shared>>)
      tpu.yield
    }) : () -> ()
    %barrier3A = arith.constant 0 : index
    tpu.barrier barrier_id(%barrier3A)
    %eq3A = arith.constant 0 : i32
    %eq3A_1 = arith.cmpi eq, %arg0, %eq3A : i32
    %convert_element_type3A = arith.extui %eq3A_1 : i1 to i32
    %cond3A = arith.constant 0 : i32
    %cond3A_2 = arith.cmpi ne, %convert_element_type3A, %cond3A : i32
    scf.if %cond3A_2 {
      %scan3A = arith.constant 0 : i32
      %scan3A_9 = arith.constant 0 : i32
      %scan3A_10 = arith.constant 157 : i32
      %scan3A_11 = arith.addi %scan3A_9, %scan3A_10 : i32
      %scan3A_12 = arith.constant 1 : i32
      scf.for %scan3A_14 = %scan3A_9 to %scan3A_11 step %scan3A_12  : i32 {
        %mul3A_15 = arith.constant 157 : i32
        %mul3A_16 = arith.muli %arg1, %mul3A_15 : i32
        %add3A = arith.addi %mul3A_16, %scan3A_14 : i32
        %lt3A = arith.constant 2500 : i32
        %lt3A_17 = arith.cmpi slt, %add3A, %lt3A : i32
        %convert_element_type3A_18 = arith.extui %lt3A_17 : i1 to i32
        %cond3A_19 = arith.constant 0 : i32
        %cond3A_20 = arith.cmpi ne, %convert_element_type3A_18, %cond3A_19 : i32
        scf.if %cond3A_20 {
          %mul3A_21 = arith.constant 128 : i32
          %mul3A_22 = arith.muli %add3A, %mul3A_21 : i32
          %run_scoped3A = arith.constant 0 : i32
          "tpu.region"() ({
            %run_scoped3A_24 = tpu.sem_alloc : memref<!tpu.dma_semaphore, #tpu.memory_space<semaphore_mem>>
            %dma_start3A = arith.constant 0 : i32
            %dma_start3A_25 = tpu.memref_slice %arg7[%run_scoped3A, %dma_start3A] : memref<1x128xi32, #tpu.memory_space<vmem>> -> memref<1x128xi32, #tpu.memory_space<vmem>>
            %dma_start3A_26 = tpu.memref_squeeze %dma_start3A_25 : memref<1x128xi32, #tpu.memory_space<vmem>> -> memref<128xi32, #tpu.memory_space<vmem>>
            %dma_start3A_27 = tpu.memref_slice %arg4[%mul3A_22] : memref<320000xi32, #tpu.memory_space<hbm>> -> memref<128xi32, #tpu.memory_space<hbm>>
            %dma_start3A_28 = arith.constant 0 : i32
            %dma_start3A_29 = tpu.memref_slice %arg7[%run_scoped3A, %dma_start3A_28] : memref<1x128xi32, #tpu.memory_space<vmem>> -> memref<1x128xi32, #tpu.memory_space<vmem>>
            %dma_start3A_30 = tpu.memref_squeeze %dma_start3A_29 : memref<1x128xi32, #tpu.memory_space<vmem>> -> memref<128xi32, #tpu.memory_space<vmem>>
            %dma_start3A_31 = tpu.memref_slice %arg4[%mul3A_22] : memref<320000xi32, #tpu.memory_space<hbm>> -> memref<128xi32, #tpu.memory_space<hbm>>
            tpu.enqueue_dma source(%dma_start3A_31 : memref<128xi32, #tpu.memory_space<hbm>>) target(%dma_start3A_30 : memref<128xi32, #tpu.memory_space<vmem>>) target_semaphore(%run_scoped3A_24 : memref<!tpu.dma_semaphore, #tpu.memory_space<semaphore_mem>>)
            %dma_wait3A = arith.constant 0 : i32
            %dma_wait3A_32 = tpu.memref_slice %arg7[%run_scoped3A, %dma_wait3A] : memref<1x128xi32, #tpu.memory_space<vmem>> -> memref<1x128xi32, #tpu.memory_space<vmem>>
            %dma_wait3A_33 = tpu.memref_squeeze %dma_wait3A_32 : memref<1x128xi32, #tpu.memory_space<vmem>> -> memref<128xi32, #tpu.memory_space<vmem>>
            %dma_wait3A_34 = tpu.memref_slice %arg4[%mul3A_22] : memref<320000xi32, #tpu.memory_space<hbm>> -> memref<128xi32, #tpu.memory_space<hbm>>
            %dma_wait3A_35 = arith.constant 0 : i32
            %dma_wait3A_36 = tpu.memref_slice %arg7[%run_scoped3A, %dma_wait3A_35] : memref<1x128xi32, #tpu.memory_space<vmem>> -> memref<1x128xi32, #tpu.memory_space<vmem>>
            %dma_wait3A_37 = tpu.memref_squeeze %dma_wait3A_36 : memref<1x128xi32, #tpu.memory_space<vmem>> -> memref<128xi32, #tpu.memory_space<vmem>>
            %dma_wait3A_38 = tpu.memref_slice %arg4[%mul3A_22] : memref<320000xi32, #tpu.memory_space<hbm>> -> memref<128xi32, #tpu.memory_space<hbm>>
            tpu.wait_dma2 semaphore(%run_scoped3A_24 : memref<!tpu.dma_semaphore, #tpu.memory_space<semaphore_mem>>) src(%dma_wait3A_38 : memref<128xi32, #tpu.memory_space<hbm>>) dst(%dma_wait3A_37 : memref<128xi32, #tpu.memory_space<vmem>>)
            tpu.yield
          }) : () -> ()
          "tpu.region"() ({
            %run_scoped3A_24 = tpu.sem_alloc : memref<!tpu.dma_semaphore, #tpu.memory_space<semaphore_mem>>
            %dma_start3A = arith.constant 0 : i32
            %dma_start3A_25 = tpu.memref_slice %arg2[%mul3A_22, %dma_start3A] : memref<320000x128xf32, #tpu.memory_space<hbm>> -> memref<128x128xf32, #tpu.memory_space<hbm>>
            %dma_start3A_26 = arith.constant 0 : i32
            %dma_start3A_27 = tpu.memref_slice %arg2[%mul3A_22, %dma_start3A_26] : memref<320000x128xf32, #tpu.memory_space<hbm>> -> memref<128x128xf32, #tpu.memory_space<hbm>>
            tpu.enqueue_dma source(%dma_start3A_27 : memref<128x128xf32, #tpu.memory_space<hbm>>) target(%arg8 : memref<128x128xf32, #tpu.memory_space<vmem>>) target_semaphore(%run_scoped3A_24 : memref<!tpu.dma_semaphore, #tpu.memory_space<semaphore_mem>>)
            %dma_wait3A = arith.constant 0 : i32
            %dma_wait3A_28 = tpu.memref_slice %arg2[%mul3A_22, %dma_wait3A] : memref<320000x128xf32, #tpu.memory_space<hbm>> -> memref<128x128xf32, #tpu.memory_space<hbm>>
            %dma_wait3A_29 = arith.constant 0 : i32
            %dma_wait3A_30 = tpu.memref_slice %arg2[%mul3A_22, %dma_wait3A_29] : memref<320000x128xf32, #tpu.memory_space<hbm>> -> memref<128x128xf32, #tpu.memory_space<hbm>>
            tpu.wait_dma2 semaphore(%run_scoped3A_24 : memref<!tpu.dma_semaphore, #tpu.memory_space<semaphore_mem>>) src(%dma_wait3A_30 : memref<128x128xf32, #tpu.memory_space<hbm>>) dst(%arg8 : memref<128x128xf32, #tpu.memory_space<vmem>>)
            tpu.yield
          }) : () -> ()
          %run_scoped3A_23 = arith.constant 0 : i32
          "tpu.region"() ({
            %run_scoped3A_24 = tpu.sem_alloc : memref<!tpu.dma_semaphore, #tpu.memory_space<semaphore_mem>>
            %dma_start3A = arith.constant 0 : i32
            %dma_start3A_25 = tpu.memref_slice %arg7[%run_scoped3A_23, %dma_start3A] : memref<1x128xi32, #tpu.memory_space<vmem>> -> memref<1x128xi32, #tpu.memory_space<vmem>>
            %dma_start3A_26 = tpu.memref_squeeze %dma_start3A_25 : memref<1x128xi32, #tpu.memory_space<vmem>> -> memref<128xi32, #tpu.memory_space<vmem>>
            %dma_start3A_27 = arith.constant 0 : i32
            %dma_start3A_28 = arith.constant 0 : i32
            %dma_start3A_29 = tpu.memref_slice %arg9[%dma_start3A_27, %dma_start3A_28] : memref<10240x128xf32, #tpu.memory_space<vmem_shared>> -> memref<10240x128xf32, #tpu.memory_space<vmem_shared>>
            tpu.enqueue_indirect_dma source(%arg8 : memref<128x128xf32, #tpu.memory_space<vmem>>) target(%dma_start3A_29 : memref<10240x128xf32, #tpu.memory_space<vmem_shared>>) offsets(%dma_start3A_26 : memref<128xi32, #tpu.memory_space<vmem>>) semaphore(%run_scoped3A_24 : memref<!tpu.dma_semaphore, #tpu.memory_space<semaphore_mem>>) {add = true}
            %dma_wait3A = arith.constant 0 : i32
            %dma_wait3A_30 = tpu.memref_slice %arg7[%run_scoped3A_23, %dma_wait3A] : memref<1x128xi32, #tpu.memory_space<vmem>> -> memref<1x128xi32, #tpu.memory_space<vmem>>
            %dma_wait3A_31 = tpu.memref_squeeze %dma_wait3A_30 : memref<1x128xi32, #tpu.memory_space<vmem>> -> memref<128xi32, #tpu.memory_space<vmem>>
            %dma_wait3A_32 = arith.constant 0 : i32
            %dma_wait3A_33 = arith.constant 0 : i32
            %dma_wait3A_34 = tpu.memref_slice %arg9[%dma_wait3A_32, %dma_wait3A_33] : memref<10240x128xf32, #tpu.memory_space<vmem_shared>> -> memref<10240x128xf32, #tpu.memory_space<vmem_shared>>
            tpu.wait_indirect_dma semaphore(%run_scoped3A_24 : memref<!tpu.dma_semaphore, #tpu.memory_space<semaphore_mem>>) src(%arg8 : memref<128x128xf32, #tpu.memory_space<vmem>>) dst(%dma_wait3A_34 : memref<10240x128xf32, #tpu.memory_space<vmem_shared>>)
            tpu.yield
          }) : () -> ()
        } else {
        }
      }
      %scan3A_13 = arith.constant 157 : i32
    } else {
    }
    %eq3A_3 = arith.constant 1 : i32
    %eq3A_4 = arith.cmpi eq, %arg0, %eq3A_3 : i32
    %convert_element_type3A_5 = arith.extui %eq3A_4 : i1 to i32
    %cond3A_6 = arith.constant 0 : i32
    %cond3A_7 = arith.cmpi ne, %convert_element_type3A_5, %cond3A_6 : i32
    scf.if %cond3A_7 {
      %scan3A = arith.constant 0 : i32
      %scan3A_9 = arith.constant 0 : i32
      %scan3A_10 = arith.constant 157 : i32
      %scan3A_11 = arith.addi %scan3A_9, %scan3A_10 : i32
      %scan3A_12 = arith.constant 1 : i32
      scf.for %scan3A_14 = %scan3A_9 to %scan3A_11 step %scan3A_12  : i32 {
        %mul3A_15 = arith.constant 157 : i32
        %mul3A_16 = arith.muli %arg1, %mul3A_15 : i32
        %add3A = arith.addi %mul3A_16, %scan3A_14 : i32
        %lt3A = arith.constant 2500 : i32
        %lt3A_17 = arith.cmpi slt, %add3A, %lt3A : i32
        %convert_element_type3A_18 = arith.extui %lt3A_17 : i1 to i32
        %cond3A_19 = arith.constant 0 : i32
        %cond3A_20 = arith.cmpi ne, %convert_element_type3A_18, %cond3A_19 : i32
        scf.if %cond3A_20 {
          %mul3A_21 = arith.constant 128 : i32
          %mul3A_22 = arith.muli %add3A, %mul3A_21 : i32
          %run_scoped3A = arith.constant 0 : i32
          "tpu.region"() ({
            %run_scoped3A_24 = tpu.sem_alloc : memref<!tpu.dma_semaphore, #tpu.memory_space<semaphore_mem>>
            %dma_start3A = arith.constant 0 : i32
            %dma_start3A_25 = tpu.memref_slice %arg7[%run_scoped3A, %dma_start3A] : memref<1x128xi32, #tpu.memory_space<vmem>> -> memref<1x128xi32, #tpu.memory_space<vmem>>
            %dma_start3A_26 = tpu.memref_squeeze %dma_start3A_25 : memref<1x128xi32, #tpu.memory_space<vmem>> -> memref<128xi32, #tpu.memory_space<vmem>>
            %dma_start3A_27 = tpu.memref_slice %arg4[%mul3A_22] : memref<320000xi32, #tpu.memory_space<hbm>> -> memref<128xi32, #tpu.memory_space<hbm>>
            %dma_start3A_28 = arith.constant 0 : i32
            %dma_start3A_29 = tpu.memref_slice %arg7[%run_scoped3A, %dma_start3A_28] : memref<1x128xi32, #tpu.memory_space<vmem>> -> memref<1x128xi32, #tpu.memory_space<vmem>>
            %dma_start3A_30 = tpu.memref_squeeze %dma_start3A_29 : memref<1x128xi32, #tpu.memory_space<vmem>> -> memref<128xi32, #tpu.memory_space<vmem>>
            %dma_start3A_31 = tpu.memref_slice %arg4[%mul3A_22] : memref<320000xi32, #tpu.memory_space<hbm>> -> memref<128xi32, #tpu.memory_space<hbm>>
            tpu.enqueue_dma source(%dma_start3A_31 : memref<128xi32, #tpu.memory_space<hbm>>) target(%dma_start3A_30 : memref<128xi32, #tpu.memory_space<vmem>>) target_semaphore(%run_scoped3A_24 : memref<!tpu.dma_semaphore, #tpu.memory_space<semaphore_mem>>)
            %dma_wait3A = arith.constant 0 : i32
            %dma_wait3A_32 = tpu.memref_slice %arg7[%run_scoped3A, %dma_wait3A] : memref<1x128xi32, #tpu.memory_space<vmem>> -> memref<1x128xi32, #tpu.memory_space<vmem>>
            %dma_wait3A_33 = tpu.memref_squeeze %dma_wait3A_32 : memref<1x128xi32, #tpu.memory_space<vmem>> -> memref<128xi32, #tpu.memory_space<vmem>>
            %dma_wait3A_34 = tpu.memref_slice %arg4[%mul3A_22] : memref<320000xi32, #tpu.memory_space<hbm>> -> memref<128xi32, #tpu.memory_space<hbm>>
            %dma_wait3A_35 = arith.constant 0 : i32
            %dma_wait3A_36 = tpu.memref_slice %arg7[%run_scoped3A, %dma_wait3A_35] : memref<1x128xi32, #tpu.memory_space<vmem>> -> memref<1x128xi32, #tpu.memory_space<vmem>>
            %dma_wait3A_37 = tpu.memref_squeeze %dma_wait3A_36 : memref<1x128xi32, #tpu.memory_space<vmem>> -> memref<128xi32, #tpu.memory_space<vmem>>
            %dma_wait3A_38 = tpu.memref_slice %arg4[%mul3A_22] : memref<320000xi32, #tpu.memory_space<hbm>> -> memref<128xi32, #tpu.memory_space<hbm>>
            tpu.wait_dma2 semaphore(%run_scoped3A_24 : memref<!tpu.dma_semaphore, #tpu.memory_space<semaphore_mem>>) src(%dma_wait3A_38 : memref<128xi32, #tpu.memory_space<hbm>>) dst(%dma_wait3A_37 : memref<128xi32, #tpu.memory_space<vmem>>)
            tpu.yield
          }) : () -> ()
          "tpu.region"() ({
            %run_scoped3A_24 = tpu.sem_alloc : memref<!tpu.dma_semaphore, #tpu.memory_space<semaphore_mem>>
            %dma_start3A = arith.constant 0 : i32
            %dma_start3A_25 = tpu.memref_slice %arg3[%mul3A_22, %dma_start3A] : memref<320000x128xf32, #tpu.memory_space<hbm>> -> memref<128x128xf32, #tpu.memory_space<hbm>>
            %dma_start3A_26 = arith.constant 0 : i32
            %dma_start3A_27 = tpu.memref_slice %arg3[%mul3A_22, %dma_start3A_26] : memref<320000x128xf32, #tpu.memory_space<hbm>> -> memref<128x128xf32, #tpu.memory_space<hbm>>
            tpu.enqueue_dma source(%dma_start3A_27 : memref<128x128xf32, #tpu.memory_space<hbm>>) target(%arg8 : memref<128x128xf32, #tpu.memory_space<vmem>>) target_semaphore(%run_scoped3A_24 : memref<!tpu.dma_semaphore, #tpu.memory_space<semaphore_mem>>)
            %dma_wait3A = arith.constant 0 : i32
            %dma_wait3A_28 = tpu.memref_slice %arg3[%mul3A_22, %dma_wait3A] : memref<320000x128xf32, #tpu.memory_space<hbm>> -> memref<128x128xf32, #tpu.memory_space<hbm>>
            %dma_wait3A_29 = arith.constant 0 : i32
            %dma_wait3A_30 = tpu.memref_slice %arg3[%mul3A_22, %dma_wait3A_29] : memref<320000x128xf32, #tpu.memory_space<hbm>> -> memref<128x128xf32, #tpu.memory_space<hbm>>
            tpu.wait_dma2 semaphore(%run_scoped3A_24 : memref<!tpu.dma_semaphore, #tpu.memory_space<semaphore_mem>>) src(%dma_wait3A_30 : memref<128x128xf32, #tpu.memory_space<hbm>>) dst(%arg8 : memref<128x128xf32, #tpu.memory_space<vmem>>)
            tpu.yield
          }) : () -> ()
          %run_scoped3A_23 = arith.constant 0 : i32
          "tpu.region"() ({
            %run_scoped3A_24 = tpu.sem_alloc : memref<!tpu.dma_semaphore, #tpu.memory_space<semaphore_mem>>
            %dma_start3A = arith.constant 0 : i32
            %dma_start3A_25 = tpu.memref_slice %arg7[%run_scoped3A_23, %dma_start3A] : memref<1x128xi32, #tpu.memory_space<vmem>> -> memref<1x128xi32, #tpu.memory_space<vmem>>
            %dma_start3A_26 = tpu.memref_squeeze %dma_start3A_25 : memref<1x128xi32, #tpu.memory_space<vmem>> -> memref<128xi32, #tpu.memory_space<vmem>>
            %dma_start3A_27 = arith.constant 0 : i32
            %dma_start3A_28 = arith.constant 0 : i32
            %dma_start3A_29 = tpu.memref_slice %arg9[%dma_start3A_27, %dma_start3A_28] : memref<10240x128xf32, #tpu.memory_space<vmem_shared>> -> memref<10240x128xf32, #tpu.memory_space<vmem_shared>>
            tpu.enqueue_indirect_dma source(%arg8 : memref<128x128xf32, #tpu.memory_space<vmem>>) target(%dma_start3A_29 : memref<10240x128xf32, #tpu.memory_space<vmem_shared>>) offsets(%dma_start3A_26 : memref<128xi32, #tpu.memory_space<vmem>>) semaphore(%run_scoped3A_24 : memref<!tpu.dma_semaphore, #tpu.memory_space<semaphore_mem>>) {add = true}
            %dma_wait3A = arith.constant 0 : i32
            %dma_wait3A_30 = tpu.memref_slice %arg7[%run_scoped3A_23, %dma_wait3A] : memref<1x128xi32, #tpu.memory_space<vmem>> -> memref<1x128xi32, #tpu.memory_space<vmem>>
            %dma_wait3A_31 = tpu.memref_squeeze %dma_wait3A_30 : memref<1x128xi32, #tpu.memory_space<vmem>> -> memref<128xi32, #tpu.memory_space<vmem>>
            %dma_wait3A_32 = arith.constant 0 : i32
            %dma_wait3A_33 = arith.constant 0 : i32
            %dma_wait3A_34 = tpu.memref_slice %arg9[%dma_wait3A_32, %dma_wait3A_33] : memref<10240x128xf32, #tpu.memory_space<vmem_shared>> -> memref<10240x128xf32, #tpu.memory_space<vmem_shared>>
            tpu.wait_indirect_dma semaphore(%run_scoped3A_24 : memref<!tpu.dma_semaphore, #tpu.memory_space<semaphore_mem>>) src(%arg8 : memref<128x128xf32, #tpu.memory_space<vmem>>) dst(%dma_wait3A_34 : memref<10240x128xf32, #tpu.memory_space<vmem_shared>>)
            tpu.yield
          }) : () -> ()
        } else {
        }
      }
      %scan3A_13 = arith.constant 157 : i32
    } else {
    }
    %barrier3A_8 = arith.constant 0 : index
    tpu.barrier barrier_id(%barrier3A_8)
    "tpu.region"() ({
      %run_scoped3A = tpu.sem_alloc : memref<!tpu.dma_semaphore, #tpu.memory_space<semaphore_mem>>
      %dma_start3A = arith.constant 0 : i32
      %dma_start3A_9 = arith.constant 0 : i32
      %dma_start3A_10 = tpu.memref_slice %arg6[%arg0, %dma_start3A, %dma_start3A_9] : memref<2x10240x128xf32, #tpu.memory_space<hbm>> -> memref<1x10240x128xf32, #tpu.memory_space<hbm>>
      %dma_start3A_11 = tpu.memref_squeeze %dma_start3A_10 : memref<1x10240x128xf32, #tpu.memory_space<hbm>> -> memref<10240x128xf32, #tpu.memory_space<hbm>>
      %dma_start3A_12 = arith.constant 0 : i32
      %dma_start3A_13 = tpu.memref_slice %dma_start3A_11[%mul3A_0, %dma_start3A_12] : memref<10240x128xf32, #tpu.memory_space<hbm>> -> memref<640x128xf32, #tpu.memory_space<hbm>>
      %dma_start3A_14 = arith.constant 0 : i32
      %dma_start3A_15 = tpu.memref_slice %arg9[%mul3A_0, %dma_start3A_14] : memref<10240x128xf32, #tpu.memory_space<vmem_shared>> -> memref<640x128xf32, #tpu.memory_space<vmem_shared>>
      tpu.enqueue_dma source(%dma_start3A_15 : memref<640x128xf32, #tpu.memory_space<vmem_shared>>) target(%dma_start3A_13 : memref<640x128xf32, #tpu.memory_space<hbm>>) target_semaphore(%run_scoped3A : memref<!tpu.dma_semaphore, #tpu.memory_space<semaphore_mem>>)
      %dma_wait3A = arith.constant 0 : i32
      %dma_wait3A_16 = arith.constant 0 : i32
      %dma_wait3A_17 = tpu.memref_slice %arg6[%arg0, %dma_wait3A, %dma_wait3A_16] : memref<2x10240x128xf32, #tpu.memory_space<hbm>> -> memref<1x10240x128xf32, #tpu.memory_space<hbm>>
      %dma_wait3A_18 = tpu.memref_squeeze %dma_wait3A_17 : memref<1x10240x128xf32, #tpu.memory_space<hbm>> -> memref<10240x128xf32, #tpu.memory_space<hbm>>
      %dma_wait3A_19 = arith.constant 0 : i32
      %dma_wait3A_20 = tpu.memref_slice %dma_wait3A_18[%mul3A_0, %dma_wait3A_19] : memref<10240x128xf32, #tpu.memory_space<hbm>> -> memref<640x128xf32, #tpu.memory_space<hbm>>
      %dma_wait3A_21 = arith.constant 0 : i32
      %dma_wait3A_22 = tpu.memref_slice %arg9[%mul3A_0, %dma_wait3A_21] : memref<10240x128xf32, #tpu.memory_space<vmem_shared>> -> memref<640x128xf32, #tpu.memory_space<vmem_shared>>
      tpu.wait_dma2 semaphore(%run_scoped3A : memref<!tpu.dma_semaphore, #tpu.memory_space<semaphore_mem>>) src(%dma_wait3A_22 : memref<640x128xf32, #tpu.memory_space<vmem_shared>>) dst(%dma_wait3A_20 : memref<640x128xf32, #tpu.memory_space<hbm>>)
      tpu.yield
    }) : () -> ()
    return
  }
}

module attributes {stable_mosaic.version = 14 : i64} {
  func.func @_proj_body_l1(%arg0: i32, %arg1: memref<2000x128xf32, #tpu.memory_space<vmem>>, %arg2: memref<2000x1xf32, #tpu.memory_space<vmem>>, %arg3: memref<128x128xf32, #tpu.memory_space<vmem>>, %arg4: memref<1x128xf32, #tpu.memory_space<vmem>>, %arg5: memref<128x128xf32, #tpu.memory_space<vmem>>, %arg6: memref<1x128xf32, #tpu.memory_space<vmem>>, %arg7: memref<128x128xf32, #tpu.memory_space<vmem>>, %arg8: memref<1x128xf32, #tpu.memory_space<vmem>>, %arg9: memref<128x128xf32, #tpu.memory_space<vmem>>, %arg10: memref<1x128xf32, #tpu.memory_space<vmem>>, %arg11: memref<2000x128xf32, #tpu.memory_space<vmem>>, %arg12: memref<2000x384xf32, #tpu.memory_space<vmem>>, %arg13: memref<2000x128xf32, #tpu.memory_space<vmem>>) attributes {dimension_semantics = [#tpu.dimension_semantics<arbitrary>], iteration_bounds = array<i64: 5>, scalar_prefetch = 0 : i64, scratch_operands = 0 : i64, tpu.core_type = #tpu.core_type<tc>, window_params = [{transform_indices = @transform_0, window_bounds = array<i64: 2000, 128>}, {transform_indices = @transform_1, window_bounds = array<i64: 2000, 1>}, {pipeline_mode = #tpu.pipeline_mode<synchronous>, transform_indices = @transform_2, window_bounds = array<i64: 128, 128>}, {pipeline_mode = #tpu.pipeline_mode<synchronous>, transform_indices = @transform_3, window_bounds = array<i64: 1, 128>}, {pipeline_mode = #tpu.pipeline_mode<synchronous>, transform_indices = @transform_4, window_bounds = array<i64: 128, 128>}, {pipeline_mode = #tpu.pipeline_mode<synchronous>, transform_indices = @transform_5, window_bounds = array<i64: 1, 128>}, {pipeline_mode = #tpu.pipeline_mode<synchronous>, transform_indices = @transform_6, window_bounds = array<i64: 128, 128>}, {pipeline_mode = #tpu.pipeline_mode<synchronous>, transform_indices = @transform_7, window_bounds = array<i64: 1, 128>}, {pipeline_mode = #tpu.pipeline_mode<synchronous>, transform_indices = @transform_8, window_bounds = array<i64: 128, 128>}, {pipeline_mode = #tpu.pipeline_mode<synchronous>, transform_indices = @transform_9, window_bounds = array<i64: 1, 128>}, {transform_indices = @transform_10, window_bounds = array<i64: 2000, 128>}, {transform_indices = @transform_11, window_bounds = array<i64: 2000, 384>}, {transform_indices = @transform_12, window_bounds = array<i64: 2000, 128>}]} {
    %get3A = arith.constant 0 : index
    %get3A_0 = arith.constant 0 : index
    %get3A_1 = vector.load %arg1[%get3A, %get3A_0] : memref<2000x128xf32, #tpu.memory_space<vmem>>, vector<2000x128xf32>
    %get3A_2 = arith.constant 0 : index
    %get3A_3 = arith.constant 0 : index
    %get3A_4 = vector.load %arg3[%get3A_2, %get3A_3] : memref<128x128xf32, #tpu.memory_space<vmem>>, vector<128x128xf32>
    %dot_general3A = arith.constant dense<0.000000e+00> : vector<2000x128xf32>
    %dot_general3A_5 = tpu.matmul %get3A_1, %get3A_4, %dot_general3A {dimension_numbers = #tpu.dot_dimension_numbers<[1], [0], [0], [1], [0, 0, 1, 1], [], []>, transpose_lhs_hint = false} : vector<2000x128xf32>, vector<128x128xf32>, vector<2000x128xf32> -> vector<2000x128xf32>
    %get3A_6 = arith.constant 0 : index
    %get3A_7 = arith.constant 0 : index
    %get3A_8 = vector.load %arg4[%get3A_6, %get3A_7] : memref<1x128xf32, #tpu.memory_space<vmem>>, vector<1x128xf32>
    %add3A = vector.broadcast %get3A_8 : vector<1x128xf32> to vector<2000x128xf32>
    %add3A_9 = arith.addf %dot_general3A_5, %add3A : vector<2000x128xf32>
    %swap3A = arith.constant 0 : index
    %swap3A_10 = arith.constant 0 : index
    %swap3A_11 = vector.load %arg11[%swap3A, %swap3A_10] : memref<2000x128xf32, #tpu.memory_space<vmem>>, vector<2000x128xf32>
    tpu.vector_store %arg11[%swap3A, %swap3A_10], %add3A_9 {strides = array<i32>} : memref<2000x128xf32, #tpu.memory_space<vmem>>, vector<2000x128xf32>,
    %get3A_12 = arith.constant 0 : index
    %get3A_13 = arith.constant 0 : index
    %get3A_14 = vector.load %arg5[%get3A_12, %get3A_13] : memref<128x128xf32, #tpu.memory_space<vmem>>, vector<128x128xf32>
    %dot_general3A_15 = arith.constant dense<0.000000e+00> : vector<2000x128xf32>
    %dot_general3A_16 = tpu.matmul %get3A_1, %get3A_14, %dot_general3A_15 {dimension_numbers = #tpu.dot_dimension_numbers<[1], [0], [0], [1], [0, 0, 1, 1], [], []>, transpose_lhs_hint = false} : vector<2000x128xf32>, vector<128x128xf32>, vector<2000x128xf32> -> vector<2000x128xf32>
    %get3A_17 = arith.constant 0 : index
    %get3A_18 = arith.constant 0 : index
    %get3A_19 = vector.load %arg6[%get3A_17, %get3A_18] : memref<1x128xf32, #tpu.memory_space<vmem>>, vector<1x128xf32>
    %add3A_20 = vector.broadcast %get3A_19 : vector<1x128xf32> to vector<2000x128xf32>
    %add3A_21 = arith.addf %dot_general3A_16, %add3A_20 : vector<2000x128xf32>
    %swap3A_22 = arith.constant 0 : index
    %swap3A_23 = arith.constant 0 : index
    %swap3A_24 = vector.load %arg12[%swap3A_22, %swap3A_23] : memref<2000x384xf32, #tpu.memory_space<vmem>>, vector<2000x128xf32>
    tpu.vector_store %arg12[%swap3A_22, %swap3A_23], %add3A_21 {strides = array<i32>} : memref<2000x384xf32, #tpu.memory_space<vmem>>, vector<2000x128xf32>,
    %get3A_25 = arith.constant 0 : index
    %get3A_26 = arith.constant 0 : index
    %get3A_27 = vector.load %arg7[%get3A_25, %get3A_26] : memref<128x128xf32, #tpu.memory_space<vmem>>, vector<128x128xf32>
    %dot_general3A_28 = arith.constant dense<0.000000e+00> : vector<2000x128xf32>
    %dot_general3A_29 = tpu.matmul %get3A_1, %get3A_27, %dot_general3A_28 {dimension_numbers = #tpu.dot_dimension_numbers<[1], [0], [0], [1], [0, 0, 1, 1], [], []>, transpose_lhs_hint = false} : vector<2000x128xf32>, vector<128x128xf32>, vector<2000x128xf32> -> vector<2000x128xf32>
    %get3A_30 = arith.constant 0 : index
    %get3A_31 = arith.constant 0 : index
    %get3A_32 = vector.load %arg8[%get3A_30, %get3A_31] : memref<1x128xf32, #tpu.memory_space<vmem>>, vector<1x128xf32>
    %add3A_33 = vector.broadcast %get3A_32 : vector<1x128xf32> to vector<2000x128xf32>
    %add3A_34 = arith.addf %dot_general3A_29, %add3A_33 : vector<2000x128xf32>
    %swap3A_35 = arith.constant 0 : index
    %swap3A_36 = arith.constant 128 : index
    %swap3A_37 = vector.load %arg12[%swap3A_35, %swap3A_36] : memref<2000x384xf32, #tpu.memory_space<vmem>>, vector<2000x128xf32>
    tpu.vector_store %arg12[%swap3A_35, %swap3A_36], %add3A_34 {strides = array<i32>} : memref<2000x384xf32, #tpu.memory_space<vmem>>, vector<2000x128xf32>,
    %get3A_38 = arith.constant 0 : index
    %get3A_39 = arith.constant 0 : index
    %get3A_40 = vector.load %arg2[%get3A_38, %get3A_39] : memref<2000x1xf32, #tpu.memory_space<vmem>>, vector<2000x1xf32>
    %broadcast_in_dim3A = vector.shape_cast %get3A_40 : vector<2000x1xf32> to vector<2000x1xf32>
    %broadcast_in_dim3A_41 = vector.broadcast %broadcast_in_dim3A : vector<2000x1xf32> to vector<2000x128xf32>
    %swap3A_42 = arith.constant 0 : index
    %swap3A_43 = arith.constant 256 : index
    %swap3A_44 = vector.load %arg12[%swap3A_42, %swap3A_43] : memref<2000x384xf32, #tpu.memory_space<vmem>>, vector<2000x128xf32>
    tpu.vector_store %arg12[%swap3A_42, %swap3A_43], %broadcast_in_dim3A_41 {strides = array<i32>} : memref<2000x384xf32, #tpu.memory_space<vmem>>, vector<2000x128xf32>,
    %get3A_45 = arith.constant 0 : index
    %get3A_46 = arith.constant 0 : index
    %get3A_47 = vector.load %arg9[%get3A_45, %get3A_46] : memref<128x128xf32, #tpu.memory_space<vmem>>, vector<128x128xf32>
    %dot_general3A_48 = arith.constant dense<0.000000e+00> : vector<2000x128xf32>
    %dot_general3A_49 = tpu.matmul %get3A_1, %get3A_47, %dot_general3A_48 {dimension_numbers = #tpu.dot_dimension_numbers<[1], [0], [0], [1], [0, 0, 1, 1], [], []>, transpose_lhs_hint = false} : vector<2000x128xf32>, vector<128x128xf32>, vector<2000x128xf32> -> vector<2000x128xf32>
    %get3A_50 = arith.constant 0 : index
    %get3A_51 = arith.constant 0 : index
    %get3A_52 = vector.load %arg10[%get3A_50, %get3A_51] : memref<1x128xf32, #tpu.memory_space<vmem>>, vector<1x128xf32>
    %add3A_53 = vector.broadcast %get3A_52 : vector<1x128xf32> to vector<2000x128xf32>
    %add3A_54 = arith.addf %dot_general3A_49, %add3A_53 : vector<2000x128xf32>
    %swap3A_55 = arith.constant 0 : index
    %swap3A_56 = arith.constant 0 : index
    %swap3A_57 = vector.load %arg13[%swap3A_55, %swap3A_56] : memref<2000x128xf32, #tpu.memory_space<vmem>>, vector<2000x128xf32>
    tpu.vector_store %arg13[%swap3A_55, %swap3A_56], %add3A_54 {strides = array<i32>} : memref<2000x128xf32, #tpu.memory_space<vmem>>, vector<2000x128xf32>,
    return
  }
  func.func @transform_0(%arg0: i32) -> (i32, i32) {
    %c0_i32 = arith.constant 0 : i32
    %c0_i32_0 = arith.constant 0 : i32
    return %arg0, %c0_i32 : i32, i32
  }
  func.func @transform_1(%arg0: i32) -> (i32, i32) {
    %c0_i32 = arith.constant 0 : i32
    %c0_i32_0 = arith.constant 0 : i32
    return %arg0, %c0_i32 : i32, i32
  }
  func.func @transform_2(%arg0: i32) -> (i32, i32) {
    %c0_i32 = arith.constant 0 : i32
    %c0_i32_0 = arith.constant 0 : i32
    %c0_i32_1 = arith.constant 0 : i32
    return %c0_i32, %c0_i32_0 : i32, i32
  }
  func.func @transform_3(%arg0: i32) -> (i32, i32) {
    %c0_i32 = arith.constant 0 : i32
    %c0_i32_0 = arith.constant 0 : i32
    %c0_i32_1 = arith.constant 0 : i32
    return %c0_i32, %c0_i32_0 : i32, i32
  }
  func.func @transform_4(%arg0: i32) -> (i32, i32) {
    %c0_i32 = arith.constant 0 : i32
    %c0_i32_0 = arith.constant 0 : i32
    %c0_i32_1 = arith.constant 0 : i32
    return %c0_i32, %c0_i32_0 : i32, i32
  }
  func.func @transform_5(%arg0: i32) -> (i32, i32) {
    %c0_i32 = arith.constant 0 : i32
    %c0_i32_0 = arith.constant 0 : i32
    %c0_i32_1 = arith.constant 0 : i32
    return %c0_i32, %c0_i32_0 : i32, i32
  }
  func.func @transform_6(%arg0: i32) -> (i32, i32) {
    %c0_i32 = arith.constant 0 : i32
    %c0_i32_0 = arith.constant 0 : i32
    %c0_i32_1 = arith.constant 0 : i32
    return %c0_i32, %c0_i32_0 : i32, i32
  }
  func.func @transform_7(%arg0: i32) -> (i32, i32) {
    %c0_i32 = arith.constant 0 : i32
    %c0_i32_0 = arith.constant 0 : i32
    %c0_i32_1 = arith.constant 0 : i32
    return %c0_i32, %c0_i32_0 : i32, i32
  }
  func.func @transform_8(%arg0: i32) -> (i32, i32) {
    %c0_i32 = arith.constant 0 : i32
    %c0_i32_0 = arith.constant 0 : i32
    %c0_i32_1 = arith.constant 0 : i32
    return %c0_i32, %c0_i32_0 : i32, i32
  }
  func.func @transform_9(%arg0: i32) -> (i32, i32) {
    %c0_i32 = arith.constant 0 : i32
    %c0_i32_0 = arith.constant 0 : i32
    %c0_i32_1 = arith.constant 0 : i32
    return %c0_i32, %c0_i32_0 : i32, i32
  }
  func.func @transform_10(%arg0: i32) -> (i32, i32) {
    %c0_i32 = arith.constant 0 : i32
    %c0_i32_0 = arith.constant 0 : i32
    return %arg0, %c0_i32 : i32, i32
  }
  func.func @transform_11(%arg0: i32) -> (i32, i32) {
    %c0_i32 = arith.constant 0 : i32
    %c0_i32_0 = arith.constant 0 : i32
    return %arg0, %c0_i32 : i32, i32
  }
  func.func @transform_12(%arg0: i32) -> (i32, i32) {
    %c0_i32 = arith.constant 0 : i32
    %c0_i32_0 = arith.constant 0 : i32
    return %arg0, %c0_i32 : i32, i32
  }
}

module attributes {stable_mosaic.version = 14 : i64} {
  func.func @_edge_body_l1(%arg0: i32, %arg1: memref<2000x128xf32, #tpu.memory_space<vmem>>, %arg2: memref<2000x384xf32, #tpu.memory_space<vmem>>, %arg3: memref<2000x1xf32, #tpu.memory_space<vmem>>, %arg4: memref<2000x16xf32, #tpu.memory_space<vmem>>, %arg5: memref<1x32xf32, #tpu.memory_space<vmem>>, %arg6: memref<1x32xf32, #tpu.memory_space<vmem>>, %arg7: memref<48x128xf32, #tpu.memory_space<vmem>>, %arg8: memref<2000x128xf32, #tpu.memory_space<vmem>>, %arg9: memref<2000x128xf32, #tpu.memory_space<vmem>>, %arg10: memref<2000x1xf32, #tpu.memory_space<vmem>>) attributes {dimension_semantics = [#tpu.dimension_semantics<arbitrary>], iteration_bounds = array<i64: 160>, scalar_prefetch = 0 : i64, scratch_operands = 0 : i64, tpu.core_type = #tpu.core_type<tc>, window_params = [{transform_indices = @transform_0, window_bounds = array<i64: 2000, 128>}, {transform_indices = @transform_1, window_bounds = array<i64: 2000, 384>}, {transform_indices = @transform_2, window_bounds = array<i64: 2000, 1>}, {transform_indices = @transform_3, window_bounds = array<i64: 2000, 16>}, {pipeline_mode = #tpu.pipeline_mode<synchronous>, transform_indices = @transform_4, window_bounds = array<i64: 1, 32>}, {pipeline_mode = #tpu.pipeline_mode<synchronous>, transform_indices = @transform_5, window_bounds = array<i64: 1, 32>}, {pipeline_mode = #tpu.pipeline_mode<synchronous>, transform_indices = @transform_6, window_bounds = array<i64: 48, 128>}, {transform_indices = @transform_7, window_bounds = array<i64: 2000, 128>}, {transform_indices = @transform_8, window_bounds = array<i64: 2000, 128>}, {transform_indices = @transform_9, window_bounds = array<i64: 2000, 1>}]} {
    %get3A = arith.constant 0 : index
    %get3A_0 = arith.constant 256 : index
    %get3A_1 = vector.load %arg2[%get3A, %get3A_0] : memref<2000x384xf32, #tpu.memory_space<vmem>>, vector<2000x1xf32>
    %get3A_2 = arith.constant 0 : index
    %get3A_3 = arith.constant 0 : index
    %get3A_4 = vector.load %arg3[%get3A_2, %get3A_3] : memref<2000x1xf32, #tpu.memory_space<vmem>>, vector<2000x1xf32>
    %sub3A = arith.subf %get3A_1, %get3A_4 : vector<2000x1xf32>
    %get3A_5 = arith.constant 0 : index
    %get3A_6 = arith.constant 0 : index
    %get3A_7 = vector.load %arg1[%get3A_5, %get3A_6] : memref<2000x128xf32, #tpu.memory_space<vmem>>, vector<2000x128xf32>
    %get3A_8 = arith.constant 0 : index
    %get3A_9 = arith.constant 0 : index
    %get3A_10 = vector.load %arg2[%get3A_8, %get3A_9] : memref<2000x384xf32, #tpu.memory_space<vmem>>, vector<2000x128xf32>
    %get3A_11 = arith.constant 0 : index
    %get3A_12 = arith.constant 128 : index
    %get3A_13 = vector.load %arg2[%get3A_11, %get3A_12] : memref<2000x384xf32, #tpu.memory_space<vmem>>, vector<2000x128xf32>
    %get3A_14 = arith.constant 0 : index
    %get3A_15 = arith.constant 0 : index
    %get3A_16 = vector.load %arg4[%get3A_14, %get3A_15] : memref<2000x16xf32, #tpu.memory_space<vmem>>, vector<2000x16xf32>
    %get3A_17 = arith.constant 0 : index
    %get3A_18 = arith.constant 0 : index
    %get3A_19 = vector.load %arg5[%get3A_17, %get3A_18] : memref<1x32xf32, #tpu.memory_space<vmem>>, vector<1x32xf32>
    %get3A_20 = arith.constant 0 : index
    %get3A_21 = arith.constant 0 : index
    %get3A_22 = vector.load %arg6[%get3A_20, %get3A_21] : memref<1x32xf32, #tpu.memory_space<vmem>>, vector<1x32xf32>
    %get3A_23 = arith.constant 0 : index
    %get3A_24 = arith.constant 0 : index
    %get3A_25 = vector.load %arg7[%get3A_23, %get3A_24] : memref<48x128xf32, #tpu.memory_space<vmem>>, vector<48x128xf32>
    %mul3A = vector.broadcast %sub3A : vector<2000x1xf32> to vector<2000x32xf32>
    %mul3A_26 = vector.broadcast %get3A_19 : vector<1x32xf32> to vector<2000x32xf32>
    %mul3A_27 = arith.mulf %mul3A, %mul3A_26 : vector<2000x32xf32>
    %add3A = vector.broadcast %get3A_22 : vector<1x32xf32> to vector<2000x32xf32>
    %add3A_28 = arith.addf %mul3A_27, %add3A : vector<2000x32xf32>
    %cos3A = math.cos %add3A_28 : vector<2000x32xf32>
    %concatenate3A = tpu.concatenate %cos3A, %get3A_16 in 1 : vector<2000x32xf32>, vector<2000x16xf32> -> vector<2000x48xf32>
    %dot_general3A = arith.constant dense<0.000000e+00> : vector<2000x128xf32>
    %dot_general3A_29 = tpu.matmul %concatenate3A, %get3A_25, %dot_general3A {dimension_numbers = #tpu.dot_dimension_numbers<[1], [0], [0], [1], [0, 0, 1, 1], [], []>, transpose_lhs_hint = false} : vector<2000x48xf32>, vector<48x128xf32>, vector<2000x128xf32> -> vector<2000x128xf32>
    %add3A_30 = arith.addf %get3A_10, %dot_general3A_29 : vector<2000x128xf32>
    %add3A_31 = arith.addf %get3A_13, %dot_general3A_29 : vector<2000x128xf32>
    %mul3A_32 = arith.mulf %get3A_7, %add3A_30 : vector<2000x128xf32>
    %iota3A = tpu.iota {dimensions = array<i32: 0>} : vector<128x4xi32>
    %jit3A = arith.constant 32 : i32
    %div3A = vector.broadcast %jit3A : i32 to vector<128x4xi32>
    %div3A_33 = arith.divsi %iota3A, %div3A : vector<128x4xi32>
    %sign3A = arith.constant 0 : i32
    %sign3A_34 = vector.broadcast %sign3A : i32 to vector<128x4xi32>
    %sign3A_35 = arith.cmpi sgt, %iota3A, %sign3A_34 : vector<128x4xi32>
    %sign3A_36 = arith.extui %sign3A_35 : vector<128x4xi1> to vector<128x4xi32>
    %sign3A_37 = arith.constant 0 : i32
    %sign3A_38 = vector.broadcast %sign3A_37 : i32 to vector<128x4xi32>
    %sign3A_39 = arith.cmpi slt, %iota3A, %sign3A_38 : vector<128x4xi32>
    %sign3A_40 = arith.extui %sign3A_39 : vector<128x4xi1> to vector<128x4xi32>
    %sign3A_41 = arith.subi %sign3A_36, %sign3A_40 : vector<128x4xi32>
    %sign3A_42 = arith.constant 0 : i32
    %sign3A_43 = arith.cmpi sgt, %jit3A, %sign3A_42 : i32
    %sign3A_44 = arith.extui %sign3A_43 : i1 to i32
    %sign3A_45 = arith.constant 0 : i32
    %sign3A_46 = arith.cmpi slt, %jit3A, %sign3A_45 : i32
    %sign3A_47 = arith.extui %sign3A_46 : i1 to i32
    %sign3A_48 = arith.subi %sign3A_44, %sign3A_47 : i32
    %ne3A = vector.broadcast %sign3A_48 : i32 to vector<128x4xi32>
    %ne3A_49 = arith.cmpi ne, %sign3A_41, %ne3A : vector<128x4xi32>
    %rem3A = vector.broadcast %jit3A : i32 to vector<128x4xi32>
    %rem3A_50 = arith.remsi %iota3A, %rem3A : vector<128x4xi32>
    %ne3A_51 = arith.constant 0 : i32
    %ne3A_52 = vector.broadcast %ne3A_51 : i32 to vector<128x4xi32>
    %ne3A_53 = arith.cmpi ne, %rem3A_50, %ne3A_52 : vector<128x4xi32>
    %and3A = arith.andi %ne3A_49, %ne3A_53 : vector<128x4xi1>
    %sub3A_54 = arith.constant 1 : i32
    %sub3A_55 = vector.broadcast %sub3A_54 : i32 to vector<128x4xi32>
    %sub3A_56 = arith.subi %div3A_33, %sub3A_55 : vector<128x4xi32>
    %select_n3A = arith.select %and3A, %sub3A_56, %div3A_33 : vector<128x4xi1>, vector<128x4xi32>
    %iota3A_57 = tpu.iota {dimensions = array<i32: 1>} : vector<128x4xi32>
    %eq3A = arith.cmpi eq, %select_n3A, %iota3A_57 : vector<128x4xi32>
    %convert_element_type3A = arith.extui %eq3A : vector<128x4xi1> to vector<128x4xi32>
    %convert_element_type3A_58 = arith.sitofp %convert_element_type3A : vector<128x4xi32> to vector<128x4xf32>
    %dot_general3A_59 = arith.constant dense<0.000000e+00> : vector<2000x4xf32>
    %dot_general3A_60 = tpu.matmul %mul3A_32, %convert_element_type3A_58, %dot_general3A_59 {dimension_numbers = #tpu.dot_dimension_numbers<[1], [0], [0], [1], [0, 0, 1, 1], [], []>, transpose_lhs_hint = false} : vector<2000x128xf32>, vector<128x4xf32>, vector<2000x4xf32> -> vector<2000x4xf32>
    %mul3A_61 = arith.constant 0.176776692 : f32
    %mul3A_62 = vector.broadcast %mul3A_61 : f32 to vector<2000x4xf32>
    %mul3A_63 = arith.mulf %dot_general3A_60, %mul3A_62 : vector<2000x4xf32>
    %exp3A = math.exp %mul3A_63 : vector<2000x4xf32>
    %iota3A_64 = tpu.iota {dimensions = array<i32: 1>} : vector<4x128xi32>
    %jit3A_65 = arith.constant 32 : i32
    %div3A_66 = vector.broadcast %jit3A_65 : i32 to vector<4x128xi32>
    %div3A_67 = arith.divsi %iota3A_64, %div3A_66 : vector<4x128xi32>
    %sign3A_68 = arith.constant 0 : i32
    %sign3A_69 = vector.broadcast %sign3A_68 : i32 to vector<4x128xi32>
    %sign3A_70 = arith.cmpi sgt, %iota3A_64, %sign3A_69 : vector<4x128xi32>
    %sign3A_71 = arith.extui %sign3A_70 : vector<4x128xi1> to vector<4x128xi32>
    %sign3A_72 = arith.constant 0 : i32
    %sign3A_73 = vector.broadcast %sign3A_72 : i32 to vector<4x128xi32>
    %sign3A_74 = arith.cmpi slt, %iota3A_64, %sign3A_73 : vector<4x128xi32>
    %sign3A_75 = arith.extui %sign3A_74 : vector<4x128xi1> to vector<4x128xi32>
    %sign3A_76 = arith.subi %sign3A_71, %sign3A_75 : vector<4x128xi32>
    %sign3A_77 = arith.constant 0 : i32
    %sign3A_78 = arith.cmpi sgt, %jit3A_65, %sign3A_77 : i32
    %sign3A_79 = arith.extui %sign3A_78 : i1 to i32
    %sign3A_80 = arith.constant 0 : i32
    %sign3A_81 = arith.cmpi slt, %jit3A_65, %sign3A_80 : i32
    %sign3A_82 = arith.extui %sign3A_81 : i1 to i32
    %sign3A_83 = arith.subi %sign3A_79, %sign3A_82 : i32
    %ne3A_84 = vector.broadcast %sign3A_83 : i32 to vector<4x128xi32>
    %ne3A_85 = arith.cmpi ne, %sign3A_76, %ne3A_84 : vector<4x128xi32>
    %rem3A_86 = vector.broadcast %jit3A_65 : i32 to vector<4x128xi32>
    %rem3A_87 = arith.remsi %iota3A_64, %rem3A_86 : vector<4x128xi32>
    %ne3A_88 = arith.constant 0 : i32
    %ne3A_89 = vector.broadcast %ne3A_88 : i32 to vector<4x128xi32>
    %ne3A_90 = arith.cmpi ne, %rem3A_87, %ne3A_89 : vector<4x128xi32>
    %and3A_91 = arith.andi %ne3A_85, %ne3A_90 : vector<4x128xi1>
    %sub3A_92 = arith.constant 1 : i32
    %sub3A_93 = vector.broadcast %sub3A_92 : i32 to vector<4x128xi32>
    %sub3A_94 = arith.subi %div3A_67, %sub3A_93 : vector<4x128xi32>
    %select_n3A_95 = arith.select %and3A_91, %sub3A_94, %div3A_67 : vector<4x128xi1>, vector<4x128xi32>
    %iota3A_96 = tpu.iota {dimensions = array<i32: 0>} : vector<4x128xi32>
    %eq3A_97 = arith.cmpi eq, %select_n3A_95, %iota3A_96 : vector<4x128xi32>
    %convert_element_type3A_98 = arith.extui %eq3A_97 : vector<4x128xi1> to vector<4x128xi32>
    %convert_element_type3A_99 = arith.sitofp %convert_element_type3A_98 : vector<4x128xi32> to vector<4x128xf32>
    %dot_general3A_100 = arith.constant dense<0.000000e+00> : vector<2000x128xf32>
    %dot_general3A_101 = tpu.matmul %exp3A, %convert_element_type3A_99, %dot_general3A_100 {dimension_numbers = #tpu.dot_dimension_numbers<[1], [0], [0], [1], [0, 0, 1, 1], [], []>, transpose_lhs_hint = false} : vector<2000x4xf32>, vector<4x128xf32>, vector<2000x128xf32> -> vector<2000x128xf32>
    %mul3A_102 = arith.mulf %add3A_31, %dot_general3A_101 : vector<2000x128xf32>
    %swap3A = arith.constant 0 : index
    %swap3A_103 = arith.constant 0 : index
    %swap3A_104 = vector.load %arg8[%swap3A, %swap3A_103] : memref<2000x128xf32, #tpu.memory_space<vmem>>, vector<2000x128xf32>
    tpu.vector_store %arg8[%swap3A, %swap3A_103], %mul3A_102 {strides = array<i32>} : memref<2000x128xf32, #tpu.memory_space<vmem>>, vector<2000x128xf32>,
    %swap3A_105 = arith.constant 0 : index
    %swap3A_106 = arith.constant 0 : index
    %swap3A_107 = vector.load %arg9[%swap3A_105, %swap3A_106] : memref<2000x128xf32, #tpu.memory_space<vmem>>, vector<2000x128xf32>
    tpu.vector_store %arg9[%swap3A_105, %swap3A_106], %dot_general3A_101 {strides = array<i32>} : memref<2000x128xf32, #tpu.memory_space<vmem>>, vector<2000x128xf32>,
    %swap3A_108 = arith.constant 0 : index
    %swap3A_109 = arith.constant 0 : index
    %swap3A_110 = vector.load %arg10[%swap3A_108, %swap3A_109] : memref<2000x1xf32, #tpu.memory_space<vmem>>, vector<2000x1xf32>
    tpu.vector_store %arg10[%swap3A_108, %swap3A_109], %sub3A {strides = array<i32>} : memref<2000x1xf32, #tpu.memory_space<vmem>>, vector<2000x1xf32>,
    return
  }
  func.func @transform_0(%arg0: i32) -> (i32, i32) {
    %c0_i32 = arith.constant 0 : i32
    %c0_i32_0 = arith.constant 0 : i32
    return %arg0, %c0_i32 : i32, i32
  }
  func.func @transform_1(%arg0: i32) -> (i32, i32) {
    %c0_i32 = arith.constant 0 : i32
    %c0_i32_0 = arith.constant 0 : i32
    return %arg0, %c0_i32 : i32, i32
  }
  func.func @transform_2(%arg0: i32) -> (i32, i32) {
    %c0_i32 = arith.constant 0 : i32
    %c0_i32_0 = arith.constant 0 : i32
    return %arg0, %c0_i32 : i32, i32
  }
  func.func @transform_3(%arg0: i32) -> (i32, i32) {
    %c0_i32 = arith.constant 0 : i32
    %c0_i32_0 = arith.constant 0 : i32
    return %arg0, %c0_i32 : i32, i32
  }
  func.func @transform_4(%arg0: i32) -> (i32, i32) {
    %c0_i32 = arith.constant 0 : i32
    %c0_i32_0 = arith.constant 0 : i32
    %c0_i32_1 = arith.constant 0 : i32
    return %c0_i32, %c0_i32_0 : i32, i32
  }
  func.func @transform_5(%arg0: i32) -> (i32, i32) {
    %c0_i32 = arith.constant 0 : i32
    %c0_i32_0 = arith.constant 0 : i32
    %c0_i32_1 = arith.constant 0 : i32
    return %c0_i32, %c0_i32_0 : i32, i32
  }
  func.func @transform_6(%arg0: i32) -> (i32, i32) {
    %c0_i32 = arith.constant 0 : i32
    %c0_i32_0 = arith.constant 0 : i32
    %c0_i32_1 = arith.constant 0 : i32
    return %c0_i32, %c0_i32_0 : i32, i32
  }
  func.func @transform_7(%arg0: i32) -> (i32, i32) {
    %c0_i32 = arith.constant 0 : i32
    %c0_i32_0 = arith.constant 0 : i32
    return %arg0, %c0_i32 : i32, i32
  }
  func.func @transform_8(%arg0: i32) -> (i32, i32) {
    %c0_i32 = arith.constant 0 : i32
    %c0_i32_0 = arith.constant 0 : i32
    return %arg0, %c0_i32 : i32, i32
  }
  func.func @transform_9(%arg0: i32) -> (i32, i32) {
    %c0_i32 = arith.constant 0 : i32
    %c0_i32_0 = arith.constant 0 : i32
    return %arg0, %c0_i32 : i32, i32
  }
}

module attributes {stable_mosaic.version = 14 : i64} {
  func.func @_combine_body(%arg0: i32, %arg1: memref<2x2000x128xf32, #tpu.memory_space<vmem>>, %arg2: memref<2000x128xf32, #tpu.memory_space<vmem>>, %arg3: memref<2000x128xf32, #tpu.memory_space<vmem>>) attributes {dimension_semantics = [#tpu.dimension_semantics<arbitrary>], iteration_bounds = array<i64: 5>, scalar_prefetch = 0 : i64, scratch_operands = 0 : i64, tpu.core_type = #tpu.core_type<tc>, window_params = [{transform_indices = @transform_0, window_bounds = array<i64: 2, 2000, 128>}, {transform_indices = @transform_1, window_bounds = array<i64: 2000, 128>}, {transform_indices = @transform_2, window_bounds = array<i64: 2000, 128>}]} {
    %get3A = arith.constant 0 : index
    %get3A_0 = arith.constant 0 : index
    %get3A_1 = arith.constant 0 : index
    %get3A_2 = vector.load %arg1[%get3A, %get3A_0, %get3A_1] : memref<2x2000x128xf32, #tpu.memory_space<vmem>>, vector<1x2000x128xf32>
    %get3A_3 = vector.shape_cast %get3A_2 : vector<1x2000x128xf32> to vector<2000x128xf32>
    %get3A_4 = arith.constant 1 : index
    %get3A_5 = arith.constant 0 : index
    %get3A_6 = arith.constant 0 : index
    %get3A_7 = vector.load %arg1[%get3A_4, %get3A_5, %get3A_6] : memref<2x2000x128xf32, #tpu.memory_space<vmem>>, vector<1x2000x128xf32>
    %get3A_8 = vector.shape_cast %get3A_7 : vector<1x2000x128xf32> to vector<2000x128xf32>
    %add3A = arith.constant 1.000000e-16 : f32
    %add3A_9 = vector.broadcast %add3A : f32 to vector<2000x128xf32>
    %add3A_10 = arith.addf %get3A_8, %add3A_9 : vector<2000x128xf32>
    %div3A = arith.divf %get3A_3, %add3A_10 : vector<2000x128xf32>
    %get3A_11 = arith.constant 0 : index
    %get3A_12 = arith.constant 0 : index
    %get3A_13 = vector.load %arg2[%get3A_11, %get3A_12] : memref<2000x128xf32, #tpu.memory_space<vmem>>, vector<2000x128xf32>
    %add3A_14 = arith.addf %div3A, %get3A_13 : vector<2000x128xf32>
    %swap3A = arith.constant 0 : index
    %swap3A_15 = arith.constant 0 : index
    %swap3A_16 = vector.load %arg3[%swap3A, %swap3A_15] : memref<2000x128xf32, #tpu.memory_space<vmem>>, vector<2000x128xf32>
    tpu.vector_store %arg3[%swap3A, %swap3A_15], %add3A_14 {strides = array<i32>} : memref<2000x128xf32, #tpu.memory_space<vmem>>, vector<2000x128xf32>,
    return
  }
  func.func @transform_0(%arg0: i32) -> (i32, i32, i32) {
    %c0_i32 = arith.constant 0 : i32
    %c0_i32_0 = arith.constant 0 : i32
    %c0_i32_1 = arith.constant 0 : i32
    return %c0_i32, %arg0, %c0_i32_0 : i32, i32, i32
  }
  func.func @transform_1(%arg0: i32) -> (i32, i32) {
    %c0_i32 = arith.constant 0 : i32
    %c0_i32_0 = arith.constant 0 : i32
    return %arg0, %c0_i32 : i32, i32
  }
  func.func @transform_2(%arg0: i32) -> (i32, i32) {
    %c0_i32 = arith.constant 0 : i32
    %c0_i32_0 = arith.constant 0 : i32
    return %arg0, %c0_i32 : i32, i32
  }
}

module attributes {stable_mosaic.version = 14 : i64} {
  func.func @_proj_body_l2(%arg0: i32, %arg1: memref<2000x128xf32, #tpu.memory_space<vmem>>, %arg2: memref<128x128xf32, #tpu.memory_space<vmem>>, %arg3: memref<1x128xf32, #tpu.memory_space<vmem>>, %arg4: memref<128x128xf32, #tpu.memory_space<vmem>>, %arg5: memref<1x128xf32, #tpu.memory_space<vmem>>, %arg6: memref<128x128xf32, #tpu.memory_space<vmem>>, %arg7: memref<1x128xf32, #tpu.memory_space<vmem>>, %arg8: memref<128x128xf32, #tpu.memory_space<vmem>>, %arg9: memref<1x128xf32, #tpu.memory_space<vmem>>, %arg10: memref<2000x128xf32, #tpu.memory_space<vmem>>, %arg11: memref<2000x256xf32, #tpu.memory_space<vmem>>, %arg12: memref<2000x128xf32, #tpu.memory_space<vmem>>) attributes {dimension_semantics = [#tpu.dimension_semantics<arbitrary>], iteration_bounds = array<i64: 5>, scalar_prefetch = 0 : i64, scratch_operands = 0 : i64, tpu.core_type = #tpu.core_type<tc>, window_params = [{transform_indices = @transform_0, window_bounds = array<i64: 2000, 128>}, {pipeline_mode = #tpu.pipeline_mode<synchronous>, transform_indices = @transform_1, window_bounds = array<i64: 128, 128>}, {pipeline_mode = #tpu.pipeline_mode<synchronous>, transform_indices = @transform_2, window_bounds = array<i64: 1, 128>}, {pipeline_mode = #tpu.pipeline_mode<synchronous>, transform_indices = @transform_3, window_bounds = array<i64: 128, 128>}, {pipeline_mode = #tpu.pipeline_mode<synchronous>, transform_indices = @transform_4, window_bounds = array<i64: 1, 128>}, {pipeline_mode = #tpu.pipeline_mode<synchronous>, transform_indices = @transform_5, window_bounds = array<i64: 128, 128>}, {pipeline_mode = #tpu.pipeline_mode<synchronous>, transform_indices = @transform_6, window_bounds = array<i64: 1, 128>}, {pipeline_mode = #tpu.pipeline_mode<synchronous>, transform_indices = @transform_7, window_bounds = array<i64: 128, 128>}, {pipeline_mode = #tpu.pipeline_mode<synchronous>, transform_indices = @transform_8, window_bounds = array<i64: 1, 128>}, {transform_indices = @transform_9, window_bounds = array<i64: 2000, 128>}, {transform_indices = @transform_10, window_bounds = array<i64: 2000, 256>}, {transform_indices = @transform_11, window_bounds = array<i64: 2000, 128>}]} {
    %get3A = arith.constant 0 : index
    %get3A_0 = arith.constant 0 : index
    %get3A_1 = vector.load %arg1[%get3A, %get3A_0] : memref<2000x128xf32, #tpu.memory_space<vmem>>, vector<2000x128xf32>
    %get3A_2 = arith.constant 0 : index
    %get3A_3 = arith.constant 0 : index
    %get3A_4 = vector.load %arg2[%get3A_2, %get3A_3] : memref<128x128xf32, #tpu.memory_space<vmem>>, vector<128x128xf32>
    %dot_general3A = arith.constant dense<0.000000e+00> : vector<2000x128xf32>
    %dot_general3A_5 = tpu.matmul %get3A_1, %get3A_4, %dot_general3A {dimension_numbers = #tpu.dot_dimension_numbers<[1], [0], [0], [1], [0, 0, 1, 1], [], []>, transpose_lhs_hint = false} : vector<2000x128xf32>, vector<128x128xf32>, vector<2000x128xf32> -> vector<2000x128xf32>
    %get3A_6 = arith.constant 0 : index
    %get3A_7 = arith.constant 0 : index
    %get3A_8 = vector.load %arg3[%get3A_6, %get3A_7] : memref<1x128xf32, #tpu.memory_space<vmem>>, vector<1x128xf32>
    %add3A = vector.broadcast %get3A_8 : vector<1x128xf32> to vector<2000x128xf32>
    %add3A_9 = arith.addf %dot_general3A_5, %add3A : vector<2000x128xf32>
    %swap3A = arith.constant 0 : index
    %swap3A_10 = arith.constant 0 : index
    %swap3A_11 = vector.load %arg10[%swap3A, %swap3A_10] : memref<2000x128xf32, #tpu.memory_space<vmem>>, vector<2000x128xf32>
    tpu.vector_store %arg10[%swap3A, %swap3A_10], %add3A_9 {strides = array<i32>} : memref<2000x128xf32, #tpu.memory_space<vmem>>, vector<2000x128xf32>,
    %get3A_12 = arith.constant 0 : index
    %get3A_13 = arith.constant 0 : index
    %get3A_14 = vector.load %arg4[%get3A_12, %get3A_13] : memref<128x128xf32, #tpu.memory_space<vmem>>, vector<128x128xf32>
    %dot_general3A_15 = arith.constant dense<0.000000e+00> : vector<2000x128xf32>
    %dot_general3A_16 = tpu.matmul %get3A_1, %get3A_14, %dot_general3A_15 {dimension_numbers = #tpu.dot_dimension_numbers<[1], [0], [0], [1], [0, 0, 1, 1], [], []>, transpose_lhs_hint = false} : vector<2000x128xf32>, vector<128x128xf32>, vector<2000x128xf32> -> vector<2000x128xf32>
    %get3A_17 = arith.constant 0 : index
    %get3A_18 = arith.constant 0 : index
    %get3A_19 = vector.load %arg5[%get3A_17, %get3A_18] : memref<1x128xf32, #tpu.memory_space<vmem>>, vector<1x128xf32>
    %add3A_20 = vector.broadcast %get3A_19 : vector<1x128xf32> to vector<2000x128xf32>
    %add3A_21 = arith.addf %dot_general3A_16, %add3A_20 : vector<2000x128xf32>
    %swap3A_22 = arith.constant 0 : index
    %swap3A_23 = arith.constant 0 : index
    %swap3A_24 = vector.load %arg11[%swap3A_22, %swap3A_23] : memref<2000x256xf32, #tpu.memory_space<vmem>>, vector<2000x128xf32>
    tpu.vector_store %arg11[%swap3A_22, %swap3A_23], %add3A_21 {strides = array<i32>} : memref<2000x256xf32, #tpu.memory_space<vmem>>, vector<2000x128xf32>,
    %get3A_25 = arith.constant 0 : index
    %get3A_26 = arith.constant 0 : index
    %get3A_27 = vector.load %arg6[%get3A_25, %get3A_26] : memref<128x128xf32, #tpu.memory_space<vmem>>, vector<128x128xf32>
    %dot_general3A_28 = arith.constant dense<0.000000e+00> : vector<2000x128xf32>
    %dot_general3A_29 = tpu.matmul %get3A_1, %get3A_27, %dot_general3A_28 {dimension_numbers = #tpu.dot_dimension_numbers<[1], [0], [0], [1], [0, 0, 1, 1], [], []>, transpose_lhs_hint = false} : vector<2000x128xf32>, vector<128x128xf32>, vector<2000x128xf32> -> vector<2000x128xf32>
    %get3A_30 = arith.constant 0 : index
    %get3A_31 = arith.constant 0 : index
    %get3A_32 = vector.load %arg7[%get3A_30, %get3A_31] : memref<1x128xf32, #tpu.memory_space<vmem>>, vector<1x128xf32>
    %add3A_33 = vector.broadcast %get3A_32 : vector<1x128xf32> to vector<2000x128xf32>
    %add3A_34 = arith.addf %dot_general3A_29, %add3A_33 : vector<2000x128xf32>
    %swap3A_35 = arith.constant 0 : index
    %swap3A_36 = arith.constant 128 : index
    %swap3A_37 = vector.load %arg11[%swap3A_35, %swap3A_36] : memref<2000x256xf32, #tpu.memory_space<vmem>>, vector<2000x128xf32>
    tpu.vector_store %arg11[%swap3A_35, %swap3A_36], %add3A_34 {strides = array<i32>} : memref<2000x256xf32, #tpu.memory_space<vmem>>, vector<2000x128xf32>,
    %get3A_38 = arith.constant 0 : index
    %get3A_39 = arith.constant 0 : index
    %get3A_40 = vector.load %arg8[%get3A_38, %get3A_39] : memref<128x128xf32, #tpu.memory_space<vmem>>, vector<128x128xf32>
    %dot_general3A_41 = arith.constant dense<0.000000e+00> : vector<2000x128xf32>
    %dot_general3A_42 = tpu.matmul %get3A_1, %get3A_40, %dot_general3A_41 {dimension_numbers = #tpu.dot_dimension_numbers<[1], [0], [0], [1], [0, 0, 1, 1], [], []>, transpose_lhs_hint = false} : vector<2000x128xf32>, vector<128x128xf32>, vector<2000x128xf32> -> vector<2000x128xf32>
    %get3A_43 = arith.constant 0 : index
    %get3A_44 = arith.constant 0 : index
    %get3A_45 = vector.load %arg9[%get3A_43, %get3A_44] : memref<1x128xf32, #tpu.memory_space<vmem>>, vector<1x128xf32>
    %add3A_46 = vector.broadcast %get3A_45 : vector<1x128xf32> to vector<2000x128xf32>
    %add3A_47 = arith.addf %dot_general3A_42, %add3A_46 : vector<2000x128xf32>
    %swap3A_48 = arith.constant 0 : index
    %swap3A_49 = arith.constant 0 : index
    %swap3A_50 = vector.load %arg12[%swap3A_48, %swap3A_49] : memref<2000x128xf32, #tpu.memory_space<vmem>>, vector<2000x128xf32>
    tpu.vector_store %arg12[%swap3A_48, %swap3A_49], %add3A_47 {strides = array<i32>} : memref<2000x128xf32, #tpu.memory_space<vmem>>, vector<2000x128xf32>,
    return
  }
  func.func @transform_0(%arg0: i32) -> (i32, i32) {
    %c0_i32 = arith.constant 0 : i32
    %c0_i32_0 = arith.constant 0 : i32
    return %arg0, %c0_i32 : i32, i32
  }
  func.func @transform_1(%arg0: i32) -> (i32, i32) {
    %c0_i32 = arith.constant 0 : i32
    %c0_i32_0 = arith.constant 0 : i32
    %c0_i32_1 = arith.constant 0 : i32
    return %c0_i32, %c0_i32_0 : i32, i32
  }
  func.func @transform_2(%arg0: i32) -> (i32, i32) {
    %c0_i32 = arith.constant 0 : i32
    %c0_i32_0 = arith.constant 0 : i32
    %c0_i32_1 = arith.constant 0 : i32
    return %c0_i32, %c0_i32_0 : i32, i32
  }
  func.func @transform_3(%arg0: i32) -> (i32, i32) {
    %c0_i32 = arith.constant 0 : i32
    %c0_i32_0 = arith.constant 0 : i32
    %c0_i32_1 = arith.constant 0 : i32
    return %c0_i32, %c0_i32_0 : i32, i32
  }
  func.func @transform_4(%arg0: i32) -> (i32, i32) {
    %c0_i32 = arith.constant 0 : i32
    %c0_i32_0 = arith.constant 0 : i32
    %c0_i32_1 = arith.constant 0 : i32
    return %c0_i32, %c0_i32_0 : i32, i32
  }
  func.func @transform_5(%arg0: i32) -> (i32, i32) {
    %c0_i32 = arith.constant 0 : i32
    %c0_i32_0 = arith.constant 0 : i32
    %c0_i32_1 = arith.constant 0 : i32
    return %c0_i32, %c0_i32_0 : i32, i32
  }
  func.func @transform_6(%arg0: i32) -> (i32, i32) {
    %c0_i32 = arith.constant 0 : i32
    %c0_i32_0 = arith.constant 0 : i32
    %c0_i32_1 = arith.constant 0 : i32
    return %c0_i32, %c0_i32_0 : i32, i32
  }
  func.func @transform_7(%arg0: i32) -> (i32, i32) {
    %c0_i32 = arith.constant 0 : i32
    %c0_i32_0 = arith.constant 0 : i32
    %c0_i32_1 = arith.constant 0 : i32
    return %c0_i32, %c0_i32_0 : i32, i32
  }
  func.func @transform_8(%arg0: i32) -> (i32, i32) {
    %c0_i32 = arith.constant 0 : i32
    %c0_i32_0 = arith.constant 0 : i32
    %c0_i32_1 = arith.constant 0 : i32
    return %c0_i32, %c0_i32_0 : i32, i32
  }
  func.func @transform_9(%arg0: i32) -> (i32, i32) {
    %c0_i32 = arith.constant 0 : i32
    %c0_i32_0 = arith.constant 0 : i32
    return %arg0, %c0_i32 : i32, i32
  }
  func.func @transform_10(%arg0: i32) -> (i32, i32) {
    %c0_i32 = arith.constant 0 : i32
    %c0_i32_0 = arith.constant 0 : i32
    return %arg0, %c0_i32 : i32, i32
  }
  func.func @transform_11(%arg0: i32) -> (i32, i32) {
    %c0_i32 = arith.constant 0 : i32
    %c0_i32_0 = arith.constant 0 : i32
    return %arg0, %c0_i32 : i32, i32
  }
}

module attributes {stable_mosaic.version = 14 : i64} {
  func.func @_edge_body_l2(%arg0: i32, %arg1: memref<2000x128xf32, #tpu.memory_space<vmem>>, %arg2: memref<2000x256xf32, #tpu.memory_space<vmem>>, %arg3: memref<2000x1xf32, #tpu.memory_space<vmem>>, %arg4: memref<2000x16xf32, #tpu.memory_space<vmem>>, %arg5: memref<1x32xf32, #tpu.memory_space<vmem>>, %arg6: memref<1x32xf32, #tpu.memory_space<vmem>>, %arg7: memref<48x128xf32, #tpu.memory_space<vmem>>, %arg8: memref<2000x128xf32, #tpu.memory_space<vmem>>, %arg9: memref<2000x128xf32, #tpu.memory_space<vmem>>) attributes {dimension_semantics = [#tpu.dimension_semantics<arbitrary>], iteration_bounds = array<i64: 160>, scalar_prefetch = 0 : i64, scratch_operands = 0 : i64, tpu.core_type = #tpu.core_type<tc>, window_params = [{transform_indices = @transform_0, window_bounds = array<i64: 2000, 128>}, {transform_indices = @transform_1, window_bounds = array<i64: 2000, 256>}, {transform_indices = @transform_2, window_bounds = array<i64: 2000, 1>}, {transform_indices = @transform_3, window_bounds = array<i64: 2000, 16>}, {pipeline_mode = #tpu.pipeline_mode<synchronous>, transform_indices = @transform_4, window_bounds = array<i64: 1, 32>}, {pipeline_mode = #tpu.pipeline_mode<synchronous>, transform_indices = @transform_5, window_bounds = array<i64: 1, 32>}, {pipeline_mode = #tpu.pipeline_mode<synchronous>, transform_indices = @transform_6, window_bounds = array<i64: 48, 128>}, {transform_indices = @transform_7, window_bounds = array<i64: 2000, 128>}, {transform_indices = @transform_8, window_bounds = array<i64: 2000, 128>}]} {
    %get3A = arith.constant 0 : index
    %get3A_0 = arith.constant 0 : index
    %get3A_1 = vector.load %arg1[%get3A, %get3A_0] : memref<2000x128xf32, #tpu.memory_space<vmem>>, vector<2000x128xf32>
    %get3A_2 = arith.constant 0 : index
    %get3A_3 = arith.constant 0 : index
    %get3A_4 = vector.load %arg2[%get3A_2, %get3A_3] : memref<2000x256xf32, #tpu.memory_space<vmem>>, vector<2000x128xf32>
    %get3A_5 = arith.constant 0 : index
    %get3A_6 = arith.constant 128 : index
    %get3A_7 = vector.load %arg2[%get3A_5, %get3A_6] : memref<2000x256xf32, #tpu.memory_space<vmem>>, vector<2000x128xf32>
    %get3A_8 = arith.constant 0 : index
    %get3A_9 = arith.constant 0 : index
    %get3A_10 = vector.load %arg3[%get3A_8, %get3A_9] : memref<2000x1xf32, #tpu.memory_space<vmem>>, vector<2000x1xf32>
    %get3A_11 = arith.constant 0 : index
    %get3A_12 = arith.constant 0 : index
    %get3A_13 = vector.load %arg4[%get3A_11, %get3A_12] : memref<2000x16xf32, #tpu.memory_space<vmem>>, vector<2000x16xf32>
    %get3A_14 = arith.constant 0 : index
    %get3A_15 = arith.constant 0 : index
    %get3A_16 = vector.load %arg5[%get3A_14, %get3A_15] : memref<1x32xf32, #tpu.memory_space<vmem>>, vector<1x32xf32>
    %get3A_17 = arith.constant 0 : index
    %get3A_18 = arith.constant 0 : index
    %get3A_19 = vector.load %arg6[%get3A_17, %get3A_18] : memref<1x32xf32, #tpu.memory_space<vmem>>, vector<1x32xf32>
    %get3A_20 = arith.constant 0 : index
    %get3A_21 = arith.constant 0 : index
    %get3A_22 = vector.load %arg7[%get3A_20, %get3A_21] : memref<48x128xf32, #tpu.memory_space<vmem>>, vector<48x128xf32>
    %mul3A = vector.broadcast %get3A_10 : vector<2000x1xf32> to vector<2000x32xf32>
    %mul3A_23 = vector.broadcast %get3A_16 : vector<1x32xf32> to vector<2000x32xf32>
    %mul3A_24 = arith.mulf %mul3A, %mul3A_23 : vector<2000x32xf32>
    %add3A = vector.broadcast %get3A_19 : vector<1x32xf32> to vector<2000x32xf32>
    %add3A_25 = arith.addf %mul3A_24, %add3A : vector<2000x32xf32>
    %cos3A = math.cos %add3A_25 : vector<2000x32xf32>
    %concatenate3A = tpu.concatenate %cos3A, %get3A_13 in 1 : vector<2000x32xf32>, vector<2000x16xf32> -> vector<2000x48xf32>
    %dot_general3A = arith.constant dense<0.000000e+00> : vector<2000x128xf32>
    %dot_general3A_26 = tpu.matmul %concatenate3A, %get3A_22, %dot_general3A {dimension_numbers = #tpu.dot_dimension_numbers<[1], [0], [0], [1], [0, 0, 1, 1], [], []>, transpose_lhs_hint = false} : vector<2000x48xf32>, vector<48x128xf32>, vector<2000x128xf32> -> vector<2000x128xf32>
    %add3A_27 = arith.addf %get3A_4, %dot_general3A_26 : vector<2000x128xf32>
    %add3A_28 = arith.addf %get3A_7, %dot_general3A_26 : vector<2000x128xf32>
    %mul3A_29 = arith.mulf %get3A_1, %add3A_27 : vector<2000x128xf32>
    %iota3A = tpu.iota {dimensions = array<i32: 0>} : vector<128x4xi32>
    %jit3A = arith.constant 32 : i32
    %div3A = vector.broadcast %jit3A : i32 to vector<128x4xi32>
    %div3A_30 = arith.divsi %iota3A, %div3A : vector<128x4xi32>
    %sign3A = arith.constant 0 : i32
    %sign3A_31 = vector.broadcast %sign3A : i32 to vector<128x4xi32>
    %sign3A_32 = arith.cmpi sgt, %iota3A, %sign3A_31 : vector<128x4xi32>
    %sign3A_33 = arith.extui %sign3A_32 : vector<128x4xi1> to vector<128x4xi32>
    %sign3A_34 = arith.constant 0 : i32
    %sign3A_35 = vector.broadcast %sign3A_34 : i32 to vector<128x4xi32>
    %sign3A_36 = arith.cmpi slt, %iota3A, %sign3A_35 : vector<128x4xi32>
    %sign3A_37 = arith.extui %sign3A_36 : vector<128x4xi1> to vector<128x4xi32>
    %sign3A_38 = arith.subi %sign3A_33, %sign3A_37 : vector<128x4xi32>
    %sign3A_39 = arith.constant 0 : i32
    %sign3A_40 = arith.cmpi sgt, %jit3A, %sign3A_39 : i32
    %sign3A_41 = arith.extui %sign3A_40 : i1 to i32
    %sign3A_42 = arith.constant 0 : i32
    %sign3A_43 = arith.cmpi slt, %jit3A, %sign3A_42 : i32
    %sign3A_44 = arith.extui %sign3A_43 : i1 to i32
    %sign3A_45 = arith.subi %sign3A_41, %sign3A_44 : i32
    %ne3A = vector.broadcast %sign3A_45 : i32 to vector<128x4xi32>
    %ne3A_46 = arith.cmpi ne, %sign3A_38, %ne3A : vector<128x4xi32>
    %rem3A = vector.broadcast %jit3A : i32 to vector<128x4xi32>
    %rem3A_47 = arith.remsi %iota3A, %rem3A : vector<128x4xi32>
    %ne3A_48 = arith.constant 0 : i32
    %ne3A_49 = vector.broadcast %ne3A_48 : i32 to vector<128x4xi32>
    %ne3A_50 = arith.cmpi ne, %rem3A_47, %ne3A_49 : vector<128x4xi32>
    %and3A = arith.andi %ne3A_46, %ne3A_50 : vector<128x4xi1>
    %sub3A = arith.constant 1 : i32
    %sub3A_51 = vector.broadcast %sub3A : i32 to vector<128x4xi32>
    %sub3A_52 = arith.subi %div3A_30, %sub3A_51 : vector<128x4xi32>
    %select_n3A = arith.select %and3A, %sub3A_52, %div3A_30 : vector<128x4xi1>, vector<128x4xi32>
    %iota3A_53 = tpu.iota {dimensions = array<i32: 1>} : vector<128x4xi32>
    %eq3A = arith.cmpi eq, %select_n3A, %iota3A_53 : vector<128x4xi32>
    %convert_element_type3A = arith.extui %eq3A : vector<128x4xi1> to vector<128x4xi32>
    %convert_element_type3A_54 = arith.sitofp %convert_element_type3A : vector<128x4xi32> to vector<128x4xf32>
    %dot_general3A_55 = arith.constant dense<0.000000e+00> : vector<2000x4xf32>
    %dot_general3A_56 = tpu.matmul %mul3A_29, %convert_element_type3A_54, %dot_general3A_55 {dimension_numbers = #tpu.dot_dimension_numbers<[1], [0], [0], [1], [0, 0, 1, 1], [], []>, transpose_lhs_hint = false} : vector<2000x128xf32>, vector<128x4xf32>, vector<2000x4xf32> -> vector<2000x4xf32>
    %mul3A_57 = arith.constant 0.176776692 : f32
    %mul3A_58 = vector.broadcast %mul3A_57 : f32 to vector<2000x4xf32>
    %mul3A_59 = arith.mulf %dot_general3A_56, %mul3A_58 : vector<2000x4xf32>
    %exp3A = math.exp %mul3A_59 : vector<2000x4xf32>
    %iota3A_60 = tpu.iota {dimensions = array<i32: 1>} : vector<4x128xi32>
    %jit3A_61 = arith.constant 32 : i32
    %div3A_62 = vector.broadcast %jit3A_61 : i32 to vector<4x128xi32>
    %div3A_63 = arith.divsi %iota3A_60, %div3A_62 : vector<4x128xi32>
    %sign3A_64 = arith.constant 0 : i32
    %sign3A_65 = vector.broadcast %sign3A_64 : i32 to vector<4x128xi32>
    %sign3A_66 = arith.cmpi sgt, %iota3A_60, %sign3A_65 : vector<4x128xi32>
    %sign3A_67 = arith.extui %sign3A_66 : vector<4x128xi1> to vector<4x128xi32>
    %sign3A_68 = arith.constant 0 : i32
    %sign3A_69 = vector.broadcast %sign3A_68 : i32 to vector<4x128xi32>
    %sign3A_70 = arith.cmpi slt, %iota3A_60, %sign3A_69 : vector<4x128xi32>
    %sign3A_71 = arith.extui %sign3A_70 : vector<4x128xi1> to vector<4x128xi32>
    %sign3A_72 = arith.subi %sign3A_67, %sign3A_71 : vector<4x128xi32>
    %sign3A_73 = arith.constant 0 : i32
    %sign3A_74 = arith.cmpi sgt, %jit3A_61, %sign3A_73 : i32
    %sign3A_75 = arith.extui %sign3A_74 : i1 to i32
    %sign3A_76 = arith.constant 0 : i32
    %sign3A_77 = arith.cmpi slt, %jit3A_61, %sign3A_76 : i32
    %sign3A_78 = arith.extui %sign3A_77 : i1 to i32
    %sign3A_79 = arith.subi %sign3A_75, %sign3A_78 : i32
    %ne3A_80 = vector.broadcast %sign3A_79 : i32 to vector<4x128xi32>
    %ne3A_81 = arith.cmpi ne, %sign3A_72, %ne3A_80 : vector<4x128xi32>
    %rem3A_82 = vector.broadcast %jit3A_61 : i32 to vector<4x128xi32>
    %rem3A_83 = arith.remsi %iota3A_60, %rem3A_82 : vector<4x128xi32>
    %ne3A_84 = arith.constant 0 : i32
    %ne3A_85 = vector.broadcast %ne3A_84 : i32 to vector<4x128xi32>
    %ne3A_86 = arith.cmpi ne, %rem3A_83, %ne3A_85 : vector<4x128xi32>
    %and3A_87 = arith.andi %ne3A_81, %ne3A_86 : vector<4x128xi1>
    %sub3A_88 = arith.constant 1 : i32
    %sub3A_89 = vector.broadcast %sub3A_88 : i32 to vector<4x128xi32>
    %sub3A_90 = arith.subi %div3A_63, %sub3A_89 : vector<4x128xi32>
    %select_n3A_91 = arith.select %and3A_87, %sub3A_90, %div3A_63 : vector<4x128xi1>, vector<4x128xi32>
    %iota3A_92 = tpu.iota {dimensions = array<i32: 0>} : vector<4x128xi32>
    %eq3A_93 = arith.cmpi eq, %select_n3A_91, %iota3A_92 : vector<4x128xi32>
    %convert_element_type3A_94 = arith.extui %eq3A_93 : vector<4x128xi1> to vector<4x128xi32>
    %convert_element_type3A_95 = arith.sitofp %convert_element_type3A_94 : vector<4x128xi32> to vector<4x128xf32>
    %dot_general3A_96 = arith.constant dense<0.000000e+00> : vector<2000x128xf32>
    %dot_general3A_97 = tpu.matmul %exp3A, %convert_element_type3A_95, %dot_general3A_96 {dimension_numbers = #tpu.dot_dimension_numbers<[1], [0], [0], [1], [0, 0, 1, 1], [], []>, transpose_lhs_hint = false} : vector<2000x4xf32>, vector<4x128xf32>, vector<2000x128xf32> -> vector<2000x128xf32>
    %mul3A_98 = arith.mulf %add3A_28, %dot_general3A_97 : vector<2000x128xf32>
    %swap3A = arith.constant 0 : index
    %swap3A_99 = arith.constant 0 : index
    %swap3A_100 = vector.load %arg8[%swap3A, %swap3A_99] : memref<2000x128xf32, #tpu.memory_space<vmem>>, vector<2000x128xf32>
    tpu.vector_store %arg8[%swap3A, %swap3A_99], %mul3A_98 {strides = array<i32>} : memref<2000x128xf32, #tpu.memory_space<vmem>>, vector<2000x128xf32>,
    %swap3A_101 = arith.constant 0 : index
    %swap3A_102 = arith.constant 0 : index
    %swap3A_103 = vector.load %arg9[%swap3A_101, %swap3A_102] : memref<2000x128xf32, #tpu.memory_space<vmem>>, vector<2000x128xf32>
    tpu.vector_store %arg9[%swap3A_101, %swap3A_102], %dot_general3A_97 {strides = array<i32>} : memref<2000x128xf32, #tpu.memory_space<vmem>>, vector<2000x128xf32>,
    return
  }
  func.func @transform_0(%arg0: i32) -> (i32, i32) {
    %c0_i32 = arith.constant 0 : i32
    %c0_i32_0 = arith.constant 0 : i32
    return %arg0, %c0_i32 : i32, i32
  }
  func.func @transform_1(%arg0: i32) -> (i32, i32) {
    %c0_i32 = arith.constant 0 : i32
    %c0_i32_0 = arith.constant 0 : i32
    return %arg0, %c0_i32 : i32, i32
  }
  func.func @transform_2(%arg0: i32) -> (i32, i32) {
    %c0_i32 = arith.constant 0 : i32
    %c0_i32_0 = arith.constant 0 : i32
    return %arg0, %c0_i32 : i32, i32
  }
  func.func @transform_3(%arg0: i32) -> (i32, i32) {
    %c0_i32 = arith.constant 0 : i32
    %c0_i32_0 = arith.constant 0 : i32
    return %arg0, %c0_i32 : i32, i32
  }
  func.func @transform_4(%arg0: i32) -> (i32, i32) {
    %c0_i32 = arith.constant 0 : i32
    %c0_i32_0 = arith.constant 0 : i32
    %c0_i32_1 = arith.constant 0 : i32
    return %c0_i32, %c0_i32_0 : i32, i32
  }
  func.func @transform_5(%arg0: i32) -> (i32, i32) {
    %c0_i32 = arith.constant 0 : i32
    %c0_i32_0 = arith.constant 0 : i32
    %c0_i32_1 = arith.constant 0 : i32
    return %c0_i32, %c0_i32_0 : i32, i32
  }
  func.func @transform_6(%arg0: i32) -> (i32, i32) {
    %c0_i32 = arith.constant 0 : i32
    %c0_i32_0 = arith.constant 0 : i32
    %c0_i32_1 = arith.constant 0 : i32
    return %c0_i32, %c0_i32_0 : i32, i32
  }
  func.func @transform_7(%arg0: i32) -> (i32, i32) {
    %c0_i32 = arith.constant 0 : i32
    %c0_i32_0 = arith.constant 0 : i32
    return %arg0, %c0_i32 : i32, i32
  }
  func.func @transform_8(%arg0: i32) -> (i32, i32) {
    %c0_i32 = arith.constant 0 : i32
    %c0_i32_0 = arith.constant 0 : i32
    return %arg0, %c0_i32 : i32, i32
  }
}

module attributes {stable_mosaic.version = 14 : i64} {
  func.func @_combine_body(%arg0: i32, %arg1: memref<2x2000x128xf32, #tpu.memory_space<vmem>>, %arg2: memref<2000x128xf32, #tpu.memory_space<vmem>>, %arg3: memref<2000x128xf32, #tpu.memory_space<vmem>>) attributes {dimension_semantics = [#tpu.dimension_semantics<arbitrary>], iteration_bounds = array<i64: 5>, scalar_prefetch = 0 : i64, scratch_operands = 0 : i64, tpu.core_type = #tpu.core_type<tc>, window_params = [{transform_indices = @transform_0, window_bounds = array<i64: 2, 2000, 128>}, {transform_indices = @transform_1, window_bounds = array<i64: 2000, 128>}, {transform_indices = @transform_2, window_bounds = array<i64: 2000, 128>}]} {
    %get3A = arith.constant 0 : index
    %get3A_0 = arith.constant 0 : index
    %get3A_1 = arith.constant 0 : index
    %get3A_2 = vector.load %arg1[%get3A, %get3A_0, %get3A_1] : memref<2x2000x128xf32, #tpu.memory_space<vmem>>, vector<1x2000x128xf32>
    %get3A_3 = vector.shape_cast %get3A_2 : vector<1x2000x128xf32> to vector<2000x128xf32>
    %get3A_4 = arith.constant 1 : index
    %get3A_5 = arith.constant 0 : index
    %get3A_6 = arith.constant 0 : index
    %get3A_7 = vector.load %arg1[%get3A_4, %get3A_5, %get3A_6] : memref<2x2000x128xf32, #tpu.memory_space<vmem>>, vector<1x2000x128xf32>
    %get3A_8 = vector.shape_cast %get3A_7 : vector<1x2000x128xf32> to vector<2000x128xf32>
    %add3A = arith.constant 1.000000e-16 : f32
    %add3A_9 = vector.broadcast %add3A : f32 to vector<2000x128xf32>
    %add3A_10 = arith.addf %get3A_8, %add3A_9 : vector<2000x128xf32>
    %div3A = arith.divf %get3A_3, %add3A_10 : vector<2000x128xf32>
    %get3A_11 = arith.constant 0 : index
    %get3A_12 = arith.constant 0 : index
    %get3A_13 = vector.load %arg2[%get3A_11, %get3A_12] : memref<2000x128xf32, #tpu.memory_space<vmem>>, vector<2000x128xf32>
    %add3A_14 = arith.addf %div3A, %get3A_13 : vector<2000x128xf32>
    %swap3A = arith.constant 0 : index
    %swap3A_15 = arith.constant 0 : index
    %swap3A_16 = vector.load %arg3[%swap3A, %swap3A_15] : memref<2000x128xf32, #tpu.memory_space<vmem>>, vector<2000x128xf32>
    tpu.vector_store %arg3[%swap3A, %swap3A_15], %add3A_14 {strides = array<i32>} : memref<2000x128xf32, #tpu.memory_space<vmem>>, vector<2000x128xf32>,
    return
  }
  func.func @transform_0(%arg0: i32) -> (i32, i32, i32) {
    %c0_i32 = arith.constant 0 : i32
    %c0_i32_0 = arith.constant 0 : i32
    %c0_i32_1 = arith.constant 0 : i32
    return %c0_i32, %arg0, %c0_i32_0 : i32, i32, i32
  }
  func.func @transform_1(%arg0: i32) -> (i32, i32) {
    %c0_i32 = arith.constant 0 : i32
    %c0_i32_0 = arith.constant 0 : i32
    return %arg0, %c0_i32 : i32, i32
  }
  func.func @transform_2(%arg0: i32) -> (i32, i32) {
    %c0_i32 = arith.constant 0 : i32
    %c0_i32_0 = arith.constant 0 : i32
    return %arg0, %c0_i32 : i32, i32
  }
}

</mosaic_0001>

<sc_bundles>
// kernel: kernel.12.cloned.1.call-start
scs
__scs_entry_jumppad:
0x0: {  	(pc) =	sbr.rel $0x88, $3  }
0x1: {  	(tag) =	ssettag $0x0;
	lr =	simm.s32 $0x1  }
0x2: {  	[smem:$0x3F88] =	sst lr;
	_ =	strace $0xD0000000  }
0x3: {  	_ = 	snop  }
0x4: {  	_ = 	snop  }
0x5: {  	_ = 	snop  }
0x6: {  	_ = 	snop  }
0x7: {  	_ = 	snop  }
__scs_overlays_trampoline_lowered:
0x8: {  	[smem:$0x3F97] =	sst s0  }
0x9: {  	[smem:$0x3F98] =	sst s1  }
0xa: {  	[smem:$0x3F99] =	sst s2  }
0xb: {  	[smem:$0x3F9A] =	sst s3  }
0xc: {  	[smem:$0x3F9B] =	sst s4  }
0xd: {  	[smem:$0x3F9C] =	sst s5  }
0xe: {  	[smem:$0x3F9D] =	sst s6  }
0xf: {  	[smem:$0x3F9E] =	sst s7  }
0x10: {  	[smem:$0x3F9F] =	sst s8  }
0x11: {  	[smem:$0x3FA0] =	sst s9;
	s0 =	simm.s32 @!p0 $0x0  }
0x12: {  	s1 =	sld [smem:$0x3F86];
	s0 =	simm.s32 @p0 $0x1  }
0x13: {  	[smem:$0x3FA1] =	sst s0;
	s0 =	simm.s32 @!p1 $0x0  }
0x14: {  	s2 =	sld [smem:$0x3F85];
	s0 =	simm.s32 @p1 $0x1  }
0x15: {  	[smem:$0x3FA2] =	sst s0;
	s0 =	simm.s32 @!p2 $0x0  }
0x16: {  	s3 =	sld [smem:$0x3FDB];
	s0 =	simm.s32 @p2 $0x1  }
0x17: {  	s4 =	simm.s32 $0x1BF5;
	[smem:$0x3FA4] =	sst s0  }
0x18: {  	s0 =	sld [smem:$0x3F87];
	_ =	swait.ge [sflag:s4], $0x0  }
0x19: {  	s7 =	sld [smem:$0x3F88]  }
0x1a: {  	s8 =	sadd.s32 $0xFFFFE003, lr  }
0x1b: {  	s9 =	sadd.s32 $0xFFFFFEF7, lr;
	s5 =	simm.s32 $0xFFFFFFFF;
	p2 =	slt.u32 s8, $0xFFFFF086  }
0x1c: {  	p1 =	slt.u32 s9, $0xF7A;
	s5 =	simm.s32 @!p2 $0x0  }
0x1d: {  	s5 =	simm.s32 @p1 $0x1;
	p0 =	seq.s32 s7, s2  }
0x1e: {  	s7 =	smul.u32 @!p0 $0xF7A, s2;
	p2 =	seq.s32 @!p0 s5, $0x0  }
0x1f: {  	s9 =	smul.u32 $0xF7A, s1;
	s8 =	simm.s32 @!p0 $0x1BF5;
	p2 =	por !p2, p0  }
0x20: {  	[sflag:s8] =	ssyncset.s32 @!p0 $0xFFFFF086;
	s6 =	sadd.s32 @!p0 s3, s7;
	s7 =	simm.s32 @!p0 $0x108  }
0x21: {  	s3 =	sadd.s32 s3, s9;
	s6 =	sadd.s32 @!p0 $0x88, s6;
	s7 =	simm.s32 @p2 $0x1082  }
0x22: {  	[simem:s7], [sflag:s8] =	dma.local @!p0 [hbm:s6], $0xF7A  }
0x23: {  	s9 =	sor.u32 $0xD0000000, s2;
	s6 =	simm.s32 $0x108;
	_ =	swait.ge @!p0 [sflag:s8], $0x0  }
0x24: {  	s3 =	sadd.s32 $0x88, s3;
	s6 =	simm.s32 @!p1 $0x1082;
	[sflag:s4] =	ssyncset.s32 $0xFFFFF086  }
0x25: {  	[simem:s6], [sflag:s4] =	dma.local [hbm:s3], $0xF7A  }
0x26: {  	[smem:$0x3F88] =	sst s1;
	(tag) =	ssettag s2;
	_ =	strace s9  }
0x27: {  	s1 =	sld [smem:$0x3F98]  }
0x28: {  	s2 =	sld [smem:$0x3F99]  }
0x29: {  	s4 =	sld [smem:$0x3F9B]  }
0x2a: {  	p0 =	seq.s32 s5, $0x0;
	s5 =	sld [smem:$0x3F9C]  }
0x2b: {  	s6 =	sld [smem:$0x3F9D]  }
0x2c: {  	s7 =	sld [smem:$0x3F9E]  }
0x2d: {  	s3 =	simm.s32 $0x108;
	s8 =	sld [smem:$0x3F9F]  }
0x2e: {  	s3 =	simm.s32 @!p0 $0x1082;
	s9 =	sld [smem:$0x3FA0]  }
0x2f: {  	lr =	sadd.s32 s0, s3;
	s0 =	sld [smem:$0x3F97]  }
0x30: {  	s3 =	sld [smem:$0x3F9A]  }
0x31: {  	[smem:$0x3FA3] =	sst s10  }
0x32: {  	s10 =	sld [smem:$0x3FA1];
	_ =	sdelay $0x3  }
0x33: {  	p0 =	seq.s32 s10, $0x1;
	s10 =	sld [smem:$0x3FA3];
	_ =	sdelay $0x3  }
0x34: {  	[smem:$0x3FA3] =	sst s10  }
0x35: {  	s10 =	sld [smem:$0x3FA2];
	_ =	sdelay $0x3  }
0x36: {  	p1 =	seq.s32 s10, $0x1;
	s10 =	sld [smem:$0x3FA3];
	_ =	sdelay $0x3  }
0x37: {  	[smem:$0x3FA3] =	sst s10  }
0x38: {  	s10 =	sld [smem:$0x3FA4]  }
0x39: {  	_ = 	snop;
	(pc) =	sbr.ind lr, $3  }
0x3a: {  	_ = 	snop  }
0x3b: {  	_ = 	snop  }
0x3c: {  	p2 =	seq.s32 s10, $0x1;
	s10 =	sld [smem:$0x3FA3]  }
0x3d: {  	_ =	shalt  }
0x3e: {  	_ =	shalt  }
0x3f: {  	_ =	shalt  }
0x40: {  	_ =	shalt  }
0x41: {  	_ =	shalt  }
0x42: {  	_ =	shalt  }
0x43: {  	_ =	shalt  }
0x44: {  	_ =	shalt  }
0x45: {  	_ =	shalt  }
0x46: {  	_ =	shalt  }
0x47: {  	_ =	shalt  }
0x48: {  	_ =	shalt  }
0x49: {  	_ =	shalt  }
0x4a: {  	_ =	shalt  }
0x4b: {  	_ =	shalt  }
0x4c: {  	_ =	shalt  }
0x4d: {  	_ =	shalt  }
0x4e: {  	_ =	shalt  }
0x4f: {  	_ =	shalt  }
0x50: {  	_ =	shalt  }
0x51: {  	_ =	shalt  }
0x52: {  	_ =	shalt  }
0x53: {  	_ =	shalt  }
0x54: {  	_ =	shalt  }
0x55: {  	_ =	shalt  }
0x56: {  	_ =	shalt  }
0x57: {  	_ =	shalt  }
0x58: {  	_ =	shalt  }
0x59: {  	_ =	shalt  }
0x5a: {  	_ =	shalt  }
0x5b: {  	_ =	shalt  }
0x5c: {  	_ =	shalt  }
0x5d: {  	_ =	shalt  }
0x5e: {  	_ =	shalt  }
0x5f: {  	_ =	shalt  }
0x60: {  	_ =	shalt  }
0x61: {  	_ =	shalt  }
0x62: {  	_ =	shalt  }
0x63: {  	_ =	shalt  }
0x64: {  	_ =	shalt  }
0x65: {  	_ =	shalt  }
0x66: {  	_ =	shalt  }
0x67: {  	_ =	shalt  }
0x68: {  	_ =	shalt  }
0x69: {  	_ =	shalt  }
0x6a: {  	_ =	shalt  }
0x6b: {  	_ =	shalt  }
0x6c: {  	_ =	shalt  }
0x6d: {  	_ =	shalt  }
0x6e: {  	_ =	shalt  }
0x6f: {  	_ =	shalt  }
0x70: {  	_ =	shalt  }
0x71: {  	_ =	shalt  }
0x72: {  	_ =	shalt  }
0x73: {  	_ =	shalt  }
0x74: {  	_ =	shalt  }
0x75: {  	_ =	shalt  }
0x76: {  	_ =	shalt  }
0x77: {  	_ =	shalt  }
0x78: {  	_ =	shalt  }
0x79: {  	_ =	shalt  }
0x7a: {  	_ =	shalt  }
0x7b: {  	_ =	shalt  }
0x7c: {  	_ =	shalt  }
0x7d: {  	_ =	shalt  }
0x7e: {  	_ =	shalt  }
0x7f: {  	_ =	shalt  }
0x80: {  	_ =	shalt  }
0x81: {  	_ =	shalt  }
0x82: {  	_ =	shalt  }
0x83: {  	_ =	shalt  }
0x84: {  	_ =	shalt  }
0x85: {  	_ =	shalt  }
0x86: {  	_ =	shalt  }
0x87: {  	_ =	shalt  }
.Lfunc_end0:
.L_simem_size_0:
called_computation_lowered:
.L_overlay_start_0:
0x88: {  	s2 =	sld [smem:$0x3FD9]  }
0x89: {  	s3 =	sld [smem:$0x3FFE];
	_ =	sdelay $0x1  }
0x8a: {  	s1 =	srdreg.scid  }
0x8b: {  	s0 =	sand.u32 $0x1, s1  }
0x8c: {  	s17 =	sshll.u32 s0, $0xA;
	s2 =	sadd.s32 s3, s2  }
0x8d: {  	s2 =	sadd.s32 s2, s17  }
0x8e: {  	[smem:$0x3FAF] =	sst s2  }
0x8f: {  	_ = 	snop  }
0x90: {  	s2 =	sld [smem:$0x3FD0];
	(tm) =	ssettm $0x1  }
0x91: {  	s18 =	sld [smem:$0x3FFB];
	_ =	sdelay $0x3  }
0x92: {  	_ =	strace s18  }
0x93: {  	s3 =	sld [smem:$0x3FFC];
	_ =	sdelay $0x3  }
0x94: {  	_ =	strace s3  }
0x95: {  	s3 =	sld [smem:$0x3FFD];
	_ =	sdelay $0x3  }
0x96: {  	_ =	strace s3  }
0x97: {  	_ =	strace $0x8FFFFFFF  }
0x98: {  	s19 =	sld [smem:$0x3FDB];
	_ =	sdelay $0x1  }
0x99: {  	s4 =	simm.s32 $_scs_section_size  }
0x9a: {  	s5 =	simm.s32 $_size__tile_overlayer_lowered;
	s6 =	simm.s32 $_tile_overlayer_lowered  }
0x9b: {  	s22 =	simm.s32 $0x1BFF;
	s21 =	sshll.u32 s6, $0x1;
	s3 =	sadd.s32 s4, s19  }
0x9c: {  	s7 =	simm.s32 $0x0;
	s20 =	sshll.u32 s5, $0x1;
	s5 =	sadd.s32 s21, s3  }
0x9d: {  	[timem:s7], [sflag:s22] =	dma.local [hbm:s5], s20  }
0x9e: {  	_ =	swait.ge [sflag:s22], s20  }
0x9f: {  	s4 =	ssub.s32 $0x0, s20;
	[sflag:s22] =	ssyncset.done $0x0  }
0xa0: {  	[sflag:s22] =	ssyncadd.s32 s4;
	_ =	sdelay $0x1  }
0xa1: {  	s23 =	simm.s32 $0x1B8B  }
0xa2: {  	_ =	swait.ge [sflag:s23], $0x1  }
0xa3: {  	[sflag:s23] =	ssyncset.done $0x0  }
0xa4: {  	s25 =	simm.s32 $0x1B8E;
	s24 =	sld [smem:$0x3FFE];
	[sflag:s23] =	ssyncadd.s32 $0xFFFFFFFF  }
0xa5: {  	s26 =	simm.s32 $execute0_lowered;
	[smem:$0x3FD2] =	sst s25  }
0xa6: {  	s5 =	sshll.u32 s26, $0x1;
	_ =	strace $0x80000046;
	[dreg:$0x1] =	wrdreg $0xFFFFFFFF  }
0xa7: {  	s28 =	simm.s32 $_size_execute0_lowered;
	s3 =	sadd.s32 s3, s5;
	[dreg:$0x0] =	wrdreg $0x0  }
0xa8: {  	s5 =	sshll.u32 s28, $0x1;
	[dreg:$0x2] =	wrdreg s3  }
0xa9: {  	[dreg:$0x3] =	wrdreg s5  }
0xaa: {  	[dreg:$0x4] =	wrdreg $0xC0  }
0xab: {  	_ =	task [dreg:s7], $0x5FFFF  }
0xac: {  	[dreg:$0x1] =	wrdreg $0xFFFFFFFF  }
0xad: {  	[dreg:$0x0] =	wrdreg $0x60  }
0xae: {  	[dreg:$0x2] =	wrdreg s2  }
0xaf: {  	[dreg:$0x3] =	wrdreg s24  }
0xb0: {  	[dreg:$0x4] =	wrdreg $0x9  }
0xb1: {  	_ =	task.clear_ibuf [dreg:s7], $0x5FFFF;
	_ =	strace $0x90000046  }
0xb2: {  	s29 =	simm.s32 $0x9;
	_ =	strace $0x80000048  }
0xb3: {  	_ =	swait.ge [sflag:s29], $0x1  }
0xb4: {  	[sflag:s29] =	ssyncadd.s32 $0xFFFFFFFF  }
0xb5: {  	_ =	strace $0x90000048  }
0xb6: {  	_ =	sfence  }
0xb7: {  	s30 =	sld [smem:$0x0];
	_ =	sdelay $0x2  }
0xb8: {  	s31 =	sshll.u32 s1, $0xD;
	s1 =	sshrl.u32 s1, $0x2  }
0xb9: {  	s3 =	sand.u32 $0x4000, s31;
	s1 =	sadd.s32 s1, s30  }
0xba: {  	s0 =	sor.u32 s3, s0;
	s1 =	sshll.u32 s1, $0x11  }
0xbb: {  	s0 =	sor.u32 s1, s0  }
0xbc: {  	s0 =	sadd.s32 $0x8F2B, s0  }
0xbd: {  	[sflag:s0] =	ssyncadd.remote.s32 $0x1  }
0xbe: {  	_ =	sfence.sel $0xFFFF  }
0xbf: {  	[dreg:$0x0] =	wrdreg $0xFFFFFFFF;
	(pc) =	sbr.abs _section_cstart, $3  }
0xc0: {  	[dreg:$0x1] =	wrdreg $0xFFFFFFFF  }
0xc1: {  	_ =	task.clear_ibuf [dreg:s7], $0x2FFFF;
	_ =	strace $0x9FFFFFFF  }
0xc2: {  	(tm) =	ssettm $0x7FFFFFFF  }
0xc3: {  	_ =	shalt  }
tec
execute0_lowered:
.L_overlay_start_1:
0x0: {  	(tag) =	ssettag $0x1  }
0x1: {  	s0 =	rddreg [dreg:$0x1];
	s3 =	simm.s32 $0x0;
	s10 =	stileid.u32  }
0x2: {  	s1 =	srdreg.scid;
	s12 =	simm.s32 $0x4;
	s13 =	simm.s32 $0x80  }
0x3: {  	s14 =	simm.s32 $0x100;
	s15 =	simm.s32 $0x4100;
	s16 =	simm.s32 $0xCD00  }
0x4: {  	s17 =	simm.s32 $0xD100;
	s18 =	simm.s32 $0xD900;
	s19 =	simm.s32 $0xDD00  }
0x5: {  	s20 =	simm.s32 $0xE500;
	s21 =	simm.s32 $0xE900;
	s22 =	simm.s32 $0xF100  }
0x6: {  	s23 =	simm.s32 $0xF500;
	s24 =	simm.s32 $0xFD00;
	s25 =	simm.s32 $0x1  }
0x7: {  	s28 =	simm.s32 $0x3;
	[smem:$0x7FF] =	sst s3;
	s4 =	sadd.s32 $0x1A800, s0  }
0x8: {  	s2 =	sshll.u32 s10, $0x5;
	s1 =	sand.u32 $0x1, s1;
	s5 =	sshll.u32 s10, $0xC  }
0x9: {  	s6 =	smul.u32 $0x3000, s10;
	s26 =	sshll.u32 s10, $0x1;
	_ =	strace $0x80000047  }
0xa: {  	s7 =	ssub.s32 $0x2, s1;
	s2 =	sadd.s32 s2, s0;
	s5 =	sadd.s32 s5, s0  }
0xb: {  	[dreg:$0x3] =	wrdreg s26;
	s29 =	sshll.u32 s1, $0xB;
	s30 =	smul.u32 $0x1800, s1  }
0xc: {  	s1 =	sshll.u32 s1, $0x4;
	s26 =	simm.s32 $0x2;
	s8 =	sshrl.u32 s7, $0x1  }
0xd: {  	s9 =	sadd.s32 s6, s0;
	s6 =	sadd.s32 $0x1A900, s0;
	s0 =	sadd.s32 s29, s5  }
0xe: {  	s1 =	sadd.s32 s1, s2;
	s5 =	simm.s32 $0xAD00;
	s2 =	simm.s32 $0x0  }
.Ltmp0:
0xf: {  	s7 =	ssub.s32 s7, s8;
	s0 =	sadd.s32 $0xB6E00, s0;
	(pc) =	sbr.rel .LBB2_1-.Ltmp0, $4  }
0x10: {  	s31 =	sadd.s32 s30, s9;
	s10 =	sadd.s32 $0x6C00, s1;
	s11 =	sadd.s32 $0x10A00, s1  }
0x11: {  	v2 =	vlaneseq.u32;
	s8 =	simm.s32 $0xB900;
	s7 =	smax.u32 s7, $0x1;
	[dreg:$0x5] =	wrdreg s0  }
0x12: {  	vm0 =	vmmov $0xffff;
	vm1 =	vmmov $0xff;
	v1 =	vshrl.u32 v2, $0x3;
	s9 =	simm.s32 $0xC100;
	s0 =	sadd.s32 $0x598E00, s31;
	[dreg:$0x4] =	wrdreg s7  }
0x13: {  	v0 =	vand.u32 $0x7, v2;
	v2 =	vor.u32 $0x8, v2;
	v1 =	vmul.u32 $0x8, v1;
	s1 =	simm.s32 $0xC500;
	[dreg:$0x6] =	wrdreg s0;
	s7 =	simm.s32 $0xB500  }
.LBB2_5:
0x14: {  	s2 =	rddreg [dreg:$0x7]  }
0x15: {  	s0 =	rddreg [dreg:$0x4];
	s2 =	sadd.s32 $0x1, s2  }
0x16: {  	p0 =	sne.s32 s2, s0  }
.Ltmp1:
0x17: {  	_ = 	snop;
	(pc) =	sbr.rel @!p0 .LBB2_6-.Ltmp1, $1  }
0x18: {  	_ =	sdelay $0x3  }
.LBB2_1:
.Ltmp2:
0x19: {  	(pc) =	sbr.rel .LBB2_2-.Ltmp2, $4  }
0x1a: {  	[dreg:$0x7] =	wrdreg s2  }
0x1b: {  	s30 =	rddreg [dreg:$0x3]  }
0x1c: {  	s31 =	rddreg [dreg:$0x6]  }
0x1d: {  	s0 =	rddreg [dreg:$0x5];
	s2 =	simm.s32 $0x0  }
.LBB2_4:
0x1e: {  	s2 =	sadd.s32 $0x200, s2  }
0x1f: {  	p0 =	sne.s32 s2, $0x9E00  }
.Ltmp3:
0x20: {  	_ = 	snop;
	(pc) =	sbr.rel @!p0 .LBB2_5-.Ltmp3, $2  }
0x21: {  	_ =	sdelay $0x2  }
0x22: {  	s0 =	sadd.s32 $0x10000, s0;
	s31 =	sadd.s32 $0x30000, s31;
	s30 =	sadd.s32 $0x20, s30  }
.LBB2_2:
0x23: {  	p0 =	sgt.u32 s30, $0x9C3  }
.Ltmp4:
0x24: {  	_ = 	snop;
	(pc) =	sbr.rel @p0 .LBB2_4-.Ltmp4, $1  }
0x25: {  	_ =	sdelay $0x3  }
0x26: {  	s29 =	sadd.s32 s2, s11  }
0x27: {  	[tilespmem:s3], [sflag:$0x4] =	stream.linear.gather [hbm4b:s29+s3], $0x80, $0x38;
	[tilespmem:$0x10100] =	vst v63  }
0x28: {  	_ =	swait.ge [sflag:s12], $0x80  }
0x29: {  	[sflag:s12] =	ssyncset.done $0x0  }
0x2a: {  	s29 =	sadd.s32 s2, s10;
	[sflag:s12] =	ssyncadd.s32 $0xFFFFFF80  }
0x2b: {  	[tilespmem:s13], [sflag:$0x4] =	stream.linear.gather [hbm4b:s29+s3], $0x80, $0x38;
	[tilespmem:$0x10100] =	vst v63  }
0x2c: {  	_ =	swait.ge [sflag:s12], $0x80  }
0x2d: {  	[sflag:s12] =	ssyncset.done $0x0  }
0x2e: {  	[sflag:s12] =	ssyncadd.s32 $0xFFFFFF80  }
0x2f: {  	s29 =	rddreg [dreg:$0x0]  }
0x30: {  	[tilespmem:s14], [sflag:$0x1] =	stream.indirect.gather [hbm4b:s29+s13], $0x80, s3, s13, $0xb8;
	[tilespmem:$0x10100] =	vst v63  }
0x31: {  	v3 =	vld [tilespmem:$0x80];
	_ =	sdelay $0x4  }
0x32: {  	v4 =	vshrl.u32 v3, $0x3  }
0x33: {  	v4 =	vmul.u32 $0x18, v4  }
0x34: {  	v3 =	vand.u32 $0x7, v3  }
0x35: {  	v3 =	vor.u32 v3, v4  }
0x36: {  	v4 =	vperm.xlane v3, v0;
	_ =	sdelay $0x1  }
0x37: {  	v4 =	vadd.s32 v1, v4;
	_ =	sdelay $0x1  }
0x38: {  	v3 =	vperm.xlane v3, v2;
	_ =	sdelay $0x1  }
0x39: {  	v3 =	vadd.s32 v1, v3  }
0x3a: {  	[tilespmem:s15], [sflag:$0x2] =	stream.indirect_vreg.gather [hbm4b:s4+s3], $0x80, v4, vm0, $0xb8;
	[tilespmem:$0x10100] =	vst v63  }
0x3b: {  	s29 =	simm.s32 $0x4900  }
0x3c: {  	[tilespmem:s29], [sflag:$0x2] =	stream.indirect_vreg.gather [hbm4b:s6+s3], $0x80, v4, vm1, $0xb8;
	[tilespmem:$0x10100] =	vst v63  }
0x3d: {  	s29 =	simm.s32 $0x4D00  }
0x3e: {  	[tilespmem:s29], [sflag:$0x2] =	stream.indirect_vreg.gather [hbm4b:s4+s3], $0x80, v3, vm0, $0xb8;
	[tilespmem:$0x10100] =	vst v63  }
0x3f: {  	s29 =	simm.s32 $0x5500  }
0x40: {  	[tilespmem:s29], [sflag:$0x2] =	stream.indirect_vreg.gather [hbm4b:s6+s3], $0x80, v3, vm1, $0xb8;
	[tilespmem:$0x10100] =	vst v63  }
0x41: {  	v3 =	vld [tilespmem:$0x90];
	_ =	sdelay $0x4  }
0x42: {  	v57 =	vshrl.u32 v3, $0x3  }
0x43: {  	v4 =	vmul.u32 $0x18, v57  }
0x44: {  	v3 =	vand.u32 $0x7, v3  }
0x45: {  	v3 =	vor.u32 v3, v4  }
0x46: {  	v4 =	vperm.xlane v3, v0;
	_ =	sdelay $0x1  }
0x47: {  	v4 =	vadd.s32 v1, v4;
	_ =	sdelay $0x1  }
0x48: {  	v3 =	vperm.xlane v3, v2;
	_ =	sdelay $0x1  }
0x49: {  	s29 =	simm.s32 $0x5900;
	v3 =	vadd.s32 v1, v3  }
0x4a: {  	[tilespmem:s29], [sflag:$0x2] =	stream.indirect_vreg.gather [hbm4b:s4+s3], $0x80, v4, vm0, $0xb8;
	[tilespmem:$0x10100] =	vst v63  }
0x4b: {  	s29 =	simm.s32 $0x6100  }
0x4c: {  	[tilespmem:s29], [sflag:$0x2] =	stream.indirect_vreg.gather [hbm4b:s6+s3], $0x80, v4, vm1, $0xb8;
	[tilespmem:$0x10100] =	vst v63  }
0x4d: {  	s29 =	simm.s32 $0x6500  }
0x4e: {  	[tilespmem:s29], [sflag:$0x2] =	stream.indirect_vreg.gather [hbm4b:s4+s3], $0x80, v3, vm0, $0xb8;
	[tilespmem:$0x10100] =	vst v63  }
0x4f: {  	s29 =	simm.s32 $0x6D00  }
0x50: {  	[tilespmem:s29], [sflag:$0x2] =	stream.indirect_vreg.gather [hbm4b:s6+s3], $0x80, v3, vm1, $0xb8;
	[tilespmem:$0x10100] =	vst v63  }
0x51: {  	v3 =	vld [tilespmem:$0xA0];
	_ =	sdelay $0x4  }
0x52: {  	v58 =	vshrl.u32 v3, $0x3  }
0x53: {  	v4 =	vmul.u32 $0x18, v58  }
0x54: {  	v3 =	vand.u32 $0x7, v3  }
0x55: {  	v3 =	vor.u32 v3, v4  }
0x56: {  	v4 =	vperm.xlane v3, v0;
	_ =	sdelay $0x1  }
0x57: {  	v4 =	vadd.s32 v1, v4;
	_ =	sdelay $0x1  }
0x58: {  	v3 =	vperm.xlane v3, v2;
	_ =	sdelay $0x1  }
0x59: {  	s29 =	simm.s32 $0x7100;
	v3 =	vadd.s32 v1, v3  }
0x5a: {  	[tilespmem:s29], [sflag:$0x2] =	stream.indirect_vreg.gather [hbm4b:s4+s3], $0x80, v4, vm0, $0xb8;
	[tilespmem:$0x10100] =	vst v63  }
0x5b: {  	s29 =	simm.s32 $0x7900  }
0x5c: {  	[tilespmem:s29], [sflag:$0x2] =	stream.indirect_vreg.gather [hbm4b:s6+s3], $0x80, v4, vm1, $0xb8;
	[tilespmem:$0x10100] =	vst v63  }
0x5d: {  	s29 =	simm.s32 $0x7D00  }
0x5e: {  	[tilespmem:s29], [sflag:$0x2] =	stream.indirect_vreg.gather [hbm4b:s4+s3], $0x80, v3, vm0, $0xb8;
	[tilespmem:$0x10100] =	vst v63  }
0x5f: {  	s29 =	simm.s32 $0x8500  }
0x60: {  	[tilespmem:s29], [sflag:$0x2] =	stream.indirect_vreg.gather [hbm4b:s6+s3], $0x80, v3, vm1, $0xb8;
	[tilespmem:$0x10100] =	vst v63  }
0x61: {  	v3 =	vld [tilespmem:$0xB0];
	_ =	sdelay $0x4  }
0x62: {  	v59 =	vshrl.u32 v3, $0x3  }
0x63: {  	v4 =	vmul.u32 $0x18, v59  }
0x64: {  	v3 =	vand.u32 $0x7, v3  }
0x65: {  	v3 =	vor.u32 v3, v4  }
0x66: {  	v4 =	vperm.xlane v3, v0;
	_ =	sdelay $0x1  }
0x67: {  	v4 =	vadd.s32 v1, v4;
	_ =	sdelay $0x1  }
0x68: {  	v3 =	vperm.xlane v3, v2;
	_ =	sdelay $0x1  }
0x69: {  	s29 =	simm.s32 $0x8900;
	v3 =	vadd.s32 v1, v3  }
0x6a: {  	[tilespmem:s29], [sflag:$0x2] =	stream.indirect_vreg.gather [hbm4b:s4+s3], $0x80, v4, vm0, $0xb8;
	[tilespmem:$0x10100] =	vst v63  }
0x6b: {  	s29 =	simm.s32 $0x9100  }
0x6c: {  	[tilespmem:s29], [sflag:$0x2] =	stream.indirect_vreg.gather [hbm4b:s6+s3], $0x80, v4, vm1, $0xb8;
	[tilespmem:$0x10100] =	vst v63  }
0x6d: {  	s29 =	simm.s32 $0x9500  }
0x6e: {  	[tilespmem:s29], [sflag:$0x2] =	stream.indirect_vreg.gather [hbm4b:s4+s3], $0x80, v3, vm0, $0xb8;
	[tilespmem:$0x10100] =	vst v63  }
0x6f: {  	s29 =	simm.s32 $0x9D00  }
0x70: {  	[tilespmem:s29], [sflag:$0x2] =	stream.indirect_vreg.gather [hbm4b:s6+s3], $0x80, v3, vm1, $0xb8;
	[tilespmem:$0x10100] =	vst v63  }
0x71: {  	v3 =	vld [tilespmem:$0xC0];
	_ =	sdelay $0x4  }
0x72: {  	v60 =	vshrl.u32 v3, $0x3  }
0x73: {  	v4 =	vmul.u32 $0x18, v60  }
0x74: {  	v3 =	vand.u32 $0x7, v3  }
0x75: {  	v3 =	vor.u32 v3, v4  }
0x76: {  	v4 =	vperm.xlane v3, v0;
	_ =	sdelay $0x1  }
0x77: {  	v4 =	vadd.s32 v1, v4;
	_ =	sdelay $0x1  }
0x78: {  	v3 =	vperm.xlane v3, v2;
	_ =	sdelay $0x1  }
0x79: {  	s29 =	simm.s32 $0xA100;
	v3 =	vadd.s32 v1, v3  }
0x7a: {  	[tilespmem:s29], [sflag:$0x2] =	stream.indirect_vreg.gather [hbm4b:s4+s3], $0x80, v4, vm0, $0xb8;
	[tilespmem:$0x10100] =	vst v63  }
0x7b: {  	s29 =	simm.s32 $0xA900  }
0x7c: {  	[tilespmem:s29], [sflag:$0x2] =	stream.indirect_vreg.gather [hbm4b:s6+s3], $0x80, v4, vm1, $0xb8;
	[tilespmem:$0x10100] =	vst v63  }
0x7d: {  	_ = 	snop  }
0x7e: {  	[tilespmem:s5], [sflag:$0x2] =	stream.indirect_vreg.gather [hbm4b:s4+s3], $0x80, v3, vm0, $0xb8;
	[tilespmem:$0x10100] =	vst v63  }
0x7f: {  	_ = 	snop  }
0x80: {  	[tilespmem:s7], [sflag:$0x2] =	stream.indirect_vreg.gather [hbm4b:s6+s3], $0x80, v3, vm1, $0xb8;
	[tilespmem:$0x10100] =	vst v63  }
0x81: {  	v3 =	vld [tilespmem:$0xD0];
	_ =	sdelay $0x4  }
0x82: {  	v61 =	vshrl.u32 v3, $0x3  }
0x83: {  	v4 =	vmul.u32 $0x18, v61  }
0x84: {  	v3 =	vand.u32 $0x7, v3  }
0x85: {  	v3 =	vor.u32 v3, v4  }
0x86: {  	v4 =	vperm.xlane v3, v0;
	_ =	sdelay $0x1  }
0x87: {  	v4 =	vadd.s32 v1, v4;
	_ =	sdelay $0x1  }
0x88: {  	v3 =	vperm.xlane v3, v2;
	_ =	sdelay $0x1  }
0x89: {  	v3 =	vadd.s32 v1, v3  }
0x8a: {  	[tilespmem:s8], [sflag:$0x2] =	stream.indirect_vreg.gather [hbm4b:s4+s3], $0x80, v4, vm0, $0xb8;
	[tilespmem:$0x10100] =	vst v63  }
0x8b: {  	_ = 	snop  }
0x8c: {  	[tilespmem:s9], [sflag:$0x2] =	stream.indirect_vreg.gather [hbm4b:s6+s3], $0x80, v4, vm1, $0xb8;
	[tilespmem:$0x10100] =	vst v63  }
0x8d: {  	_ = 	snop  }
0x8e: {  	[tilespmem:s1], [sflag:$0x2] =	stream.indirect_vreg.gather [hbm4b:s4+s3], $0x80, v3, vm0, $0xb8;
	[tilespmem:$0x10100] =	vst v63  }
0x8f: {  	_ = 	snop  }
0x90: {  	[tilespmem:s16], [sflag:$0x2] =	stream.indirect_vreg.gather [hbm4b:s6+s3], $0x80, v3, vm1, $0xb8;
	[tilespmem:$0x10100] =	vst v63  }
0x91: {  	v3 =	vld [tilespmem:$0xE0];
	_ =	sdelay $0x4  }
0x92: {  	v62 =	vshrl.u32 v3, $0x3  }
0x93: {  	v4 =	vmul.u32 $0x18, v62  }
0x94: {  	v3 =	vand.u32 $0x7, v3  }
0x95: {  	v3 =	vor.u32 v3, v4  }
0x96: {  	v4 =	vperm.xlane v3, v0;
	_ =	sdelay $0x1  }
0x97: {  	v4 =	vadd.s32 v1, v4;
	_ =	sdelay $0x1  }
0x98: {  	v3 =	vperm.xlane v3, v2;
	_ =	sdelay $0x1  }
0x99: {  	v3 =	vadd.s32 v1, v3  }
0x9a: {  	[tilespmem:s17], [sflag:$0x2] =	stream.indirect_vreg.gather [hbm4b:s4+s3], $0x80, v4, vm0, $0xb8;
	[tilespmem:$0x10100] =	vst v63  }
0x9b: {  	_ = 	snop  }
0x9c: {  	[tilespmem:s18], [sflag:$0x2] =	stream.indirect_vreg.gather [hbm4b:s6+s3], $0x80, v4, vm1, $0xb8;
	[tilespmem:$0x10100] =	vst v63  }
0x9d: {  	_ = 	snop  }
0x9e: {  	[tilespmem:s19], [sflag:$0x2] =	stream.indirect_vreg.gather [hbm4b:s4+s3], $0x80, v3, vm0, $0xb8;
	[tilespmem:$0x10100] =	vst v63  }
0x9f: {  	_ = 	snop  }
0xa0: {  	[tilespmem:s20], [sflag:$0x2] =	stream.indirect_vreg.gather [hbm4b:s6+s3], $0x80, v3, vm1, $0xb8;
	[tilespmem:$0x10100] =	vst v63  }
0xa1: {  	v3 =	vld [tilespmem:$0xF0];
	_ =	sdelay $0x4  }
0xa2: {  	v63 =	vshrl.u32 v3, $0x3  }
0xa3: {  	v4 =	vmul.u32 $0x18, v63  }
0xa4: {  	v3 =	vand.u32 $0x7, v3  }
0xa5: {  	v3 =	vor.u32 v3, v4  }
0xa6: {  	v4 =	vperm.xlane v3, v0;
	_ =	sdelay $0x1  }
0xa7: {  	v4 =	vadd.s32 v1, v4;
	_ =	sdelay $0x1  }
0xa8: {  	v3 =	vperm.xlane v3, v2;
	_ =	sdelay $0x1  }
0xa9: {  	v3 =	vadd.s32 v1, v3  }
0xaa: {  	[tilespmem:s21], [sflag:$0x2] =	stream.indirect_vreg.gather [hbm4b:s4+s3], $0x80, v4, vm0, $0xb8;
	[tilespmem:$0x10100] =	vst v63  }
0xab: {  	_ = 	snop  }
0xac: {  	[tilespmem:s22], [sflag:$0x2] =	stream.indirect_vreg.gather [hbm4b:s6+s3], $0x80, v4, vm1, $0xb8;
	[tilespmem:$0x10100] =	vst v63  }
0xad: {  	_ = 	snop  }
0xae: {  	[tilespmem:s23], [sflag:$0x2] =	stream.indirect_vreg.gather [hbm4b:s4+s3], $0x80, v3, vm0, $0xb8;
	[tilespmem:$0x10100] =	vst v63  }
0xaf: {  	_ = 	snop  }
0xb0: {  	[tilespmem:s24], [sflag:$0x2] =	stream.indirect_vreg.gather [hbm4b:s6+s3], $0x80, v3, vm1, $0xb8;
	[tilespmem:$0x10100] =	vst v63  }
0xb1: {  	_ =	swait.ge [sflag:s25], $0x4000  }
0xb2: {  	[sflag:s25] =	ssyncset.done $0x0  }
0xb3: {  	[sflag:s25] =	ssyncadd.s32 $0xFFFFC000  }
0xb4: {  	_ =	swait.ge [sflag:s26], $0xC000  }
0xb5: {  	[sflag:s26] =	ssyncset.done $0x0  }
0xb6: {  	[sflag:s26] =	ssyncadd.s32 $0xFFFF4000  }
0xb7: {  	[hbm4b:s0+s3] =	stream.linear.scatter [tilespmem:s14], [sflag:$0x4], $0x4000, $0x38;
	[tilespmem:$0x10100] =	vst v63  }
0xb8: {  	_ =	swait.ge [sflag:s12], $0x4000  }
0xb9: {  	[sflag:s12] =	ssyncset.done $0x0  }
.Ltmp5:
0xba: {  	[sflag:s12] =	ssyncadd.s32 $0xFFFFC000;
	(pc) =	sbr.rel .LBB2_4-.Ltmp5, $4  }
0xbb: {  	[hbm4b:s31+s3] =	stream.linear.scatter [tilespmem:s15], [sflag:$0x3], $0xC000, $0x38;
	[tilespmem:$0x10100] =	vst v63  }
0xbc: {  	_ =	swait.ge [sflag:s28], $0xC000  }
0xbd: {  	[sflag:s28] =	ssyncset.done $0x0  }
0xbe: {  	[sflag:s28] =	ssyncadd.s32 $0xFFFF4000  }
.LBB2_6:
0xbf: {  	_ =	sfence.sel $0x180000  }
0xc0: {  	[bflag:$0x0] =	sbarrier.arrive $0xFFFF  }
0xc1: {  	_ =	strace $0x90000047  }
0xc2: {  	s0 =	stileid.u32;
	[bflag:$0x2] =	sbarrier.arrive $0xFFFF  }
0xc3: {  	p0 =	sne.s32 s0, $0x0;
	s0 =	rddreg [dreg:$0x2]  }
0xc4: {  	s0 =	sadd.s32 @!p0 $0x100000, s0  }
0xc5: {  	[sflag:s0] =	ssyncadd.tile.s32 @!p0 $0x1;
	_ =	shalt  }
.Lfunc_end2:
_tile_overlayer_lowered:
.L_overlay_start_2:
0xc6: {  	(tag) =	ssettag $0x2  }
0xc7: {  	s0 =	rddreg [dreg:$0x0];
	s2 =	stileid.u32  }
0xc8: {  	s1 =	rddreg [dreg:$0x1];
	p0 =	sne.s32 s2, $0x0  }
0xc9: {  	s3 =	rddreg [dreg:$0x2];
	[bflag:$0x3] =	sbarrier.arrive $0xFFFF;
	s2 =	simm.s32 @!p0 $0x1C03  }
0xca: {  	[timem:s3], [sflag:s2] =	dma.local @!p0 [hbm:s0], s1  }
0xcb: {  	s0 =	simm.s32 @!p0 $0x3  }
0xcc: {  	_ =	swait.ge @!p0 [sflag:s0], s1  }
0xcd: {  	s1 =	ssub.s32 @!p0 $0x0, s1;
	[sflag:s0] =	ssyncset.done @!p0 $0x0  }
0xce: {  	[sflag:s0] =	ssyncadd.s32 @!p0 s1  }
0xcf: {  	[bflag:$0x3] =	sbarrier.arrive $0xFFFF  }
0xd0: {  	_ =	shalt  }

// kernel: kernel.15.cloned.1.call-start
scs
__scs_entry_jumppad:
0x0: {  	(pc) =	sbr.rel $0x88, $3  }
0x1: {  	(tag) =	ssettag $0x0;
	lr =	simm.s32 $0x1  }
0x2: {  	[smem:$0x3F88] =	sst lr;
	_ =	strace $0xD0000000  }
0x3: {  	_ = 	snop  }
0x4: {  	_ = 	snop  }
0x5: {  	_ = 	snop  }
0x6: {  	_ = 	snop  }
0x7: {  	_ = 	snop  }
__scs_overlays_trampoline_lowered:
0x8: {  	[smem:$0x3F97] =	sst s0  }
0x9: {  	[smem:$0x3F98] =	sst s1  }
0xa: {  	[smem:$0x3F99] =	sst s2  }
0xb: {  	[smem:$0x3F9A] =	sst s3  }
0xc: {  	[smem:$0x3F9B] =	sst s4  }
0xd: {  	[smem:$0x3F9C] =	sst s5  }
0xe: {  	[smem:$0x3F9D] =	sst s6  }
0xf: {  	[smem:$0x3F9E] =	sst s7  }
0x10: {  	[smem:$0x3F9F] =	sst s8  }
0x11: {  	[smem:$0x3FA0] =	sst s9;
	s0 =	simm.s32 @!p0 $0x0  }
0x12: {  	s1 =	sld [smem:$0x3F86];
	s0 =	simm.s32 @p0 $0x1  }
0x13: {  	[smem:$0x3FA1] =	sst s0;
	s0 =	simm.s32 @!p1 $0x0  }
0x14: {  	s2 =	sld [smem:$0x3F85];
	s0 =	simm.s32 @p1 $0x1  }
0x15: {  	[smem:$0x3FA2] =	sst s0;
	s0 =	simm.s32 @!p2 $0x0  }
0x16: {  	s3 =	sld [smem:$0x3FDB];
	s0 =	simm.s32 @p2 $0x1  }
0x17: {  	s4 =	simm.s32 $0x1BF5;
	[smem:$0x3FA4] =	sst s0  }
0x18: {  	s0 =	sld [smem:$0x3F87];
	_ =	swait.ge [sflag:s4], $0x0  }
0x19: {  	s7 =	sld [smem:$0x3F88]  }
0x1a: {  	s8 =	sadd.s32 $0xFFFFE003, lr  }
0x1b: {  	s9 =	sadd.s32 $0xFFFFFEF7, lr;
	s5 =	simm.s32 $0xFFFFFFFF;
	p2 =	slt.u32 s8, $0xFFFFF086  }
0x1c: {  	p1 =	slt.u32 s9, $0xF7A;
	s5 =	simm.s32 @!p2 $0x0  }
0x1d: {  	s5 =	simm.s32 @p1 $0x1;
	p0 =	seq.s32 s7, s2  }
0x1e: {  	s7 =	smul.u32 @!p0 $0xF7A, s2;
	p2 =	seq.s32 @!p0 s5, $0x0  }
0x1f: {  	s9 =	smul.u32 $0xF7A, s1;
	s8 =	simm.s32 @!p0 $0x1BF5;
	p2 =	por !p2, p0  }
0x20: {  	[sflag:s8] =	ssyncset.s32 @!p0 $0xFFFFF086;
	s6 =	sadd.s32 @!p0 s3, s7;
	s7 =	simm.s32 @!p0 $0x108  }
0x21: {  	s3 =	sadd.s32 s3, s9;
	s6 =	sadd.s32 @!p0 $0x88, s6;
	s7 =	simm.s32 @p2 $0x1082  }
0x22: {  	[simem:s7], [sflag:s8] =	dma.local @!p0 [hbm:s6], $0xF7A  }
0x23: {  	s9 =	sor.u32 $0xD0000000, s2;
	s6 =	simm.s32 $0x108;
	_ =	swait.ge @!p0 [sflag:s8], $0x0  }
0x24: {  	s3 =	sadd.s32 $0x88, s3;
	s6 =	simm.s32 @!p1 $0x1082;
	[sflag:s4] =	ssyncset.s32 $0xFFFFF086  }
0x25: {  	[simem:s6], [sflag:s4] =	dma.local [hbm:s3], $0xF7A  }
0x26: {  	[smem:$0x3F88] =	sst s1;
	(tag) =	ssettag s2;
	_ =	strace s9  }
0x27: {  	s1 =	sld [smem:$0x3F98]  }
0x28: {  	s2 =	sld [smem:$0x3F99]  }
0x29: {  	s4 =	sld [smem:$0x3F9B]  }
0x2a: {  	p0 =	seq.s32 s5, $0x0;
	s5 =	sld [smem:$0x3F9C]  }
0x2b: {  	s6 =	sld [smem:$0x3F9D]  }
0x2c: {  	s7 =	sld [smem:$0x3F9E]  }
0x2d: {  	s3 =	simm.s32 $0x108;
	s8 =	sld [smem:$0x3F9F]  }
0x2e: {  	s3 =	simm.s32 @!p0 $0x1082;
	s9 =	sld [smem:$0x3FA0]  }
0x2f: {  	lr =	sadd.s32 s0, s3;
	s0 =	sld [smem:$0x3F97]  }
0x30: {  	s3 =	sld [smem:$0x3F9A]  }
0x31: {  	[smem:$0x3FA3] =	sst s10  }
0x32: {  	s10 =	sld [smem:$0x3FA1];
	_ =	sdelay $0x3  }
0x33: {  	p0 =	seq.s32 s10, $0x1;
	s10 =	sld [smem:$0x3FA3];
	_ =	sdelay $0x3  }
0x34: {  	[smem:$0x3FA3] =	sst s10  }
0x35: {  	s10 =	sld [smem:$0x3FA2];
	_ =	sdelay $0x3  }
0x36: {  	p1 =	seq.s32 s10, $0x1;
	s10 =	sld [smem:$0x3FA3];
	_ =	sdelay $0x3  }
0x37: {  	[smem:$0x3FA3] =	sst s10  }
0x38: {  	s10 =	sld [smem:$0x3FA4]  }
0x39: {  	_ = 	snop;
	(pc) =	sbr.ind lr, $3  }
0x3a: {  	_ = 	snop  }
0x3b: {  	_ = 	snop  }
0x3c: {  	p2 =	seq.s32 s10, $0x1;
	s10 =	sld [smem:$0x3FA3]  }
0x3d: {  	_ =	shalt  }
0x3e: {  	_ =	shalt  }
0x3f: {  	_ =	shalt  }
0x40: {  	_ =	shalt  }
0x41: {  	_ =	shalt  }
0x42: {  	_ =	shalt  }
0x43: {  	_ =	shalt  }
0x44: {  	_ =	shalt  }
0x45: {  	_ =	shalt  }
0x46: {  	_ =	shalt  }
0x47: {  	_ =	shalt  }
0x48: {  	_ =	shalt  }
0x49: {  	_ =	shalt  }
0x4a: {  	_ =	shalt  }
0x4b: {  	_ =	shalt  }
0x4c: {  	_ =	shalt  }
0x4d: {  	_ =	shalt  }
0x4e: {  	_ =	shalt  }
0x4f: {  	_ =	shalt  }
0x50: {  	_ =	shalt  }
0x51: {  	_ =	shalt  }
0x52: {  	_ =	shalt  }
0x53: {  	_ =	shalt  }
0x54: {  	_ =	shalt  }
0x55: {  	_ =	shalt  }
0x56: {  	_ =	shalt  }
0x57: {  	_ =	shalt  }
0x58: {  	_ =	shalt  }
0x59: {  	_ =	shalt  }
0x5a: {  	_ =	shalt  }
0x5b: {  	_ =	shalt  }
0x5c: {  	_ =	shalt  }
0x5d: {  	_ =	shalt  }
0x5e: {  	_ =	shalt  }
0x5f: {  	_ =	shalt  }
0x60: {  	_ =	shalt  }
0x61: {  	_ =	shalt  }
0x62: {  	_ =	shalt  }
0x63: {  	_ =	shalt  }
0x64: {  	_ =	shalt  }
0x65: {  	_ =	shalt  }
0x66: {  	_ =	shalt  }
0x67: {  	_ =	shalt  }
0x68: {  	_ =	shalt  }
0x69: {  	_ =	shalt  }
0x6a: {  	_ =	shalt  }
0x6b: {  	_ =	shalt  }
0x6c: {  	_ =	shalt  }
0x6d: {  	_ =	shalt  }
0x6e: {  	_ =	shalt  }
0x6f: {  	_ =	shalt  }
0x70: {  	_ =	shalt  }
0x71: {  	_ =	shalt  }
0x72: {  	_ =	shalt  }
0x73: {  	_ =	shalt  }
0x74: {  	_ =	shalt  }
0x75: {  	_ =	shalt  }
0x76: {  	_ =	shalt  }
0x77: {  	_ =	shalt  }
0x78: {  	_ =	shalt  }
0x79: {  	_ =	shalt  }
0x7a: {  	_ =	shalt  }
0x7b: {  	_ =	shalt  }
0x7c: {  	_ =	shalt  }
0x7d: {  	_ =	shalt  }
0x7e: {  	_ =	shalt  }
0x7f: {  	_ =	shalt  }
0x80: {  	_ =	shalt  }
0x81: {  	_ =	shalt  }
0x82: {  	_ =	shalt  }
0x83: {  	_ =	shalt  }
0x84: {  	_ =	shalt  }
0x85: {  	_ =	shalt  }
0x86: {  	_ =	shalt  }
0x87: {  	_ =	shalt  }
.Lfunc_end0:
.L_simem_size_0:
called_computation.1_lowered:
.L_overlay_start_0:
0x88: {  	s2 =	sld [smem:$0x3FD9]  }
0x89: {  	s3 =	sld [smem:$0x3FFE];
	_ =	sdelay $0x1  }
0x8a: {  	s1 =	srdreg.scid  }
0x8b: {  	s0 =	sand.u32 $0x1, s1  }
0x8c: {  	s16 =	sshll.u32 s0, $0xA;
	s2 =	sadd.s32 s3, s2  }
0x8d: {  	s2 =	sadd.s32 s2, s16  }
0x8e: {  	[smem:$0x3FAF] =	sst s2  }
0x8f: {  	_ = 	snop  }
0x90: {  	(tm) =	ssettm $0x1  }
0x91: {  	s17 =	sld [smem:$0x3FFB];
	_ =	sdelay $0x3  }
0x92: {  	_ =	strace s17  }
0x93: {  	s2 =	sld [smem:$0x3FFC];
	_ =	sdelay $0x3  }
0x94: {  	_ =	strace s2  }
0x95: {  	s2 =	sld [smem:$0x3FFD];
	_ =	sdelay $0x3  }
0x96: {  	_ =	strace s2  }
0x97: {  	_ =	strace $0x8FFFFFFF  }
0x98: {  	s18 =	sld [smem:$0x3FDB];
	_ =	sdelay $0x1  }
0x99: {  	s19 =	simm.s32 $_scs_section_size  }
0x9a: {  	s4 =	simm.s32 $_size__tile_overlayer_lowered;
	s5 =	simm.s32 $_tile_overlayer_lowered  }
0x9b: {  	s22 =	simm.s32 $0x1BFF;
	s21 =	sshll.u32 s5, $0x1;
	s2 =	sadd.s32 s19, s18  }
0x9c: {  	s6 =	simm.s32 $0x0;
	s20 =	sshll.u32 s4, $0x1;
	s4 =	sadd.s32 s21, s2  }
0x9d: {  	[timem:s6], [sflag:s22] =	dma.local [hbm:s4], s20  }
0x9e: {  	_ =	swait.ge [sflag:s22], s20  }
0x9f: {  	s3 =	ssub.s32 $0x0, s20;
	[sflag:s22] =	ssyncset.done $0x0  }
0xa0: {  	[sflag:s22] =	ssyncadd.s32 s3;
	_ =	sdelay $0x1  }
0xa1: {  	s23 =	simm.s32 $0x1B8B  }
0xa2: {  	_ =	swait.ge [sflag:s23], $0x1  }
0xa3: {  	[sflag:s23] =	ssyncset.done $0x0  }
0xa4: {  	s25 =	simm.s32 $0x1B8E;
	s24 =	sld [smem:$0x3FFE];
	[sflag:s23] =	ssyncadd.s32 $0xFFFFFFFF  }
0xa5: {  	s26 =	simm.s32 $execute0_lowered;
	[smem:$0x3FD2] =	sst s25  }
0xa6: {  	s4 =	sshll.u32 s26, $0x1;
	_ =	strace $0x80000049;
	[dreg:$0x1] =	wrdreg $0xFFFFFFFF  }
0xa7: {  	s28 =	simm.s32 $_size_execute0_lowered;
	s2 =	sadd.s32 s2, s4;
	[dreg:$0x0] =	wrdreg $0x0  }
0xa8: {  	s4 =	sshll.u32 s28, $0x1;
	[dreg:$0x2] =	wrdreg s2  }
0xa9: {  	[dreg:$0x3] =	wrdreg s4  }
0xaa: {  	[dreg:$0x4] =	wrdreg $0xC0  }
0xab: {  	_ =	task [dreg:s6], $0x5FFFF  }
0xac: {  	[dreg:$0x1] =	wrdreg $0xFFFFFFFF  }
0xad: {  	[dreg:$0x0] =	wrdreg $0x60  }
0xae: {  	[dreg:$0x2] =	wrdreg s24  }
0xaf: {  	[dreg:$0x3] =	wrdreg $0x40800  }
0xb0: {  	[dreg:$0x4] =	wrdreg $0x9  }
0xb1: {  	_ =	task.clear_ibuf [dreg:s6], $0x5FFFF;
	_ =	strace $0x90000049  }
0xb2: {  	s29 =	simm.s32 $0x9;
	_ =	strace $0x8000004B  }
0xb3: {  	_ =	swait.ge [sflag:s29], $0x1  }
0xb4: {  	[sflag:s29] =	ssyncadd.s32 $0xFFFFFFFF  }
0xb5: {  	_ =	strace $0x9000004B  }
0xb6: {  	_ =	sfence  }
0xb7: {  	s30 =	sld [smem:$0x0];
	_ =	sdelay $0x2  }
0xb8: {  	s31 =	sshll.u32 s1, $0xD;
	s1 =	sshrl.u32 s1, $0x2  }
0xb9: {  	s3 =	sand.u32 $0x4000, s31;
	s1 =	sadd.s32 s1, s30  }
0xba: {  	s0 =	sor.u32 s3, s0;
	s1 =	sshll.u32 s1, $0x11  }
0xbb: {  	s0 =	sor.u32 s1, s0  }
0xbc: {  	s0 =	sadd.s32 $0x8F2B, s0  }
0xbd: {  	[sflag:s0] =	ssyncadd.remote.s32 $0x1  }
0xbe: {  	_ =	sfence.sel $0xFFFF  }
0xbf: {  	[dreg:$0x0] =	wrdreg $0xFFFFFFFF;
	(pc) =	sbr.abs _section_cstart, $3  }
0xc0: {  	[dreg:$0x1] =	wrdreg $0xFFFFFFFF  }
0xc1: {  	_ =	task.clear_ibuf [dreg:s6], $0x2FFFF;
	_ =	strace $0x9FFFFFFF  }
0xc2: {  	(tm) =	ssettm $0x7FFFFFFF  }
0xc3: {  	_ =	shalt  }
tec
execute0_lowered:
.L_overlay_start_1:
0x0: {  	(tag) =	ssettag $0x1  }
0x1: {  	s4 =	rddreg [dreg:$0x0]  }
0x2: {  	s2 =	rddreg [dreg:$0x1];
	s1 =	stileid.u32  }
0x3: {  	s0 =	rddreg [dreg:$0x2];
	s5 =	smul.u32 $0x4E800, s1  }
0x4: {  	s7 =	srdreg.scid;
	s6 =	smul.u32 $0x9D0, s1  }
0x5: {  	s3 =	simm.s32 $0x0;
	s13 =	smul.u32 $0x2800, s1;
	s7 =	sand.u32 $0x1, s7  }
0x6: {  	[smem:$0x7FF] =	sst s3;
	s28 =	smul.u32 $0x50000, s1;
	s31 =	sshll.u32 s1, $0x6  }
0x7: {  	s8 =	smul.u32 $0x28000, s7;
	_ =	strace $0x8000004A;
	s11 =	ssub.s32 $0x2, s7  }
0x8: {  	p0 =	seq.s32 s7, $0x1;
	s10 =	sadd.s32 s5, s4;
	s9 =	sadd.s32 s6, s4  }
0x9: {  	s29 =	sadd.s32 s13, s4;
	s30 =	sshrl.u32 s11, $0x1;
	s6 =	smul.u32 $0x9D, s1  }
.Ltmp0:
0xa: {  	s5 =	sshrl.u32 s28, $0x2;
	s8 =	sadd.s32 s8, s4;
	(pc) =	sbr.rel .LBB2_1-.Ltmp0, $4  }
0xb: {  	s11 =	ssub.s32 s11, s30;
	s12 =	sadd.s32 s5, s2;
	s4 =	sadd.s32 $0x1A800, s29  }
0xc: {  	s5 =	sor.u32 $0x1C01, s31;
	s7 =	sadd.s32 $0x10A00, s9;
	s9 =	sadd.s32 $0x1E02E00, s10  }
0xd: {  	s10 =	sadd.s32 $0x22E4E00, s10;
	s14 =	sadd.s32 $0x1920E00, s8;
	s8 =	smax.u32 s11, $0x1  }
0xe: {  	s11 =	sshrl.u32 s12, $0x3;
	s12 =	simm.s32 $0x1;
	s13 =	sadd.s32 s13, s14  }
.LBB2_7:
0xf: {  	s15 =	simm.s32 @!p2 $0x0;
	s18 =	simm.s32 @!p2 $0x2;
	[sflag:s17] =	ssyncadd.s32 @!p1 $0xFFFFC000  }
0x10: {  	[tilespmem:s15], [sflag:$0x2] =	stream.linear.gather @!p2 [hbm4b:s16+s15], $0x80, $0x38;
	[tilespmem:$0x18080] =	vst v63  }
0x11: {  	_ =	swait.ge @!p2 [sflag:s18], $0x80  }
0x12: {  	p1 =	por p2, p2;
	[sflag:s18] =	ssyncset.done @!p2 $0x0  }
0x13: {  	s16 =	simm.s32 @!p1 $0x80;
	[sflag:s18] =	ssyncadd.s32 @!p1 $0xFFFFFF80  }
0x14: {  	[tilespmem:s16], [sflag:$0x2] =	stream.linear.gather @!p1 [hbm4b:s14+s15], $0x4000, $0x38;
	[tilespmem:$0x18080] =	vst v63  }
0x15: {  	_ =	swait.ge @!p1 [sflag:s18], $0x4000  }
0x16: {  	[sflag:s18] =	ssyncset.done @!p1 $0x0  }
0x17: {  	s14 =	simm.s32 @!p1 $0x1;
	[sflag:s18] =	ssyncadd.s32 @!p1 $0xFFFFC000  }
0x18: {  	[spmem:s2] =	stream.indirect.scatter.add.f32 @!p1 [tilespmem:s16], [sflag:$0x1], $0x80, s15, s16, $0xb8;
	[tilespmem:$0x18080] =	vst v63  }
0x19: {  	_ =	swait.ge @!p1 [sflag:s14], $0x4000  }
0x1a: {  	[sflag:s14] =	ssyncset.done @!p1 $0x0  }
0x1b: {  	[sflag:s14] =	ssyncadd.s32 @!p1 $0xFFFFC000  }
.LBB2_8:
0x1c: {  	s3 =	sadd.s32 $0x1, s3  }
0x1d: {  	p1 =	sne.s32 s3, s8  }
.Ltmp1:
0x1e: {  	[bflag:$0x0] =	sbarrier.arrive $0xFFFF;
	(pc) =	sbr.rel @!p1 .LBB2_9-.Ltmp1, $4  }
0x1f: {  	[hbm:s13], [sflag:s5] =	dma.local [spmem:s11], $0x2800  }
0x20: {  	_ =	swait.ge [sflag:s12], $0x2800  }
0x21: {  	[sflag:s12] =	ssyncset.done $0x0  }
0x22: {  	[sflag:s12] =	ssyncadd.s32 $0xFFFFD800  }
.LBB2_1:
0x23: {  	[spmem:s11], [sflag:s5] =	dma.local [hbm:s4], $0x2800  }
.Ltmp2:
0x24: {  	_ =	swait.ge [sflag:s12], $0x2800;
	(pc) =	sbr.rel @!p0 .LBB2_2-.Ltmp2, $4  }
0x25: {  	[sflag:s12] =	ssyncset.done $0x0  }
0x26: {  	[sflag:s12] =	ssyncadd.s32 $0xFFFFD800  }
0x27: {  	s14 =	sadd.s32 $0x0, s6;
	[bflag:$0x0] =	sbarrier.arrive $0xFFFF  }
0x28: {  	p1 =	sgt.u32 s14, $0x9C3  }
0x29: {  	s14 =	simm.s32 @!p1 $0x0;
	s16 =	simm.s32 @!p1 $0x2  }
0x2a: {  	[tilespmem:s14], [sflag:$0x2] =	stream.linear.gather @!p1 [hbm4b:s7+s14], $0x80, $0x38;
	[tilespmem:$0x18080] =	vst v63  }
0x2b: {  	_ =	swait.ge @!p1 [sflag:s16], $0x80  }
0x2c: {  	[sflag:s16] =	ssyncset.done @!p1 $0x0;
	p1 =	por p1, p1  }
0x2d: {  	[sflag:s16] =	ssyncadd.s32 @!p1 $0xFFFFFF80;
	s18 =	simm.s32 @!p1 $0x80  }
0x2e: {  	[tilespmem:s18], [sflag:$0x2] =	stream.linear.gather @!p1 [hbm4b:s10+s14], $0x4000, $0x38;
	[tilespmem:$0x18080] =	vst v63  }
0x2f: {  	_ =	swait.ge @!p1 [sflag:s16], $0x4000  }
0x30: {  	[sflag:s16] =	ssyncset.done @!p1 $0x0  }
0x31: {  	s31 =	sadd.s32 $0x1, s6;
	s17 =	simm.s32 @!p1 $0x1;
	[sflag:s16] =	ssyncadd.s32 @!p1 $0xFFFFC000  }
0x32: {  	[spmem:s2] =	stream.indirect.scatter.add.f32 @!p1 [tilespmem:s18], [sflag:$0x1], $0x80, s14, s18, $0xb8;
	[tilespmem:$0x18080] =	vst v63  }
0x33: {  	s15 =	simm.s32 $0x2;
	p2 =	sgt.u32 s31, $0x9C3;
	_ =	swait.ge @!p1 [sflag:s17], $0x4000  }
0x34: {  	s16 =	sadd.s32 $0x10, s7;
	s14 =	sadd.s32 $0x800, s10;
	[sflag:s17] =	ssyncset.done @!p1 $0x0  }
.LBB2_6:
0x35: {  	s18 =	simm.s32 @!p2 $0x0;
	s19 =	simm.s32 @!p2 $0x2;
	[sflag:s17] =	ssyncadd.s32 @!p1 $0xFFFFC000  }
0x36: {  	[tilespmem:s18], [sflag:$0x2] =	stream.linear.gather @!p2 [hbm4b:s16+s18], $0x80, $0x38;
	[tilespmem:$0x18080] =	vst v63  }
0x37: {  	s20 =	smov.u32 s15;
	s15 =	sadd.s32 $0x1, s15;
	_ =	swait.ge @!p2 [sflag:s19], $0x80  }
0x38: {  	p1 =	por p2, p2;
	p3 =	sne.s32 s15, $0x9D;
	[sflag:s19] =	ssyncset.done @!p2 $0x0  }
0x39: {  	s21 =	simm.s32 @!p1 $0x80;
	[sflag:s19] =	ssyncadd.s32 @!p1 $0xFFFFFF80  }
0x3a: {  	[tilespmem:s21], [sflag:$0x2] =	stream.linear.gather @!p1 [hbm4b:s14+s18], $0x4000, $0x38;
	[tilespmem:$0x18080] =	vst v63  }
0x3b: {  	_ =	swait.ge @!p1 [sflag:s19], $0x4000  }
.Ltmp3:
0x3c: {  	[sflag:s19] =	ssyncset.done @!p1 $0x0;
	(pc) =	sbr.rel @p3 .LBB2_6-.Ltmp3, $4  }
0x3d: {  	s17 =	simm.s32 @!p1 $0x1;
	[sflag:s19] =	ssyncadd.s32 @!p1 $0xFFFFC000  }
0x3e: {  	[spmem:s2] =	stream.indirect.scatter.add.f32 @!p1 [tilespmem:s21], [sflag:$0x1], $0x80, s18, s21, $0xb8;
	[tilespmem:$0x18080] =	vst v63  }
0x3f: {  	s14 =	sadd.s32 $0x800, s14;
	s18 =	sadd.s32 s20, s6;
	_ =	swait.ge @!p1 [sflag:s17], $0x4000  }
0x40: {  	s16 =	sadd.s32 $0x10, s16;
	p2 =	sgt.u32 s18, $0x9C3;
	[sflag:s17] =	ssyncset.done @!p1 $0x0  }
.Ltmp4:
0x41: {  	_ = 	snop;
	(pc) =	sbr.rel .LBB2_7-.Ltmp4, $1  }
0x42: {  	_ =	sdelay $0x3  }
.LBB2_2:
0x43: {  	s14 =	simm.s32 @!p1 $0x0;
	s16 =	simm.s32 @!p1 $0x2  }
0x44: {  	[tilespmem:s14], [sflag:$0x2] =	stream.linear.gather @!p1 [hbm4b:s7+s14], $0x80, $0x38;
	[tilespmem:$0x18080] =	vst v63  }
0x45: {  	_ =	swait.ge @!p1 [sflag:s16], $0x80  }
0x46: {  	[sflag:s16] =	ssyncset.done @!p1 $0x0;
	p1 =	por p1, p1  }
0x47: {  	[sflag:s16] =	ssyncadd.s32 @!p1 $0xFFFFFF80;
	s18 =	simm.s32 @!p1 $0x80  }
0x48: {  	[tilespmem:s18], [sflag:$0x2] =	stream.linear.gather @!p1 [hbm4b:s9+s14], $0x4000, $0x38;
	[tilespmem:$0x18080] =	vst v63  }
0x49: {  	_ =	swait.ge @!p1 [sflag:s16], $0x4000  }
0x4a: {  	[sflag:s16] =	ssyncset.done @!p1 $0x0  }
0x4b: {  	s31 =	sadd.s32 $0x1, s6;
	s17 =	simm.s32 @!p1 $0x1;
	[sflag:s16] =	ssyncadd.s32 @!p1 $0xFFFFC000  }
0x4c: {  	[spmem:s2] =	stream.indirect.scatter.add.f32 @!p1 [tilespmem:s18], [sflag:$0x1], $0x80, s14, s18, $0xb8;
	[tilespmem:$0x18080] =	vst v63  }
0x4d: {  	s15 =	simm.s32 $0x2;
	p2 =	sgt.u32 s31, $0x9C3;
	_ =	swait.ge @!p1 [sflag:s17], $0x4000  }
0x4e: {  	s16 =	sadd.s32 $0x10, s7;
	s14 =	sadd.s32 $0x800, s9;
	[sflag:s17] =	ssyncset.done @!p1 $0x0  }
.LBB2_3:
0x4f: {  	s18 =	simm.s32 @!p2 $0x0;
	s19 =	simm.s32 @!p2 $0x2;
	[sflag:s17] =	ssyncadd.s32 @!p1 $0xFFFFC000  }
0x50: {  	[tilespmem:s18], [sflag:$0x2] =	stream.linear.gather @!p2 [hbm4b:s16+s18], $0x80, $0x38;
	[tilespmem:$0x18080] =	vst v63  }
0x51: {  	s20 =	smov.u32 s15;
	s15 =	sadd.s32 $0x1, s15;
	_ =	swait.ge @!p2 [sflag:s19], $0x80  }
0x52: {  	p1 =	por p2, p2;
	p3 =	seq.s32 s15, $0x9D;
	[sflag:s19] =	ssyncset.done @!p2 $0x0  }
0x53: {  	s21 =	simm.s32 @!p1 $0x80;
	[sflag:s19] =	ssyncadd.s32 @!p1 $0xFFFFFF80  }
0x54: {  	[tilespmem:s21], [sflag:$0x2] =	stream.linear.gather @!p1 [hbm4b:s14+s18], $0x4000, $0x38;
	[tilespmem:$0x18080] =	vst v63  }
0x55: {  	_ =	swait.ge @!p1 [sflag:s19], $0x4000  }
.Ltmp5:
0x56: {  	[sflag:s19] =	ssyncset.done @!p1 $0x0;
	(pc) =	sbr.rel @!p3 .LBB2_3-.Ltmp5, $4  }
0x57: {  	s17 =	simm.s32 @!p1 $0x1;
	[sflag:s19] =	ssyncadd.s32 @!p1 $0xFFFFC000  }
0x58: {  	[spmem:s2] =	stream.indirect.scatter.add.f32 @!p1 [tilespmem:s21], [sflag:$0x1], $0x80, s18, s21, $0xb8;
	[tilespmem:$0x18080] =	vst v63  }
0x59: {  	s14 =	sadd.s32 $0x800, s14;
	s18 =	sadd.s32 s20, s6;
	_ =	swait.ge @!p1 [sflag:s17], $0x4000  }
0x5a: {  	s16 =	sadd.s32 $0x10, s16;
	p2 =	sgt.u32 s18, $0x9C3;
	[sflag:s17] =	ssyncset.done @!p1 $0x0  }
0x5b: {  	s15 =	simm.s32 @!p2 $0x0;
	s18 =	simm.s32 @!p2 $0x2;
	[sflag:s17] =	ssyncadd.s32 @!p1 $0xFFFFC000  }
0x5c: {  	[tilespmem:s15], [sflag:$0x2] =	stream.linear.gather @!p2 [hbm4b:s16+s15], $0x80, $0x38;
	[tilespmem:$0x18080] =	vst v63  }
0x5d: {  	_ =	swait.ge @!p2 [sflag:s18], $0x80  }
0x5e: {  	p1 =	por p2, p2;
	[sflag:s18] =	ssyncset.done @!p2 $0x0  }
0x5f: {  	s16 =	simm.s32 @!p1 $0x80;
	[sflag:s18] =	ssyncadd.s32 @!p1 $0xFFFFFF80  }
0x60: {  	[tilespmem:s16], [sflag:$0x2] =	stream.linear.gather @!p1 [hbm4b:s14+s15], $0x4000, $0x38;
	[tilespmem:$0x18080] =	vst v63  }
0x61: {  	_ =	swait.ge @!p1 [sflag:s18], $0x4000  }
0x62: {  	[sflag:s18] =	ssyncset.done @!p1 $0x0  }
.Ltmp6:
0x63: {  	s14 =	simm.s32 @!p1 $0x1;
	[sflag:s18] =	ssyncadd.s32 @!p1 $0xFFFFC000;
	(pc) =	sbr.rel .LBB2_8-.Ltmp6, $4  }
0x64: {  	[spmem:s2] =	stream.indirect.scatter.add.f32 @!p1 [tilespmem:s16], [sflag:$0x1], $0x80, s15, s16, $0xb8;
	[tilespmem:$0x18080] =	vst v63  }
0x65: {  	_ =	swait.ge @!p1 [sflag:s14], $0x4000  }
0x66: {  	[sflag:s14] =	ssyncset.done @!p1 $0x0  }
0x67: {  	[sflag:s14] =	ssyncadd.s32 @!p1 $0xFFFFC000  }
.LBB2_9:
0x68: {  	_ =	sfence.sel $0x180000  }
0x69: {  	[bflag:$0x0] =	sbarrier.arrive $0xFFFF  }
0x6a: {  	p0 =	sne.s32 s1, $0x0;
	_ =	strace $0x9000004A  }
0x6b: {  	s0 =	sadd.s32 @!p0 $0x100000, s0;
	[bflag:$0x2] =	sbarrier.arrive $0xFFFF  }
0x6c: {  	[sflag:s0] =	ssyncadd.tile.s32 @!p0 $0x1;
	_ =	shalt  }
.Lfunc_end2:
_tile_overlayer_lowered:
.L_overlay_start_2:
0x6d: {  	(tag) =	ssettag $0x2  }
0x6e: {  	s0 =	rddreg [dreg:$0x0];
	s2 =	stileid.u32  }
0x6f: {  	s1 =	rddreg [dreg:$0x1];
	p0 =	sne.s32 s2, $0x0  }
0x70: {  	s3 =	rddreg [dreg:$0x2];
	[bflag:$0x3] =	sbarrier.arrive $0xFFFF;
	s2 =	simm.s32 @!p0 $0x1C01  }
0x71: {  	[timem:s3], [sflag:s2] =	dma.local @!p0 [hbm:s0], s1  }
0x72: {  	s0 =	simm.s32 @!p0 $0x1  }
0x73: {  	_ =	swait.ge @!p0 [sflag:s0], s1  }
0x74: {  	s1 =	ssub.s32 @!p0 $0x0, s1;
	[sflag:s0] =	ssyncset.done @!p0 $0x0  }
0x75: {  	[sflag:s0] =	ssyncadd.s32 @!p0 s1  }
0x76: {  	[bflag:$0x3] =	sbarrier.arrive $0xFFFF  }
0x77: {  	_ =	shalt  }

// kernel: kernel.18.cloned.1.call-start
scs
__scs_entry_jumppad:
0x0: {  	(pc) =	sbr.rel $0x88, $3  }
0x1: {  	(tag) =	ssettag $0x0;
	lr =	simm.s32 $0x1  }
0x2: {  	[smem:$0x3F88] =	sst lr;
	_ =	strace $0xD0000000  }
0x3: {  	_ = 	snop  }
0x4: {  	_ = 	snop  }
0x5: {  	_ = 	snop  }
0x6: {  	_ = 	snop  }
0x7: {  	_ = 	snop  }
__scs_overlays_trampoline_lowered:
0x8: {  	[smem:$0x3F97] =	sst s0  }
0x9: {  	[smem:$0x3F98] =	sst s1  }
0xa: {  	[smem:$0x3F99] =	sst s2  }
0xb: {  	[smem:$0x3F9A] =	sst s3  }
0xc: {  	[smem:$0x3F9B] =	sst s4  }
0xd: {  	[smem:$0x3F9C] =	sst s5  }
0xe: {  	[smem:$0x3F9D] =	sst s6  }
0xf: {  	[smem:$0x3F9E] =	sst s7  }
0x10: {  	[smem:$0x3F9F] =	sst s8  }
0x11: {  	[smem:$0x3FA0] =	sst s9;
	s0 =	simm.s32 @!p0 $0x0  }
0x12: {  	s1 =	sld [smem:$0x3F86];
	s0 =	simm.s32 @p0 $0x1  }
0x13: {  	[smem:$0x3FA1] =	sst s0;
	s0 =	simm.s32 @!p1 $0x0  }
0x14: {  	s2 =	sld [smem:$0x3F85];
	s0 =	simm.s32 @p1 $0x1  }
0x15: {  	[smem:$0x3FA2] =	sst s0;
	s0 =	simm.s32 @!p2 $0x0  }
0x16: {  	s3 =	sld [smem:$0x3FDB];
	s0 =	simm.s32 @p2 $0x1  }
0x17: {  	s4 =	simm.s32 $0x1BF5;
	[smem:$0x3FA4] =	sst s0  }
0x18: {  	s0 =	sld [smem:$0x3F87];
	_ =	swait.ge [sflag:s4], $0x0  }
0x19: {  	s7 =	sld [smem:$0x3F88]  }
0x1a: {  	s8 =	sadd.s32 $0xFFFFE003, lr  }
0x1b: {  	s9 =	sadd.s32 $0xFFFFFEF7, lr;
	s5 =	simm.s32 $0xFFFFFFFF;
	p2 =	slt.u32 s8, $0xFFFFF086  }
0x1c: {  	p1 =	slt.u32 s9, $0xF7A;
	s5 =	simm.s32 @!p2 $0x0  }
0x1d: {  	s5 =	simm.s32 @p1 $0x1;
	p0 =	seq.s32 s7, s2  }
0x1e: {  	s7 =	smul.u32 @!p0 $0xF7A, s2;
	p2 =	seq.s32 @!p0 s5, $0x0  }
0x1f: {  	s9 =	smul.u32 $0xF7A, s1;
	s8 =	simm.s32 @!p0 $0x1BF5;
	p2 =	por !p2, p0  }
0x20: {  	[sflag:s8] =	ssyncset.s32 @!p0 $0xFFFFF086;
	s6 =	sadd.s32 @!p0 s3, s7;
	s7 =	simm.s32 @!p0 $0x108  }
0x21: {  	s3 =	sadd.s32 s3, s9;
	s6 =	sadd.s32 @!p0 $0x88, s6;
	s7 =	simm.s32 @p2 $0x1082  }
0x22: {  	[simem:s7], [sflag:s8] =	dma.local @!p0 [hbm:s6], $0xF7A  }
0x23: {  	s9 =	sor.u32 $0xD0000000, s2;
	s6 =	simm.s32 $0x108;
	_ =	swait.ge @!p0 [sflag:s8], $0x0  }
0x24: {  	s3 =	sadd.s32 $0x88, s3;
	s6 =	simm.s32 @!p1 $0x1082;
	[sflag:s4] =	ssyncset.s32 $0xFFFFF086  }
0x25: {  	[simem:s6], [sflag:s4] =	dma.local [hbm:s3], $0xF7A  }
0x26: {  	[smem:$0x3F88] =	sst s1;
	(tag) =	ssettag s2;
	_ =	strace s9  }
0x27: {  	s1 =	sld [smem:$0x3F98]  }
0x28: {  	s2 =	sld [smem:$0x3F99]  }
0x29: {  	s4 =	sld [smem:$0x3F9B]  }
0x2a: {  	p0 =	seq.s32 s5, $0x0;
	s5 =	sld [smem:$0x3F9C]  }
0x2b: {  	s6 =	sld [smem:$0x3F9D]  }
0x2c: {  	s7 =	sld [smem:$0x3F9E]  }
0x2d: {  	s3 =	simm.s32 $0x108;
	s8 =	sld [smem:$0x3F9F]  }
0x2e: {  	s3 =	simm.s32 @!p0 $0x1082;
	s9 =	sld [smem:$0x3FA0]  }
0x2f: {  	lr =	sadd.s32 s0, s3;
	s0 =	sld [smem:$0x3F97]  }
0x30: {  	s3 =	sld [smem:$0x3F9A]  }
0x31: {  	[smem:$0x3FA3] =	sst s10  }
0x32: {  	s10 =	sld [smem:$0x3FA1];
	_ =	sdelay $0x3  }
0x33: {  	p0 =	seq.s32 s10, $0x1;
	s10 =	sld [smem:$0x3FA3];
	_ =	sdelay $0x3  }
0x34: {  	[smem:$0x3FA3] =	sst s10  }
0x35: {  	s10 =	sld [smem:$0x3FA2];
	_ =	sdelay $0x3  }
0x36: {  	p1 =	seq.s32 s10, $0x1;
	s10 =	sld [smem:$0x3FA3];
	_ =	sdelay $0x3  }
0x37: {  	[smem:$0x3FA3] =	sst s10  }
0x38: {  	s10 =	sld [smem:$0x3FA4]  }
0x39: {  	_ = 	snop;
	(pc) =	sbr.ind lr, $3  }
0x3a: {  	_ = 	snop  }
0x3b: {  	_ = 	snop  }
0x3c: {  	p2 =	seq.s32 s10, $0x1;
	s10 =	sld [smem:$0x3FA3]  }
0x3d: {  	_ =	shalt  }
0x3e: {  	_ =	shalt  }
0x3f: {  	_ =	shalt  }
0x40: {  	_ =	shalt  }
0x41: {  	_ =	shalt  }
0x42: {  	_ =	shalt  }
0x43: {  	_ =	shalt  }
0x44: {  	_ =	shalt  }
0x45: {  	_ =	shalt  }
0x46: {  	_ =	shalt  }
0x47: {  	_ =	shalt  }
0x48: {  	_ =	shalt  }
0x49: {  	_ =	shalt  }
0x4a: {  	_ =	shalt  }
0x4b: {  	_ =	shalt  }
0x4c: {  	_ =	shalt  }
0x4d: {  	_ =	shalt  }
0x4e: {  	_ =	shalt  }
0x4f: {  	_ =	shalt  }
0x50: {  	_ =	shalt  }
0x51: {  	_ =	shalt  }
0x52: {  	_ =	shalt  }
0x53: {  	_ =	shalt  }
0x54: {  	_ =	shalt  }
0x55: {  	_ =	shalt  }
0x56: {  	_ =	shalt  }
0x57: {  	_ =	shalt  }
0x58: {  	_ =	shalt  }
0x59: {  	_ =	shalt  }
0x5a: {  	_ =	shalt  }
0x5b: {  	_ =	shalt  }
0x5c: {  	_ =	shalt  }
0x5d: {  	_ =	shalt  }
0x5e: {  	_ =	shalt  }
0x5f: {  	_ =	shalt  }
0x60: {  	_ =	shalt  }
0x61: {  	_ =	shalt  }
0x62: {  	_ =	shalt  }
0x63: {  	_ =	shalt  }
0x64: {  	_ =	shalt  }
0x65: {  	_ =	shalt  }
0x66: {  	_ =	shalt  }
0x67: {  	_ =	shalt  }
0x68: {  	_ =	shalt  }
0x69: {  	_ =	shalt  }
0x6a: {  	_ =	shalt  }
0x6b: {  	_ =	shalt  }
0x6c: {  	_ =	shalt  }
0x6d: {  	_ =	shalt  }
0x6e: {  	_ =	shalt  }
0x6f: {  	_ =	shalt  }
0x70: {  	_ =	shalt  }
0x71: {  	_ =	shalt  }
0x72: {  	_ =	shalt  }
0x73: {  	_ =	shalt  }
0x74: {  	_ =	shalt  }
0x75: {  	_ =	shalt  }
0x76: {  	_ =	shalt  }
0x77: {  	_ =	shalt  }
0x78: {  	_ =	shalt  }
0x79: {  	_ =	shalt  }
0x7a: {  	_ =	shalt  }
0x7b: {  	_ =	shalt  }
0x7c: {  	_ =	shalt  }
0x7d: {  	_ =	shalt  }
0x7e: {  	_ =	shalt  }
0x7f: {  	_ =	shalt  }
0x80: {  	_ =	shalt  }
0x81: {  	_ =	shalt  }
0x82: {  	_ =	shalt  }
0x83: {  	_ =	shalt  }
0x84: {  	_ =	shalt  }
0x85: {  	_ =	shalt  }
0x86: {  	_ =	shalt  }
0x87: {  	_ =	shalt  }
.Lfunc_end0:
.L_simem_size_0:
called_computation.2_lowered:
.L_overlay_start_0:
0x88: {  	s2 =	sld [smem:$0x3FD9]  }
0x89: {  	s3 =	sld [smem:$0x3FFE];
	_ =	sdelay $0x1  }
0x8a: {  	s1 =	srdreg.scid  }
0x8b: {  	s0 =	sand.u32 $0x1, s1  }
0x8c: {  	s17 =	sshll.u32 s0, $0xA;
	s2 =	sadd.s32 s3, s2  }
0x8d: {  	s2 =	sadd.s32 s2, s17  }
0x8e: {  	[smem:$0x3FAF] =	sst s2  }
0x8f: {  	_ = 	snop  }
0x90: {  	s2 =	sld [smem:$0x3FD0];
	(tm) =	ssettm $0x1  }
0x91: {  	s18 =	sld [smem:$0x3FFB];
	_ =	sdelay $0x3  }
0x92: {  	_ =	strace s18  }
0x93: {  	s3 =	sld [smem:$0x3FFC];
	_ =	sdelay $0x3  }
0x94: {  	_ =	strace s3  }
0x95: {  	s3 =	sld [smem:$0x3FFD];
	_ =	sdelay $0x3  }
0x96: {  	_ =	strace s3  }
0x97: {  	_ =	strace $0x8FFFFFFF  }
0x98: {  	s19 =	sld [smem:$0x3FDB];
	_ =	sdelay $0x1  }
0x99: {  	s4 =	simm.s32 $_scs_section_size  }
0x9a: {  	s5 =	simm.s32 $_size__tile_overlayer_lowered;
	s6 =	simm.s32 $_tile_overlayer_lowered  }
0x9b: {  	s22 =	simm.s32 $0x1BFF;
	s21 =	sshll.u32 s6, $0x1;
	s3 =	sadd.s32 s4, s19  }
0x9c: {  	s7 =	simm.s32 $0x0;
	s20 =	sshll.u32 s5, $0x1;
	s5 =	sadd.s32 s21, s3  }
0x9d: {  	[timem:s7], [sflag:s22] =	dma.local [hbm:s5], s20  }
0x9e: {  	_ =	swait.ge [sflag:s22], s20  }
0x9f: {  	s4 =	ssub.s32 $0x0, s20;
	[sflag:s22] =	ssyncset.done $0x0  }
0xa0: {  	[sflag:s22] =	ssyncadd.s32 s4;
	_ =	sdelay $0x1  }
0xa1: {  	s23 =	simm.s32 $0x1B8B  }
0xa2: {  	_ =	swait.ge [sflag:s23], $0x1  }
0xa3: {  	[sflag:s23] =	ssyncset.done $0x0  }
0xa4: {  	s25 =	simm.s32 $0x1B8E;
	s24 =	sld [smem:$0x3FFE];
	[sflag:s23] =	ssyncadd.s32 $0xFFFFFFFF  }
0xa5: {  	s26 =	simm.s32 $execute0_lowered;
	[smem:$0x3FD2] =	sst s25  }
0xa6: {  	s5 =	sshll.u32 s26, $0x1;
	_ =	strace $0x8000004C;
	[dreg:$0x1] =	wrdreg $0xFFFFFFFF  }
0xa7: {  	s28 =	simm.s32 $_size_execute0_lowered;
	s3 =	sadd.s32 s3, s5;
	[dreg:$0x0] =	wrdreg $0x0  }
0xa8: {  	s5 =	sshll.u32 s28, $0x1;
	[dreg:$0x2] =	wrdreg s3  }
0xa9: {  	[dreg:$0x3] =	wrdreg s5  }
0xaa: {  	[dreg:$0x4] =	wrdreg $0xC0  }
0xab: {  	_ =	task [dreg:s7], $0x5FFFF  }
0xac: {  	[dreg:$0x1] =	wrdreg $0xFFFFFFFF  }
0xad: {  	[dreg:$0x0] =	wrdreg $0x60  }
0xae: {  	[dreg:$0x2] =	wrdreg s2  }
0xaf: {  	[dreg:$0x3] =	wrdreg s24  }
0xb0: {  	[dreg:$0x4] =	wrdreg $0x9  }
0xb1: {  	_ =	task.clear_ibuf [dreg:s7], $0x5FFFF;
	_ =	strace $0x9000004C  }
0xb2: {  	s29 =	simm.s32 $0x9;
	_ =	strace $0x8000004E  }
0xb3: {  	_ =	swait.ge [sflag:s29], $0x1  }
0xb4: {  	[sflag:s29] =	ssyncadd.s32 $0xFFFFFFFF  }
0xb5: {  	_ =	strace $0x9000004E  }
0xb6: {  	_ =	sfence  }
0xb7: {  	s30 =	sld [smem:$0x0];
	_ =	sdelay $0x2  }
0xb8: {  	s31 =	sshll.u32 s1, $0xD;
	s1 =	sshrl.u32 s1, $0x2  }
0xb9: {  	s3 =	sand.u32 $0x4000, s31;
	s1 =	sadd.s32 s1, s30  }
0xba: {  	s0 =	sor.u32 s3, s0;
	s1 =	sshll.u32 s1, $0x11  }
0xbb: {  	s0 =	sor.u32 s1, s0  }
0xbc: {  	s0 =	sadd.s32 $0x8F2B, s0  }
0xbd: {  	[sflag:s0] =	ssyncadd.remote.s32 $0x1  }
0xbe: {  	_ =	sfence.sel $0xFFFF  }
0xbf: {  	[dreg:$0x0] =	wrdreg $0xFFFFFFFF;
	(pc) =	sbr.abs _section_cstart, $3  }
0xc0: {  	[dreg:$0x1] =	wrdreg $0xFFFFFFFF  }
0xc1: {  	_ =	task.clear_ibuf [dreg:s7], $0x2FFFF;
	_ =	strace $0x9FFFFFFF  }
0xc2: {  	(tm) =	ssettm $0x7FFFFFFF  }
0xc3: {  	_ =	shalt  }
tec
execute0_lowered:
.L_overlay_start_1:
0x0: {  	(tag) =	ssettag $0x1  }
0x1: {  	s0 =	rddreg [dreg:$0x1];
	s3 =	simm.s32 $0x0  }
0x2: {  	s1 =	srdreg.scid;
	s9 =	stileid.u32;
	s11 =	simm.s32 $0x4  }
0x3: {  	s12 =	simm.s32 $0x80;
	s13 =	simm.s32 $0x100;
	s14 =	simm.s32 $0x4100  }
0x4: {  	s16 =	simm.s32 $0x5100;
	s17 =	simm.s32 $0x5900;
	s18 =	simm.s32 $0x6100  }
0x5: {  	s19 =	simm.s32 $0x6900;
	s20 =	simm.s32 $0x7100;
	s21 =	simm.s32 $0x7900  }
0x6: {  	s28 =	simm.s32 $0xA900;
	s29 =	simm.s32 $0xB100;
	s30 =	simm.s32 $0xB900  }
0x7: {  	s31 =	simm.s32 $0x1;
	[smem:$0x7FF] =	sst s3;
	s1 =	sand.u32 $0x1, s1  }
0x8: {  	s4 =	sadd.s32 $0x1920E00, s0;
	s2 =	sshll.u32 s9, $0x5;
	s6 =	sshll.u32 s9, $0xC  }
0x9: {  	s8 =	sshll.u32 s9, $0xD;
	s22 =	sshll.u32 s9, $0x1;
	_ =	strace $0x8000004D  }
0xa: {  	s5 =	ssub.s32 $0x2, s1;
	s2 =	sadd.s32 s2, s0;
	s6 =	sadd.s32 s6, s0  }
0xb: {  	s0 =	sadd.s32 s8, s0;
	[dreg:$0x3] =	wrdreg s22;
	s23 =	sshll.u32 s1, $0xC  }
0xc: {  	s24 =	sshll.u32 s1, $0xB;
	s1 =	sshll.u32 s1, $0x4;
	s22 =	simm.s32 $0x8100  }
0xd: {  	s7 =	sshrl.u32 s5, $0x1;
	s0 =	sadd.s32 s23, s0;
	s25 =	sadd.s32 s24, s6  }
0xe: {  	s1 =	sadd.s32 s1, s2;
	s23 =	simm.s32 $0x8900;
	s24 =	simm.s32 $0x9100  }
.Ltmp0:
0xf: {  	s2 =	simm.s32 $0x3;
	s6 =	simm.s32 $0x0;
	(pc) =	sbr.rel .LBB2_1-.Ltmp0, $4  }
0x10: {  	s5 =	ssub.s32 s5, s7;
	s0 =	sadd.s32 $0x42800, s0;
	s26 =	sadd.s32 $0x1996200, s25  }
0x11: {  	v2 =	vlaneseq.u32;
	s9 =	sadd.s32 $0x6C00, s1;
	s10 =	sadd.s32 $0x10A00, s1;
	[dreg:$0x5] =	wrdreg s0  }
0x12: {  	vm0 =	vmmov $0xffff;
	v1 =	vshrl.u32 v2, $0x3;
	s25 =	simm.s32 $0x9900;
	s5 =	smax.u32 s5, $0x1;
	[dreg:$0x6] =	wrdreg s26  }
0x13: {  	v0 =	vand.u32 $0x7, v2;
	v2 =	vor.u32 $0x8, v2;
	v1 =	vmul.u32 $0x8, v1;
	s26 =	simm.s32 $0xA100;
	s0 =	simm.s32 $0x2;
	[dreg:$0x4] =	wrdreg s5  }
.LBB2_5:
0x14: {  	s6 =	sadd.s32 $0x1, s6;
	s1 =	rddreg [dreg:$0x4]  }
0x15: {  	p0 =	sne.s32 s6, s1  }
.Ltmp1:
0x16: {  	_ = 	snop;
	(pc) =	sbr.rel @!p0 .LBB2_6-.Ltmp1, $1  }
0x17: {  	_ =	sdelay $0x3  }
.LBB2_1:
.Ltmp2:
0x18: {  	(pc) =	sbr.rel .LBB2_2-.Ltmp2, $4  }
0x19: {  	_ = 	snop  }
0x1a: {  	s5 =	rddreg [dreg:$0x3]  }
0x1b: {  	s8 =	rddreg [dreg:$0x6]  }
0x1c: {  	s7 =	rddreg [dreg:$0x5];
	s1 =	simm.s32 $0x0  }
.LBB2_4:
0x1d: {  	s1 =	sadd.s32 $0x200, s1  }
0x1e: {  	p0 =	sne.s32 s1, $0x9E00  }
.Ltmp3:
0x1f: {  	_ = 	snop;
	(pc) =	sbr.rel @!p0 .LBB2_5-.Ltmp3, $2  }
0x20: {  	_ =	sdelay $0x2  }
0x21: {  	s7 =	sadd.s32 $0x20000, s7;
	s8 =	sadd.s32 $0x10000, s8;
	s5 =	sadd.s32 $0x20, s5  }
.LBB2_2:
0x22: {  	p0 =	sgt.u32 s5, $0x9C3  }
.Ltmp4:
0x23: {  	_ = 	snop;
	(pc) =	sbr.rel @p0 .LBB2_4-.Ltmp4, $1  }
0x24: {  	_ =	sdelay $0x3  }
0x25: {  	s15 =	sadd.s32 s1, s10  }
0x26: {  	[tilespmem:s3], [sflag:$0x4] =	stream.linear.gather [hbm4b:s15+s3], $0x80, $0x38;
	[tilespmem:$0xC100] =	vst v63  }
0x27: {  	_ =	swait.ge [sflag:s11], $0x80  }
0x28: {  	[sflag:s11] =	ssyncset.done $0x0  }
0x29: {  	s15 =	sadd.s32 s1, s9;
	[sflag:s11] =	ssyncadd.s32 $0xFFFFFF80  }
0x2a: {  	[tilespmem:s12], [sflag:$0x4] =	stream.linear.gather [hbm4b:s15+s3], $0x80, $0x38;
	[tilespmem:$0xC100] =	vst v63  }
0x2b: {  	_ =	swait.ge [sflag:s11], $0x80  }
0x2c: {  	[sflag:s11] =	ssyncset.done $0x0  }
0x2d: {  	[sflag:s11] =	ssyncadd.s32 $0xFFFFFF80  }
0x2e: {  	s15 =	rddreg [dreg:$0x0]  }
0x2f: {  	[tilespmem:s13], [sflag:$0x1] =	stream.indirect.gather [hbm4b:s15+s12], $0x80, s3, s12, $0xb8;
	[tilespmem:$0xC100] =	vst v63  }
0x30: {  	v3 =	vld [tilespmem:$0x80];
	_ =	sdelay $0x4  }
0x31: {  	v4 =	vshll.u32 v3, $0x1  }
0x32: {  	v3 =	vand.u32 $0x7, v3;
	v4 =	vand.u32 $0xFFFFFFF0, v4  }
0x33: {  	v3 =	vor.u32 v3, v4  }
0x34: {  	v4 =	vperm.xlane v3, v0;
	_ =	sdelay $0x1  }
0x35: {  	v3 =	vperm.xlane v3, v2;
	v4 =	vadd.s32 v1, v4;
	_ =	sdelay $0x1  }
0x36: {  	v3 =	vadd.s32 v1, v3;
	_ =	sdelay $0x2  }
0x37: {  	[tilespmem:s14], [sflag:$0x2] =	stream.indirect_vreg.gather [hbm4b:s4+s3], $0x80, v4, vm0, $0xb8;
	[tilespmem:$0xC100] =	vst v63  }
0x38: {  	s15 =	simm.s32 $0x4900  }
0x39: {  	[tilespmem:s15], [sflag:$0x2] =	stream.indirect_vreg.gather [hbm4b:s4+s3], $0x80, v3, vm0, $0xb8;
	[tilespmem:$0xC100] =	vst v63  }
0x3a: {  	v3 =	vld [tilespmem:$0x90];
	_ =	sdelay $0x4  }
0x3b: {  	v57 =	vshll.u32 v3, $0x1  }
0x3c: {  	v3 =	vand.u32 $0x7, v3;
	v4 =	vand.u32 $0xFFFFFFF0, v57  }
0x3d: {  	v3 =	vor.u32 v3, v4  }
0x3e: {  	v4 =	vperm.xlane v3, v0;
	_ =	sdelay $0x1  }
0x3f: {  	v3 =	vperm.xlane v3, v2;
	v4 =	vadd.s32 v1, v4;
	_ =	sdelay $0x1  }
0x40: {  	v3 =	vadd.s32 v1, v3;
	_ =	sdelay $0x2  }
0x41: {  	[tilespmem:s16], [sflag:$0x2] =	stream.indirect_vreg.gather [hbm4b:s4+s3], $0x80, v4, vm0, $0xb8;
	[tilespmem:$0xC100] =	vst v63  }
0x42: {  	_ = 	snop  }
0x43: {  	[tilespmem:s17], [sflag:$0x2] =	stream.indirect_vreg.gather [hbm4b:s4+s3], $0x80, v3, vm0, $0xb8;
	[tilespmem:$0xC100] =	vst v63  }
0x44: {  	v3 =	vld [tilespmem:$0xA0];
	_ =	sdelay $0x4  }
0x45: {  	v58 =	vshll.u32 v3, $0x1  }
0x46: {  	v3 =	vand.u32 $0x7, v3;
	v4 =	vand.u32 $0xFFFFFFF0, v58  }
0x47: {  	v3 =	vor.u32 v3, v4  }
0x48: {  	v4 =	vperm.xlane v3, v0;
	_ =	sdelay $0x1  }
0x49: {  	v3 =	vperm.xlane v3, v2;
	v4 =	vadd.s32 v1, v4;
	_ =	sdelay $0x1  }
0x4a: {  	v3 =	vadd.s32 v1, v3;
	_ =	sdelay $0x2  }
0x4b: {  	[tilespmem:s18], [sflag:$0x2] =	stream.indirect_vreg.gather [hbm4b:s4+s3], $0x80, v4, vm0, $0xb8;
	[tilespmem:$0xC100] =	vst v63  }
0x4c: {  	_ = 	snop  }
0x4d: {  	[tilespmem:s19], [sflag:$0x2] =	stream.indirect_vreg.gather [hbm4b:s4+s3], $0x80, v3, vm0, $0xb8;
	[tilespmem:$0xC100] =	vst v63  }
0x4e: {  	v3 =	vld [tilespmem:$0xB0];
	_ =	sdelay $0x4  }
0x4f: {  	v59 =	vshll.u32 v3, $0x1  }
0x50: {  	v3 =	vand.u32 $0x7, v3;
	v4 =	vand.u32 $0xFFFFFFF0, v59  }
0x51: {  	v3 =	vor.u32 v3, v4  }
0x52: {  	v4 =	vperm.xlane v3, v0;
	_ =	sdelay $0x1  }
0x53: {  	v3 =	vperm.xlane v3, v2;
	v4 =	vadd.s32 v1, v4;
	_ =	sdelay $0x1  }
0x54: {  	v3 =	vadd.s32 v1, v3;
	_ =	sdelay $0x2  }
0x55: {  	[tilespmem:s20], [sflag:$0x2] =	stream.indirect_vreg.gather [hbm4b:s4+s3], $0x80, v4, vm0, $0xb8;
	[tilespmem:$0xC100] =	vst v63  }
0x56: {  	_ = 	snop  }
0x57: {  	[tilespmem:s21], [sflag:$0x2] =	stream.indirect_vreg.gather [hbm4b:s4+s3], $0x80, v3, vm0, $0xb8;
	[tilespmem:$0xC100] =	vst v63  }
0x58: {  	v3 =	vld [tilespmem:$0xC0];
	_ =	sdelay $0x4  }
0x59: {  	v60 =	vshll.u32 v3, $0x1  }
0x5a: {  	v3 =	vand.u32 $0x7, v3;
	v4 =	vand.u32 $0xFFFFFFF0, v60  }
0x5b: {  	v3 =	vor.u32 v3, v4  }
0x5c: {  	v4 =	vperm.xlane v3, v0;
	_ =	sdelay $0x1  }
0x5d: {  	v3 =	vperm.xlane v3, v2;
	v4 =	vadd.s32 v1, v4;
	_ =	sdelay $0x1  }
0x5e: {  	v3 =	vadd.s32 v1, v3;
	_ =	sdelay $0x2  }
0x5f: {  	[tilespmem:s22], [sflag:$0x2] =	stream.indirect_vreg.gather [hbm4b:s4+s3], $0x80, v4, vm0, $0xb8;
	[tilespmem:$0xC100] =	vst v63  }
0x60: {  	_ = 	snop  }
0x61: {  	[tilespmem:s23], [sflag:$0x2] =	stream.indirect_vreg.gather [hbm4b:s4+s3], $0x80, v3, vm0, $0xb8;
	[tilespmem:$0xC100] =	vst v63  }
0x62: {  	v3 =	vld [tilespmem:$0xD0];
	_ =	sdelay $0x4  }
0x63: {  	v61 =	vshll.u32 v3, $0x1  }
0x64: {  	v3 =	vand.u32 $0x7, v3;
	v4 =	vand.u32 $0xFFFFFFF0, v61  }
0x65: {  	v3 =	vor.u32 v3, v4  }
0x66: {  	v4 =	vperm.xlane v3, v0;
	_ =	sdelay $0x1  }
0x67: {  	v3 =	vperm.xlane v3, v2;
	v4 =	vadd.s32 v1, v4;
	_ =	sdelay $0x1  }
0x68: {  	v3 =	vadd.s32 v1, v3;
	_ =	sdelay $0x2  }
0x69: {  	[tilespmem:s24], [sflag:$0x2] =	stream.indirect_vreg.gather [hbm4b:s4+s3], $0x80, v4, vm0, $0xb8;
	[tilespmem:$0xC100] =	vst v63  }
0x6a: {  	_ = 	snop  }
0x6b: {  	[tilespmem:s25], [sflag:$0x2] =	stream.indirect_vreg.gather [hbm4b:s4+s3], $0x80, v3, vm0, $0xb8;
	[tilespmem:$0xC100] =	vst v63  }
0x6c: {  	v3 =	vld [tilespmem:$0xE0];
	_ =	sdelay $0x4  }
0x6d: {  	v62 =	vshll.u32 v3, $0x1  }
0x6e: {  	v3 =	vand.u32 $0x7, v3;
	v4 =	vand.u32 $0xFFFFFFF0, v62  }
0x6f: {  	v3 =	vor.u32 v3, v4  }
0x70: {  	v4 =	vperm.xlane v3, v0;
	_ =	sdelay $0x1  }
0x71: {  	v3 =	vperm.xlane v3, v2;
	v4 =	vadd.s32 v1, v4;
	_ =	sdelay $0x1  }
0x72: {  	v3 =	vadd.s32 v1, v3;
	_ =	sdelay $0x2  }
0x73: {  	[tilespmem:s26], [sflag:$0x2] =	stream.indirect_vreg.gather [hbm4b:s4+s3], $0x80, v4, vm0, $0xb8;
	[tilespmem:$0xC100] =	vst v63  }
0x74: {  	_ = 	snop  }
0x75: {  	[tilespmem:s28], [sflag:$0x2] =	stream.indirect_vreg.gather [hbm4b:s4+s3], $0x80, v3, vm0, $0xb8;
	[tilespmem:$0xC100] =	vst v63  }
0x76: {  	v3 =	vld [tilespmem:$0xF0];
	_ =	sdelay $0x4  }
0x77: {  	v63 =	vshll.u32 v3, $0x1  }
0x78: {  	v3 =	vand.u32 $0x7, v3;
	v4 =	vand.u32 $0xFFFFFFF0, v63  }
0x79: {  	v3 =	vor.u32 v3, v4  }
0x7a: {  	v4 =	vperm.xlane v3, v0;
	_ =	sdelay $0x1  }
0x7b: {  	v3 =	vperm.xlane v3, v2;
	v4 =	vadd.s32 v1, v4;
	_ =	sdelay $0x1  }
0x7c: {  	v3 =	vadd.s32 v1, v3;
	_ =	sdelay $0x2  }
0x7d: {  	[tilespmem:s29], [sflag:$0x2] =	stream.indirect_vreg.gather [hbm4b:s4+s3], $0x80, v4, vm0, $0xb8;
	[tilespmem:$0xC100] =	vst v63  }
0x7e: {  	_ = 	snop  }
0x7f: {  	[tilespmem:s30], [sflag:$0x2] =	stream.indirect_vreg.gather [hbm4b:s4+s3], $0x80, v3, vm0, $0xb8;
	[tilespmem:$0xC100] =	vst v63  }
0x80: {  	_ =	swait.ge [sflag:s31], $0x4000  }
0x81: {  	[sflag:s31] =	ssyncset.done $0x0  }
0x82: {  	[sflag:s31] =	ssyncadd.s32 $0xFFFFC000  }
0x83: {  	_ =	swait.ge [sflag:s0], $0x8000  }
0x84: {  	[sflag:s0] =	ssyncset.done $0x0  }
0x85: {  	[sflag:s0] =	ssyncadd.s32 $0xFFFF8000  }
0x86: {  	[hbm4b:s8+s3] =	stream.linear.scatter [tilespmem:s13], [sflag:$0x4], $0x4000, $0x38;
	[tilespmem:$0xC100] =	vst v63  }
0x87: {  	_ =	swait.ge [sflag:s11], $0x4000  }
0x88: {  	[sflag:s11] =	ssyncset.done $0x0  }
.Ltmp5:
0x89: {  	[sflag:s11] =	ssyncadd.s32 $0xFFFFC000;
	(pc) =	sbr.rel .LBB2_4-.Ltmp5, $4  }
0x8a: {  	[hbm4b:s7+s3] =	stream.linear.scatter [tilespmem:s14], [sflag:$0x3], $0x8000, $0x38;
	[tilespmem:$0xC100] =	vst v63  }
0x8b: {  	_ =	swait.ge [sflag:s2], $0x8000  }
0x8c: {  	[sflag:s2] =	ssyncset.done $0x0  }
0x8d: {  	[sflag:s2] =	ssyncadd.s32 $0xFFFF8000  }
.LBB2_6:
0x8e: {  	_ =	sfence.sel $0x180000  }
0x8f: {  	[bflag:$0x0] =	sbarrier.arrive $0xFFFF  }
0x90: {  	_ =	strace $0x9000004D  }
0x91: {  	s0 =	stileid.u32;
	[bflag:$0x2] =	sbarrier.arrive $0xFFFF  }
0x92: {  	p0 =	sne.s32 s0, $0x0;
	s0 =	rddreg [dreg:$0x2]  }
0x93: {  	s0 =	sadd.s32 @!p0 $0x100000, s0  }
0x94: {  	[sflag:s0] =	ssyncadd.tile.s32 @!p0 $0x1;
	_ =	shalt  }
.Lfunc_end2:
_tile_overlayer_lowered:
.L_overlay_start_2:
0x95: {  	(tag) =	ssettag $0x2  }
0x96: {  	s0 =	rddreg [dreg:$0x0];
	s2 =	stileid.u32  }
0x97: {  	s1 =	rddreg [dreg:$0x1];
	p0 =	sne.s32 s2, $0x0  }
0x98: {  	s3 =	rddreg [dreg:$0x2];
	[bflag:$0x3] =	sbarrier.arrive $0xFFFF;
	s2 =	simm.s32 @!p0 $0x1C03  }
0x99: {  	[timem:s3], [sflag:s2] =	dma.local @!p0 [hbm:s0], s1  }
0x9a: {  	s0 =	simm.s32 @!p0 $0x3  }
0x9b: {  	_ =	swait.ge @!p0 [sflag:s0], s1  }
0x9c: {  	s1 =	ssub.s32 @!p0 $0x0, s1;
	[sflag:s0] =	ssyncset.done @!p0 $0x0  }
0x9d: {  	[sflag:s0] =	ssyncadd.s32 @!p0 s1  }
0x9e: {  	[bflag:$0x3] =	sbarrier.arrive $0xFFFF  }
0x9f: {  	_ =	shalt  }

// kernel: kernel.21.cloned.1.call-start
scs
__scs_entry_jumppad:
0x0: {  	(pc) =	sbr.rel $0x88, $3  }
0x1: {  	(tag) =	ssettag $0x0;
	lr =	simm.s32 $0x1  }
0x2: {  	[smem:$0x3F88] =	sst lr;
	_ =	strace $0xD0000000  }
0x3: {  	_ = 	snop  }
0x4: {  	_ = 	snop  }
0x5: {  	_ = 	snop  }
0x6: {  	_ = 	snop  }
0x7: {  	_ = 	snop  }
__scs_overlays_trampoline_lowered:
0x8: {  	[smem:$0x3F97] =	sst s0  }
0x9: {  	[smem:$0x3F98] =	sst s1  }
0xa: {  	[smem:$0x3F99] =	sst s2  }
0xb: {  	[smem:$0x3F9A] =	sst s3  }
0xc: {  	[smem:$0x3F9B] =	sst s4  }
0xd: {  	[smem:$0x3F9C] =	sst s5  }
0xe: {  	[smem:$0x3F9D] =	sst s6  }
0xf: {  	[smem:$0x3F9E] =	sst s7  }
0x10: {  	[smem:$0x3F9F] =	sst s8  }
0x11: {  	[smem:$0x3FA0] =	sst s9;
	s0 =	simm.s32 @!p0 $0x0  }
0x12: {  	s1 =	sld [smem:$0x3F86];
	s0 =	simm.s32 @p0 $0x1  }
0x13: {  	[smem:$0x3FA1] =	sst s0;
	s0 =	simm.s32 @!p1 $0x0  }
0x14: {  	s2 =	sld [smem:$0x3F85];
	s0 =	simm.s32 @p1 $0x1  }
0x15: {  	[smem:$0x3FA2] =	sst s0;
	s0 =	simm.s32 @!p2 $0x0  }
0x16: {  	s3 =	sld [smem:$0x3FDB];
	s0 =	simm.s32 @p2 $0x1  }
0x17: {  	s4 =	simm.s32 $0x1BF5;
	[smem:$0x3FA4] =	sst s0  }
0x18: {  	s0 =	sld [smem:$0x3F87];
	_ =	swait.ge [sflag:s4], $0x0  }
0x19: {  	s7 =	sld [smem:$0x3F88]  }
0x1a: {  	s8 =	sadd.s32 $0xFFFFE003, lr  }
0x1b: {  	s9 =	sadd.s32 $0xFFFFFEF7, lr;
	s5 =	simm.s32 $0xFFFFFFFF;
	p2 =	slt.u32 s8, $0xFFFFF086  }
0x1c: {  	p1 =	slt.u32 s9, $0xF7A;
	s5 =	simm.s32 @!p2 $0x0  }
0x1d: {  	s5 =	simm.s32 @p1 $0x1;
	p0 =	seq.s32 s7, s2  }
0x1e: {  	s7 =	smul.u32 @!p0 $0xF7A, s2;
	p2 =	seq.s32 @!p0 s5, $0x0  }
0x1f: {  	s9 =	smul.u32 $0xF7A, s1;
	s8 =	simm.s32 @!p0 $0x1BF5;
	p2 =	por !p2, p0  }
0x20: {  	[sflag:s8] =	ssyncset.s32 @!p0 $0xFFFFF086;
	s6 =	sadd.s32 @!p0 s3, s7;
	s7 =	simm.s32 @!p0 $0x108  }
0x21: {  	s3 =	sadd.s32 s3, s9;
	s6 =	sadd.s32 @!p0 $0x88, s6;
	s7 =	simm.s32 @p2 $0x1082  }
0x22: {  	[simem:s7], [sflag:s8] =	dma.local @!p0 [hbm:s6], $0xF7A  }
0x23: {  	s9 =	sor.u32 $0xD0000000, s2;
	s6 =	simm.s32 $0x108;
	_ =	swait.ge @!p0 [sflag:s8], $0x0  }
0x24: {  	s3 =	sadd.s32 $0x88, s3;
	s6 =	simm.s32 @!p1 $0x1082;
	[sflag:s4] =	ssyncset.s32 $0xFFFFF086  }
0x25: {  	[simem:s6], [sflag:s4] =	dma.local [hbm:s3], $0xF7A  }
0x26: {  	[smem:$0x3F88] =	sst s1;
	(tag) =	ssettag s2;
	_ =	strace s9  }
0x27: {  	s1 =	sld [smem:$0x3F98]  }
0x28: {  	s2 =	sld [smem:$0x3F99]  }
0x29: {  	s4 =	sld [smem:$0x3F9B]  }
0x2a: {  	p0 =	seq.s32 s5, $0x0;
	s5 =	sld [smem:$0x3F9C]  }
0x2b: {  	s6 =	sld [smem:$0x3F9D]  }
0x2c: {  	s7 =	sld [smem:$0x3F9E]  }
0x2d: {  	s3 =	simm.s32 $0x108;
	s8 =	sld [smem:$0x3F9F]  }
0x2e: {  	s3 =	simm.s32 @!p0 $0x1082;
	s9 =	sld [smem:$0x3FA0]  }
0x2f: {  	lr =	sadd.s32 s0, s3;
	s0 =	sld [smem:$0x3F97]  }
0x30: {  	s3 =	sld [smem:$0x3F9A]  }
0x31: {  	[smem:$0x3FA3] =	sst s10  }
0x32: {  	s10 =	sld [smem:$0x3FA1];
	_ =	sdelay $0x3  }
0x33: {  	p0 =	seq.s32 s10, $0x1;
	s10 =	sld [smem:$0x3FA3];
	_ =	sdelay $0x3  }
0x34: {  	[smem:$0x3FA3] =	sst s10  }
0x35: {  	s10 =	sld [smem:$0x3FA2];
	_ =	sdelay $0x3  }
0x36: {  	p1 =	seq.s32 s10, $0x1;
	s10 =	sld [smem:$0x3FA3];
	_ =	sdelay $0x3  }
0x37: {  	[smem:$0x3FA3] =	sst s10  }
0x38: {  	s10 =	sld [smem:$0x3FA4]  }
0x39: {  	_ = 	snop;
	(pc) =	sbr.ind lr, $3  }
0x3a: {  	_ = 	snop  }
0x3b: {  	_ = 	snop  }
0x3c: {  	p2 =	seq.s32 s10, $0x1;
	s10 =	sld [smem:$0x3FA3]  }
0x3d: {  	_ =	shalt  }
0x3e: {  	_ =	shalt  }
0x3f: {  	_ =	shalt  }
0x40: {  	_ =	shalt  }
0x41: {  	_ =	shalt  }
0x42: {  	_ =	shalt  }
0x43: {  	_ =	shalt  }
0x44: {  	_ =	shalt  }
0x45: {  	_ =	shalt  }
0x46: {  	_ =	shalt  }
0x47: {  	_ =	shalt  }
0x48: {  	_ =	shalt  }
0x49: {  	_ =	shalt  }
0x4a: {  	_ =	shalt  }
0x4b: {  	_ =	shalt  }
0x4c: {  	_ =	shalt  }
0x4d: {  	_ =	shalt  }
0x4e: {  	_ =	shalt  }
0x4f: {  	_ =	shalt  }
0x50: {  	_ =	shalt  }
0x51: {  	_ =	shalt  }
0x52: {  	_ =	shalt  }
0x53: {  	_ =	shalt  }
0x54: {  	_ =	shalt  }
0x55: {  	_ =	shalt  }
0x56: {  	_ =	shalt  }
0x57: {  	_ =	shalt  }
0x58: {  	_ =	shalt  }
0x59: {  	_ =	shalt  }
0x5a: {  	_ =	shalt  }
0x5b: {  	_ =	shalt  }
0x5c: {  	_ =	shalt  }
0x5d: {  	_ =	shalt  }
0x5e: {  	_ =	shalt  }
0x5f: {  	_ =	shalt  }
0x60: {  	_ =	shalt  }
0x61: {  	_ =	shalt  }
0x62: {  	_ =	shalt  }
0x63: {  	_ =	shalt  }
0x64: {  	_ =	shalt  }
0x65: {  	_ =	shalt  }
0x66: {  	_ =	shalt  }
0x67: {  	_ =	shalt  }
0x68: {  	_ =	shalt  }
0x69: {  	_ =	shalt  }
0x6a: {  	_ =	shalt  }
0x6b: {  	_ =	shalt  }
0x6c: {  	_ =	shalt  }
0x6d: {  	_ =	shalt  }
0x6e: {  	_ =	shalt  }
0x6f: {  	_ =	shalt  }
0x70: {  	_ =	shalt  }
0x71: {  	_ =	shalt  }
0x72: {  	_ =	shalt  }
0x73: {  	_ =	shalt  }
0x74: {  	_ =	shalt  }
0x75: {  	_ =	shalt  }
0x76: {  	_ =	shalt  }
0x77: {  	_ =	shalt  }
0x78: {  	_ =	shalt  }
0x79: {  	_ =	shalt  }
0x7a: {  	_ =	shalt  }
0x7b: {  	_ =	shalt  }
0x7c: {  	_ =	shalt  }
0x7d: {  	_ =	shalt  }
0x7e: {  	_ =	shalt  }
0x7f: {  	_ =	shalt  }
0x80: {  	_ =	shalt  }
0x81: {  	_ =	shalt  }
0x82: {  	_ =	shalt  }
0x83: {  	_ =	shalt  }
0x84: {  	_ =	shalt  }
0x85: {  	_ =	shalt  }
0x86: {  	_ =	shalt  }
0x87: {  	_ =	shalt  }
.Lfunc_end0:
.L_simem_size_0:
called_computation.3_lowered:
.L_overlay_start_0:
0x88: {  	s2 =	sld [smem:$0x3FD9]  }
0x89: {  	s3 =	sld [smem:$0x3FFE];
	_ =	sdelay $0x1  }
0x8a: {  	s1 =	srdreg.scid  }
0x8b: {  	s0 =	sand.u32 $0x1, s1  }
0x8c: {  	s16 =	sshll.u32 s0, $0xA;
	s2 =	sadd.s32 s3, s2  }
0x8d: {  	s2 =	sadd.s32 s2, s16  }
0x8e: {  	[smem:$0x3FAF] =	sst s2  }
0x8f: {  	_ = 	snop  }
0x90: {  	(tm) =	ssettm $0x1  }
0x91: {  	s17 =	sld [smem:$0x3FFB];
	_ =	sdelay $0x3  }
0x92: {  	_ =	strace s17  }
0x93: {  	s2 =	sld [smem:$0x3FFC];
	_ =	sdelay $0x3  }
0x94: {  	_ =	strace s2  }
0x95: {  	s2 =	sld [smem:$0x3FFD];
	_ =	sdelay $0x3  }
0x96: {  	_ =	strace s2  }
0x97: {  	_ =	strace $0x8FFFFFFF  }
0x98: {  	s18 =	sld [smem:$0x3FDB];
	_ =	sdelay $0x1  }
0x99: {  	s19 =	simm.s32 $_scs_section_size  }
0x9a: {  	s4 =	simm.s32 $_size__tile_overlayer_lowered;
	s5 =	simm.s32 $_tile_overlayer_lowered  }
0x9b: {  	s22 =	simm.s32 $0x1BFF;
	s21 =	sshll.u32 s5, $0x1;
	s2 =	sadd.s32 s19, s18  }
0x9c: {  	s6 =	simm.s32 $0x0;
	s20 =	sshll.u32 s4, $0x1;
	s4 =	sadd.s32 s21, s2  }
0x9d: {  	[timem:s6], [sflag:s22] =	dma.local [hbm:s4], s20  }
0x9e: {  	_ =	swait.ge [sflag:s22], s20  }
0x9f: {  	s3 =	ssub.s32 $0x0, s20;
	[sflag:s22] =	ssyncset.done $0x0  }
0xa0: {  	[sflag:s22] =	ssyncadd.s32 s3;
	_ =	sdelay $0x1  }
0xa1: {  	s23 =	simm.s32 $0x1B8B  }
0xa2: {  	_ =	swait.ge [sflag:s23], $0x1  }
0xa3: {  	[sflag:s23] =	ssyncset.done $0x0  }
0xa4: {  	s25 =	simm.s32 $0x1B8E;
	s24 =	sld [smem:$0x3FFE];
	[sflag:s23] =	ssyncadd.s32 $0xFFFFFFFF  }
0xa5: {  	s26 =	simm.s32 $execute0_lowered;
	[smem:$0x3FD2] =	sst s25  }
0xa6: {  	s4 =	sshll.u32 s26, $0x1;
	_ =	strace $0x8000004F;
	[dreg:$0x1] =	wrdreg $0xFFFFFFFF  }
0xa7: {  	s28 =	simm.s32 $_size_execute0_lowered;
	s2 =	sadd.s32 s2, s4;
	[dreg:$0x0] =	wrdreg $0x0  }
0xa8: {  	s4 =	sshll.u32 s28, $0x1;
	[dreg:$0x2] =	wrdreg s2  }
0xa9: {  	[dreg:$0x3] =	wrdreg s4  }
0xaa: {  	[dreg:$0x4] =	wrdreg $0xC0  }
0xab: {  	_ =	task [dreg:s6], $0x5FFFF  }
0xac: {  	[dreg:$0x1] =	wrdreg $0xFFFFFFFF  }
0xad: {  	[dreg:$0x0] =	wrdreg $0x60  }
0xae: {  	[dreg:$0x2] =	wrdreg s24  }
0xaf: {  	[dreg:$0x3] =	wrdreg $0x40800  }
0xb0: {  	[dreg:$0x4] =	wrdreg $0x9  }
0xb1: {  	_ =	task.clear_ibuf [dreg:s6], $0x5FFFF;
	_ =	strace $0x9000004F  }
0xb2: {  	s29 =	simm.s32 $0x9;
	_ =	strace $0x80000051  }
0xb3: {  	_ =	swait.ge [sflag:s29], $0x1  }
0xb4: {  	[sflag:s29] =	ssyncadd.s32 $0xFFFFFFFF  }
0xb5: {  	_ =	strace $0x90000051  }
0xb6: {  	_ =	sfence  }
0xb7: {  	s30 =	sld [smem:$0x0];
	_ =	sdelay $0x2  }
0xb8: {  	s31 =	sshll.u32 s1, $0xD;
	s1 =	sshrl.u32 s1, $0x2  }
0xb9: {  	s3 =	sand.u32 $0x4000, s31;
	s1 =	sadd.s32 s1, s30  }
0xba: {  	s0 =	sor.u32 s3, s0;
	s1 =	sshll.u32 s1, $0x11  }
0xbb: {  	s0 =	sor.u32 s1, s0  }
0xbc: {  	s0 =	sadd.s32 $0x8F2B, s0  }
0xbd: {  	[sflag:s0] =	ssyncadd.remote.s32 $0x1  }
0xbe: {  	_ =	sfence.sel $0xFFFF  }
0xbf: {  	[dreg:$0x0] =	wrdreg $0xFFFFFFFF;
	(pc) =	sbr.abs _section_cstart, $3  }
0xc0: {  	[dreg:$0x1] =	wrdreg $0xFFFFFFFF  }
0xc1: {  	_ =	task.clear_ibuf [dreg:s6], $0x2FFFF;
	_ =	strace $0x9FFFFFFF  }
0xc2: {  	(tm) =	ssettm $0x7FFFFFFF  }
0xc3: {  	_ =	shalt  }
tec
execute0_lowered:
.L_overlay_start_1:
0x0: {  	(tag) =	ssettag $0x1  }
0x1: {  	s4 =	rddreg [dreg:$0x0]  }
0x2: {  	s2 =	rddreg [dreg:$0x1];
	s1 =	stileid.u32  }
0x3: {  	s0 =	rddreg [dreg:$0x2];
	s5 =	smul.u32 $0x4E800, s1  }
0x4: {  	s7 =	srdreg.scid;
	s6 =	smul.u32 $0x9D0, s1  }
0x5: {  	s3 =	simm.s32 $0x0;
	s13 =	smul.u32 $0x2800, s1;
	s7 =	sand.u32 $0x1, s7  }
0x6: {  	[smem:$0x7FF] =	sst s3;
	s28 =	smul.u32 $0x50000, s1;
	s31 =	sshll.u32 s1, $0x6  }
0x7: {  	s8 =	smul.u32 $0x28000, s7;
	_ =	strace $0x80000050;
	s11 =	ssub.s32 $0x2, s7  }
0x8: {  	p0 =	seq.s32 s7, $0x1;
	s10 =	sadd.s32 s5, s4;
	s9 =	sadd.s32 s6, s4  }
0x9: {  	s29 =	sadd.s32 s13, s4;
	s30 =	sshrl.u32 s11, $0x1;
	s6 =	smul.u32 $0x9D, s1  }
.Ltmp0:
0xa: {  	s5 =	sshrl.u32 s28, $0x2;
	s8 =	sadd.s32 s8, s4;
	(pc) =	sbr.rel .LBB2_1-.Ltmp0, $4  }
0xb: {  	s11 =	ssub.s32 s11, s30;
	s12 =	sadd.s32 s5, s2;
	s4 =	sadd.s32 $0x1A800, s29  }
0xc: {  	s5 =	sor.u32 $0x1C01, s31;
	s7 =	sadd.s32 $0x10A00, s9;
	s9 =	sadd.s32 $0x1E78200, s10  }
0xd: {  	s10 =	sadd.s32 $0xA06800, s10;
	s14 =	sadd.s32 $0x1996200, s8;
	s8 =	smax.u32 s11, $0x1  }
0xe: {  	s11 =	sshrl.u32 s12, $0x3;
	s12 =	simm.s32 $0x1;
	s13 =	sadd.s32 s13, s14  }
.LBB2_7:
0xf: {  	s15 =	simm.s32 @!p2 $0x0;
	s18 =	simm.s32 @!p2 $0x2;
	[sflag:s17] =	ssyncadd.s32 @!p1 $0xFFFFC000  }
0x10: {  	[tilespmem:s15], [sflag:$0x2] =	stream.linear.gather @!p2 [hbm4b:s16+s15], $0x80, $0x38;
	[tilespmem:$0x18080] =	vst v63  }
0x11: {  	_ =	swait.ge @!p2 [sflag:s18], $0x80  }
0x12: {  	p1 =	por p2, p2;
	[sflag:s18] =	ssyncset.done @!p2 $0x0  }
0x13: {  	s16 =	simm.s32 @!p1 $0x80;
	[sflag:s18] =	ssyncadd.s32 @!p1 $0xFFFFFF80  }
0x14: {  	[tilespmem:s16], [sflag:$0x2] =	stream.linear.gather @!p1 [hbm4b:s14+s15], $0x4000, $0x38;
	[tilespmem:$0x18080] =	vst v63  }
0x15: {  	_ =	swait.ge @!p1 [sflag:s18], $0x4000  }
0x16: {  	[sflag:s18] =	ssyncset.done @!p1 $0x0  }
0x17: {  	s14 =	simm.s32 @!p1 $0x1;
	[sflag:s18] =	ssyncadd.s32 @!p1 $0xFFFFC000  }
0x18: {  	[spmem:s2] =	stream.indirect.scatter.add.f32 @!p1 [tilespmem:s16], [sflag:$0x1], $0x80, s15, s16, $0xb8;
	[tilespmem:$0x18080] =	vst v63  }
0x19: {  	_ =	swait.ge @!p1 [sflag:s14], $0x4000  }
0x1a: {  	[sflag:s14] =	ssyncset.done @!p1 $0x0  }
0x1b: {  	[sflag:s14] =	ssyncadd.s32 @!p1 $0xFFFFC000  }
.LBB2_8:
0x1c: {  	s3 =	sadd.s32 $0x1, s3  }
0x1d: {  	p1 =	sne.s32 s3, s8  }
.Ltmp1:
0x1e: {  	[bflag:$0x0] =	sbarrier.arrive $0xFFFF;
	(pc) =	sbr.rel @!p1 .LBB2_9-.Ltmp1, $4  }
0x1f: {  	[hbm:s13], [sflag:s5] =	dma.local [spmem:s11], $0x2800  }
0x20: {  	_ =	swait.ge [sflag:s12], $0x2800  }
0x21: {  	[sflag:s12] =	ssyncset.done $0x0  }
0x22: {  	[sflag:s12] =	ssyncadd.s32 $0xFFFFD800  }
.LBB2_1:
0x23: {  	[spmem:s11], [sflag:s5] =	dma.local [hbm:s4], $0x2800  }
.Ltmp2:
0x24: {  	_ =	swait.ge [sflag:s12], $0x2800;
	(pc) =	sbr.rel @!p0 .LBB2_2-.Ltmp2, $4  }
0x25: {  	[sflag:s12] =	ssyncset.done $0x0  }
0x26: {  	[sflag:s12] =	ssyncadd.s32 $0xFFFFD800  }
0x27: {  	s14 =	sadd.s32 $0x0, s6;
	[bflag:$0x0] =	sbarrier.arrive $0xFFFF  }
0x28: {  	p1 =	sgt.u32 s14, $0x9C3  }
0x29: {  	s14 =	simm.s32 @!p1 $0x0;
	s16 =	simm.s32 @!p1 $0x2  }
0x2a: {  	[tilespmem:s14], [sflag:$0x2] =	stream.linear.gather @!p1 [hbm4b:s7+s14], $0x80, $0x38;
	[tilespmem:$0x18080] =	vst v63  }
0x2b: {  	_ =	swait.ge @!p1 [sflag:s16], $0x80  }
0x2c: {  	[sflag:s16] =	ssyncset.done @!p1 $0x0;
	p1 =	por p1, p1  }
0x2d: {  	[sflag:s16] =	ssyncadd.s32 @!p1 $0xFFFFFF80;
	s18 =	simm.s32 @!p1 $0x80  }
0x2e: {  	[tilespmem:s18], [sflag:$0x2] =	stream.linear.gather @!p1 [hbm4b:s10+s14], $0x4000, $0x38;
	[tilespmem:$0x18080] =	vst v63  }
0x2f: {  	_ =	swait.ge @!p1 [sflag:s16], $0x4000  }
0x30: {  	[sflag:s16] =	ssyncset.done @!p1 $0x0  }
0x31: {  	s31 =	sadd.s32 $0x1, s6;
	s17 =	simm.s32 @!p1 $0x1;
	[sflag:s16] =	ssyncadd.s32 @!p1 $0xFFFFC000  }
0x32: {  	[spmem:s2] =	stream.indirect.scatter.add.f32 @!p1 [tilespmem:s18], [sflag:$0x1], $0x80, s14, s18, $0xb8;
	[tilespmem:$0x18080] =	vst v63  }
0x33: {  	s15 =	simm.s32 $0x2;
	p2 =	sgt.u32 s31, $0x9C3;
	_ =	swait.ge @!p1 [sflag:s17], $0x4000  }
0x34: {  	s16 =	sadd.s32 $0x10, s7;
	s14 =	sadd.s32 $0x800, s10;
	[sflag:s17] =	ssyncset.done @!p1 $0x0  }
.LBB2_6:
0x35: {  	s18 =	simm.s32 @!p2 $0x0;
	s19 =	simm.s32 @!p2 $0x2;
	[sflag:s17] =	ssyncadd.s32 @!p1 $0xFFFFC000  }
0x36: {  	[tilespmem:s18], [sflag:$0x2] =	stream.linear.gather @!p2 [hbm4b:s16+s18], $0x80, $0x38;
	[tilespmem:$0x18080] =	vst v63  }
0x37: {  	s20 =	smov.u32 s15;
	s15 =	sadd.s32 $0x1, s15;
	_ =	swait.ge @!p2 [sflag:s19], $0x80  }
0x38: {  	p1 =	por p2, p2;
	p3 =	sne.s32 s15, $0x9D;
	[sflag:s19] =	ssyncset.done @!p2 $0x0  }
0x39: {  	s21 =	simm.s32 @!p1 $0x80;
	[sflag:s19] =	ssyncadd.s32 @!p1 $0xFFFFFF80  }
0x3a: {  	[tilespmem:s21], [sflag:$0x2] =	stream.linear.gather @!p1 [hbm4b:s14+s18], $0x4000, $0x38;
	[tilespmem:$0x18080] =	vst v63  }
0x3b: {  	_ =	swait.ge @!p1 [sflag:s19], $0x4000  }
.Ltmp3:
0x3c: {  	[sflag:s19] =	ssyncset.done @!p1 $0x0;
	(pc) =	sbr.rel @p3 .LBB2_6-.Ltmp3, $4  }
0x3d: {  	s17 =	simm.s32 @!p1 $0x1;
	[sflag:s19] =	ssyncadd.s32 @!p1 $0xFFFFC000  }
0x3e: {  	[spmem:s2] =	stream.indirect.scatter.add.f32 @!p1 [tilespmem:s21], [sflag:$0x1], $0x80, s18, s21, $0xb8;
	[tilespmem:$0x18080] =	vst v63  }
0x3f: {  	s14 =	sadd.s32 $0x800, s14;
	s18 =	sadd.s32 s20, s6;
	_ =	swait.ge @!p1 [sflag:s17], $0x4000  }
0x40: {  	s16 =	sadd.s32 $0x10, s16;
	p2 =	sgt.u32 s18, $0x9C3;
	[sflag:s17] =	ssyncset.done @!p1 $0x0  }
.Ltmp4:
0x41: {  	_ = 	snop;
	(pc) =	sbr.rel .LBB2_7-.Ltmp4, $1  }
0x42: {  	_ =	sdelay $0x3  }
.LBB2_2:
0x43: {  	s14 =	simm.s32 @!p1 $0x0;
	s16 =	simm.s32 @!p1 $0x2  }
0x44: {  	[tilespmem:s14], [sflag:$0x2] =	stream.linear.gather @!p1 [hbm4b:s7+s14], $0x80, $0x38;
	[tilespmem:$0x18080] =	vst v63  }
0x45: {  	_ =	swait.ge @!p1 [sflag:s16], $0x80  }
0x46: {  	[sflag:s16] =	ssyncset.done @!p1 $0x0;
	p1 =	por p1, p1  }
0x47: {  	[sflag:s16] =	ssyncadd.s32 @!p1 $0xFFFFFF80;
	s18 =	simm.s32 @!p1 $0x80  }
0x48: {  	[tilespmem:s18], [sflag:$0x2] =	stream.linear.gather @!p1 [hbm4b:s9+s14], $0x4000, $0x38;
	[tilespmem:$0x18080] =	vst v63  }
0x49: {  	_ =	swait.ge @!p1 [sflag:s16], $0x4000  }
0x4a: {  	[sflag:s16] =	ssyncset.done @!p1 $0x0  }
0x4b: {  	s31 =	sadd.s32 $0x1, s6;
	s17 =	simm.s32 @!p1 $0x1;
	[sflag:s16] =	ssyncadd.s32 @!p1 $0xFFFFC000  }
0x4c: {  	[spmem:s2] =	stream.indirect.scatter.add.f32 @!p1 [tilespmem:s18], [sflag:$0x1], $0x80, s14, s18, $0xb8;
	[tilespmem:$0x18080] =	vst v63  }
0x4d: {  	s15 =	simm.s32 $0x2;
	p2 =	sgt.u32 s31, $0x9C3;
	_ =	swait.ge @!p1 [sflag:s17], $0x4000  }
0x4e: {  	s16 =	sadd.s32 $0x10, s7;
	s14 =	sadd.s32 $0x800, s9;
	[sflag:s17] =	ssyncset.done @!p1 $0x0  }
.LBB2_3:
0x4f: {  	s18 =	simm.s32 @!p2 $0x0;
	s19 =	simm.s32 @!p2 $0x2;
	[sflag:s17] =	ssyncadd.s32 @!p1 $0xFFFFC000  }
0x50: {  	[tilespmem:s18], [sflag:$0x2] =	stream.linear.gather @!p2 [hbm4b:s16+s18], $0x80, $0x38;
	[tilespmem:$0x18080] =	vst v63  }
0x51: {  	s20 =	smov.u32 s15;
	s15 =	sadd.s32 $0x1, s15;
	_ =	swait.ge @!p2 [sflag:s19], $0x80  }
0x52: {  	p1 =	por p2, p2;
	p3 =	seq.s32 s15, $0x9D;
	[sflag:s19] =	ssyncset.done @!p2 $0x0  }
0x53: {  	s21 =	simm.s32 @!p1 $0x80;
	[sflag:s19] =	ssyncadd.s32 @!p1 $0xFFFFFF80  }
0x54: {  	[tilespmem:s21], [sflag:$0x2] =	stream.linear.gather @!p1 [hbm4b:s14+s18], $0x4000, $0x38;
	[tilespmem:$0x18080] =	vst v63  }
0x55: {  	_ =	swait.ge @!p1 [sflag:s19], $0x4000  }
.Ltmp5:
0x56: {  	[sflag:s19] =	ssyncset.done @!p1 $0x0;
	(pc) =	sbr.rel @!p3 .LBB2_3-.Ltmp5, $4  }
0x57: {  	s17 =	simm.s32 @!p1 $0x1;
	[sflag:s19] =	ssyncadd.s32 @!p1 $0xFFFFC000  }
0x58: {  	[spmem:s2] =	stream.indirect.scatter.add.f32 @!p1 [tilespmem:s21], [sflag:$0x1], $0x80, s18, s21, $0xb8;
	[tilespmem:$0x18080] =	vst v63  }
0x59: {  	s14 =	sadd.s32 $0x800, s14;
	s18 =	sadd.s32 s20, s6;
	_ =	swait.ge @!p1 [sflag:s17], $0x4000  }
0x5a: {  	s16 =	sadd.s32 $0x10, s16;
	p2 =	sgt.u32 s18, $0x9C3;
	[sflag:s17] =	ssyncset.done @!p1 $0x0  }
0x5b: {  	s15 =	simm.s32 @!p2 $0x0;
	s18 =	simm.s32 @!p2 $0x2;
	[sflag:s17] =	ssyncadd.s32 @!p1 $0xFFFFC000  }
0x5c: {  	[tilespmem:s15], [sflag:$0x2] =	stream.linear.gather @!p2 [hbm4b:s16+s15], $0x80, $0x38;
	[tilespmem:$0x18080] =	vst v63  }
0x5d: {  	_ =	swait.ge @!p2 [sflag:s18], $0x80  }
0x5e: {  	p1 =	por p2, p2;
	[sflag:s18] =	ssyncset.done @!p2 $0x0  }
0x5f: {  	s16 =	simm.s32 @!p1 $0x80;
	[sflag:s18] =	ssyncadd.s32 @!p1 $0xFFFFFF80  }
0x60: {  	[tilespmem:s16], [sflag:$0x2] =	stream.linear.gather @!p1 [hbm4b:s14+s15], $0x4000, $0x38;
	[tilespmem:$0x18080] =	vst v63  }
0x61: {  	_ =	swait.ge @!p1 [sflag:s18], $0x4000  }
0x62: {  	[sflag:s18] =	ssyncset.done @!p1 $0x0  }
.Ltmp6:
0x63: {  	s14 =	simm.s32 @!p1 $0x1;
	[sflag:s18] =	ssyncadd.s32 @!p1 $0xFFFFC000;
	(pc) =	sbr.rel .LBB2_8-.Ltmp6, $4  }
0x64: {  	[spmem:s2] =	stream.indirect.scatter.add.f32 @!p1 [tilespmem:s16], [sflag:$0x1], $0x80, s15, s16, $0xb8;
	[tilespmem:$0x18080] =	vst v63  }
0x65: {  	_ =	swait.ge @!p1 [sflag:s14], $0x4000  }
0x66: {  	[sflag:s14] =	ssyncset.done @!p1 $0x0  }
0x67: {  	[sflag:s14] =	ssyncadd.s32 @!p1 $0xFFFFC000  }
.LBB2_9:
0x68: {  	_ =	sfence.sel $0x180000  }
0x69: {  	[bflag:$0x0] =	sbarrier.arrive $0xFFFF  }
0x6a: {  	p0 =	sne.s32 s1, $0x0;
	_ =	strace $0x90000050  }
0x6b: {  	s0 =	sadd.s32 @!p0 $0x100000, s0;
	[bflag:$0x2] =	sbarrier.arrive $0xFFFF  }
0x6c: {  	[sflag:s0] =	ssyncadd.tile.s32 @!p0 $0x1;
	_ =	shalt  }
.Lfunc_end2:
_tile_overlayer_lowered:
.L_overlay_start_2:
0x6d: {  	(tag) =	ssettag $0x2  }
0x6e: {  	s0 =	rddreg [dreg:$0x0];
	s2 =	stileid.u32  }
0x6f: {  	s1 =	rddreg [dreg:$0x1];
	p0 =	sne.s32 s2, $0x0  }
0x70: {  	s3 =	rddreg [dreg:$0x2];
	[bflag:$0x3] =	sbarrier.arrive $0xFFFF;
	s2 =	simm.s32 @!p0 $0x1C01  }
0x71: {  	[timem:s3], [sflag:s2] =	dma.local @!p0 [hbm:s0], s1  }
0x72: {  	s0 =	simm.s32 @!p0 $0x1  }
0x73: {  	_ =	swait.ge @!p0 [sflag:s0], s1  }
0x74: {  	s1 =	ssub.s32 @!p0 $0x0, s1;
	[sflag:s0] =	ssyncset.done @!p0 $0x0  }
0x75: {  	[sflag:s0] =	ssyncadd.s32 @!p0 s1  }
0x76: {  	[bflag:$0x3] =	sbarrier.arrive $0xFFFF  }
0x77: {  	_ =	shalt  }

</sc_bundles>
